<compile_context>
chip_gen: v7x
topology: tpu7x:2x2x1
jax: 0.10.2.dev20260603
libtpu: 0.0.44.dev20260713+nightly
codegen_flags: <defaults>
</compile_context>

<pallas_src>
import functools
import jax
import jax.numpy as jnp
import numpy as np
from jax import lax
from jax.experimental import pallas as pl
from jax.experimental.pallas import tpu as pltpu
from jax.experimental.pallas import tpu_sc as plsc

_N = 100000
_EMB = 64
_NCAT = 9
_NF = 41
_PK = 128
_TOT = 174
_TROWS = 1203
_OA, _OB, _OC = 119, 839, 1199

_NW = 32
_RPW = 3136
_C = 96
_CT = 64
_NFULL = 32
_BLK = 3136


def _build_body(e0, e1, e2, e3, e4, e5, e6, e7, e8, w1_ref, t_ref):
    embcat = jnp.concatenate(
        [e0[...], e1[...], e2[...], e3[...], e4[...], e5[...], e6[...],
         e7[...], e8[...]], axis=0)
    f = jnp.dot(embcat, w1_ref[...], preferred_element_type=jnp.float32)
    rf = lax.broadcasted_iota(jnp.int32, (_TROWS, _TOT), 0).astype(jnp.float32)
    cf = lax.broadcasted_iota(jnp.int32, (_TROWS, _TOT), 1).astype(jnp.float32)

    def fdiv(v, d):
        return jnp.floor((v + 0.5) * (1.0 / d))

    m = (rf < _OA) & (cf == rf)

    ra = rf - _OA
    i1 = fdiv(ra, 144.0)
    rem = ra - i1 * 144.0
    i2 = fdiv(rem, 12.0)
    i3 = rem - i2 * 12.0
    in_a = (rf >= _OA) & (rf < _OB)
    m = m | (in_a & ((cf == 119.0 + i1) | (cf == 124.0 + i2)
                     | (cf == 136.0 + i3)))

    rb = rf - _OB
    j1 = fdiv(rb, 36.0)
    remb = rb - j1 * 36.0
    j2 = fdiv(remb, 6.0)
    j3 = remb - j2 * 6.0
    in_b = (rf >= _OB) & (rf < _OC)
    m = m | (in_b & ((cf == 148.0 + j1) | (cf == 158.0 + j2)
                     | (cf == 164.0 + j3)))

    rc = rf - _OC
    k1 = fdiv(rc, 2.0)
    k2 = rc - k1 * 2.0
    in_c = (rf >= _OC) & (rf < _OC + 4)
    m = m | (in_c & ((cf == 170.0 + k1) | (cf == 172.0 + k2)))

    sel = m.astype(jnp.float32)
    t_ref[...] = jnp.dot(sel, f, preferred_element_type=jnp.float32)


def _prep_body(x_ref, wcomb_ref, add_ref, pk_ref):
    pk_ref[...] = (jnp.dot(x_ref[...], wcomb_ref[...],
                           preferred_element_type=jnp.float32)
                   + add_ref[...])


def _sc_body(t_hbm, pk_hbm, out_hbm, t_v, pk0_v, pk1_v, ao0_v, ao1_v, sems):
    wid = lax.axis_index("s") * 2 + lax.axis_index("c")
    row0 = wid * _RPW
    is_last = wid == _NW - 1
    nfull = jnp.where(is_last, 29, _NFULL)
    pltpu.sync_copy(t_hbm, t_v)
    bufs = [(pk0_v, ao0_v), (pk1_v, ao1_v)]

    def start_in(r0, b, rows):
        pltpu.async_copy(pk_hbm.at[pl.ds(r0, rows)],
                         bufs[b][0].at[pl.ds(0, rows)], sems.at[b])

    def wait_in(b, rows):
        pltpu.make_async_copy(pk_hbm.at[pl.ds(0, rows)],
                              bufs[b][0].at[pl.ds(0, rows)],
                              sems.at[b]).wait()

    def start_out(r0, b, rows):
        pltpu.async_copy(bufs[b][1].at[pl.ds(0, rows)],
                         out_hbm.at[pl.ds(r0, rows)], sems.at[2 + b])

    def wait_out(b, rows):
        pltpu.make_async_copy(bufs[b][1].at[pl.ds(0, rows)],
                              out_hbm.at[pl.ds(0, rows)],
                              sems.at[2 + b]).wait()

    def compute(b, rows):
        pk_b, ao_b = bufs[b]

        def row_body(r):
            ivec = pk_b[r, pl.ds(_EMB, 16)].astype(jnp.int32)
            i0 = ivec[0]
            i1 = ivec[1]
            i2 = ivec[2]
            i3 = ivec[3]
            for k in range(4):
                o = k * 16
                ao_b[r, pl.ds(o, 16)] = (
                    pk_b[r, pl.ds(o, 16)]
                    + t_v[pl.ds(i0 + o, 16)]
                    + t_v[pl.ds(i1 + o, 16)]
                    + t_v[pl.ds(i2 + o, 16)]
                    + t_v[pl.ds(i3 + o, 16)])

        plsc.parallel_loop(0, rows, 1, unroll=4)(row_body)

    start_in(row0, 0, _C)
    start_in(row0 + _C, 1, _C)

    def chunk_body(ci, carry):
        def do(b):
            wait_in(b, _C)

            @pl.when(ci >= 2)
            def _():
                wait_out(b, _C)

            compute(b, _C)
            r0 = row0 + ci * _C
            start_out(r0, b, _C)

            @pl.when(ci + 2 < nfull)
            def _():
                start_in(row0 + (ci + 2) * _C, b, _C)

        @pl.when(ci % 2 == 0)
        def _():
            do(0)

        @pl.when(ci % 2 == 1)
        def _():
            do(1)

        return carry

    lax.fori_loop(0, nfull, chunk_body, 0)
    wait_out(0, _C)
    wait_out(1, _C)

    @pl.when(jnp.logical_not(is_last))
    def _():
        r0 = row0 + _NFULL * _C
        start_in(r0, 0, _CT)
        wait_in(0, _CT)
        compute(0, _CT)
        start_out(r0, 0, _CT)
        wait_out(0, _CT)


def kernel(x, emb0, emb1, emb2, emb3, emb4, emb5, emb6, emb7, emb8, W, b):
    n = x.shape[0]
    w1 = W[:_EMB]

    t = pl.pallas_call(
        _build_body,
        out_shape=jax.ShapeDtypeStruct((_TROWS, _EMB), jnp.float32),
    )(emb0, emb1, emb2, emb3, emb4, emb5, emb6, emb7, emb8, w1)

    wc_np = np.zeros((_NF, _PK), np.float32)
    wc_np[0, _EMB + 0] = 64.0
    wc_np[1, _EMB + 1], wc_np[2, _EMB + 1], wc_np[3, _EMB + 1] = (
        144.0 * 64, 12.0 * 64, 64.0)
    wc_np[4, _EMB + 2], wc_np[5, _EMB + 2], wc_np[6, _EMB + 2] = (
        36.0 * 64, 6.0 * 64, 64.0)
    wc_np[7, _EMB + 3], wc_np[8, _EMB + 3] = 2.0 * 64, 64.0
    wcomb = jnp.asarray(wc_np).at[_NCAT:, :_EMB].set(W[_EMB:])
    add_np = np.zeros((1, _PK), np.float32)
    add_np[0, _EMB:_EMB + 4] = [0.5, _OA * 64 + 0.5, _OB * 64 + 0.5,
                                _OC * 64 + 0.5]
    add = jnp.asarray(add_np).at[0, :_EMB].set(b)

    nb = (n + _BLK - 1) // _BLK
    pk = pl.pallas_call(
        _prep_body,
        grid=(nb,),
        in_specs=[
            pl.BlockSpec((_BLK, _NF), lambda i: (i, 0)),
            pl.BlockSpec((_NF, _PK), lambda i: (0, 0)),
            pl.BlockSpec((1, _PK), lambda i: (0, 0)),
        ],
        out_specs=pl.BlockSpec((_BLK, _PK), lambda i: (i, 0)),
        out_shape=jax.ShapeDtypeStruct((n, _PK), jnp.float32),
    )(x, wcomb, add)

    sc_fn = functools.partial(
        pl.kernel,
        mesh=plsc.VectorSubcoreMesh(core_axis_name="c", subcore_axis_name="s"),
        out_type=jax.ShapeDtypeStruct((n, _EMB), jnp.float32),
        scratch_types=[
            pltpu.VMEM((_TROWS * _EMB,), jnp.float32),
            pltpu.VMEM((_C, _PK), jnp.float32),
            pltpu.VMEM((_C, _PK), jnp.float32),
            pltpu.VMEM((_C, _EMB), jnp.float32),
            pltpu.VMEM((_C, _EMB), jnp.float32),
            pltpu.SemaphoreType.DMA((4,)),
        ],
    )(_sc_body)
    return sc_fn(t.reshape(-1), pk)

# --- scband reference (transcript-rebuilt; emitter-appended) ---
"""Pipeline reference for scband-atom-encoder-7928509628867 (READ-ONLY COPY).

The authoritative reference and input builder live on the scoring server;
editing this copy changes nothing except your own understanding.
"""

import jax, jax.numpy as jnp
import numpy as np

CAT_DIMS = [119, 5, 12, 12, 10, 6, 6, 2, 2]
EMB_DIM = 64
ADD_DIM = 32  # feature_dims[1]=0 + sigma_embed_dim=32 + lm_dim=0
N = 100000


def setup_inputs(seed: int = 0) -> dict:
    key = jax.random.key(seed)
    keys = jax.random.split(key, len(CAT_DIMS) + 2)
    # categorical columns stored as floats (as the torch module expects), then continuous features
    cat = jnp.stack([
        jax.random.randint(keys[i], (N,), 0, CAT_DIMS[i]).astype(jnp.float32)
        for i in range(len(CAT_DIMS))
    ], axis=1)
    cont = jax.random.uniform(keys[len(CAT_DIMS)], (N, ADD_DIM), dtype=jnp.float32)
    x = jnp.concatenate([cat, cont], axis=1)
    inp = {"x": x}
    # xavier_uniform embedding tables
    for i, d in enumerate(CAT_DIMS):
        limit = float(np.sqrt(6.0 / (d + EMB_DIM)))
        inp[f"emb{i}"] = jax.random.uniform(jax.random.fold_in(key, 100 + i), (d, EMB_DIM), minval=-limit, maxval=limit, dtype=jnp.float32)
    # linear layer: in = EMB_DIM + ADD_DIM, out = EMB_DIM (torch default init)
    fan_in = EMB_DIM + ADD_DIM
    lim = float(1.0 / np.sqrt(fan_in))
    inp["W"] = jax.random.uniform(jax.random.fold_in(key, 500), (fan_in, EMB_DIM), minval=-lim, maxval=lim, dtype=jnp.float32)
    inp["b"] = jax.random.uniform(jax.random.fold_in(key, 501), (EMB_DIM,), minval=-lim, maxval=lim, dtype=jnp.float32)
    return inp


def reference(x, emb0, emb1, emb2, emb3, emb4, emb5, emb6, emb7, emb8, W, b):
    tables = [emb0, emb1, emb2, emb3, emb4, emb5, emb6, emb7, emb8]
    ncat = len(tables)
    idx = x[:, :ncat].astype(jnp.int32)
    x_embedding = tables[0][idx[:, 0]]
    for i in range(1, ncat):
        x_embedding = x_embedding + tables[i][idx[:, i]]
    h = jnp.concatenate([x_embedding, x[:, ncat:]], axis=1)
    return h @ W + b

if __name__ == "__main__":
    import jax
    _d = setup_inputs()
    print(jax.jit(kernel)(*tuple(_d.values())))

</pallas_src>

<mosaic_0001>
#map = affine_map<(d0, d1) -> (0)>
#map1 = affine_map<(d0, d1) -> (0, 0)>
module attributes {stable_mosaic.version = 14 : i64} {
  func.func @_sc_body(%arg0: i32, %arg1: i32, %arg2: memref<76992xf32, #tpu.memory_space<hbm>>, %arg3: memref<100000x128xf32, #tpu.memory_space<hbm>>, %arg4: memref<100000x64xf32, #tpu.memory_space<hbm>>, %arg5: memref<76992xf32, #tpu.memory_space<vmem>>, %arg6: memref<96x128xf32, #tpu.memory_space<vmem>>, %arg7: memref<96x128xf32, #tpu.memory_space<vmem>>, %arg8: memref<96x64xf32, #tpu.memory_space<vmem>>, %arg9: memref<96x64xf32, #tpu.memory_space<vmem>>, %arg10: memref<4x!tpu.dma_semaphore, #tpu.memory_space<semaphore_mem>>) attributes {dimension_semantics = [#tpu.dimension_semantics<core_parallel>, #tpu.dimension_semantics<subcore_parallel>], iteration_bounds = array<i64: 2, 16>, scalar_prefetch = 0 : i64, scratch_operands = 6 : i64, tpu.core_type = #tpu.core_type<sc_vector_subcore>, window_params = [{transform_indices = #map}, {transform_indices = #map1}, {transform_indices = #map1}]} {
    %mul3A = arith.constant 2 : i32
    %mul3A_0 = arith.muli %arg1, %mul3A : i32
    %add3A = arith.addi %mul3A_0, %arg0 : i32
    %mul3A_1 = arith.constant 3136 : i32
    %mul3A_2 = arith.muli %add3A, %mul3A_1 : i32
    %eq3A = arith.constant 31 : i32
    %eq3A_3 = arith.cmpi eq, %add3A, %eq3A : i32
    %jit3A = arith.constant 29 : i32
    %jit3A_4 = arith.constant 32 : i32
    %select_n3A = arith.select %eq3A_3, %jit3A, %jit3A_4 : i32
    "tpu.region"() ({
      %run_scoped3A = tpu.sem_alloc : memref<!tpu.dma_semaphore, #tpu.memory_space<semaphore_mem>>
      tpu.enqueue_dma source(%arg2 : memref<76992xf32, #tpu.memory_space<hbm>>) target(%arg5 : memref<76992xf32, #tpu.memory_space<vmem>>) target_semaphore(%run_scoped3A : memref<!tpu.dma_semaphore, #tpu.memory_space<semaphore_mem>>)
      tpu.wait_dma2 semaphore(%run_scoped3A : memref<!tpu.dma_semaphore, #tpu.memory_space<semaphore_mem>>) src(%arg2 : memref<76992xf32, #tpu.memory_space<hbm>>) dst(%arg5 : memref<76992xf32, #tpu.memory_space<vmem>>)
      tpu.yield
    }) : () -> ()
    %dma_start3A = arith.constant 0 : i32
    %dma_start3A_5 = arith.constant 0 : i32
    %dma_start3A_6 = arith.constant 0 : i32
    %dma_start3A_7 = tpu.memref_slice %arg6[%dma_start3A_5, %dma_start3A_6] : memref<96x128xf32, #tpu.memory_space<vmem>> -> memref<96x128xf32, #tpu.memory_space<vmem>>
    %dma_start3A_8 = arith.constant 0 : i32
    %dma_start3A_9 = tpu.memref_slice %arg3[%mul3A_2, %dma_start3A_8] : memref<100000x128xf32, #tpu.memory_space<hbm>> -> memref<96x128xf32, #tpu.memory_space<hbm>>
    %dma_start3A_10 = tpu.memref_slice %arg10[%dma_start3A] : memref<4x!tpu.dma_semaphore, #tpu.memory_space<semaphore_mem>> -> memref<1x!tpu.dma_semaphore, #tpu.memory_space<semaphore_mem>>
    %dma_start3A_11 = tpu.memref_squeeze %dma_start3A_10 : memref<1x!tpu.dma_semaphore, #tpu.memory_space<semaphore_mem>> -> memref<!tpu.dma_semaphore, #tpu.memory_space<semaphore_mem>>
    %dma_start3A_12 = arith.constant 0 : i32
    %dma_start3A_13 = arith.constant 0 : i32
    %dma_start3A_14 = tpu.memref_slice %arg6[%dma_start3A_12, %dma_start3A_13] : memref<96x128xf32, #tpu.memory_space<vmem>> -> memref<96x128xf32, #tpu.memory_space<vmem>>
    %dma_start3A_15 = arith.constant 0 : i32
    %dma_start3A_16 = tpu.memref_slice %arg3[%mul3A_2, %dma_start3A_15] : memref<100000x128xf32, #tpu.memory_space<hbm>> -> memref<96x128xf32, #tpu.memory_space<hbm>>
    tpu.enqueue_dma source(%dma_start3A_16 : memref<96x128xf32, #tpu.memory_space<hbm>>) target(%dma_start3A_14 : memref<96x128xf32, #tpu.memory_space<vmem>>) target_semaphore(%dma_start3A_11 : memref<!tpu.dma_semaphore, #tpu.memory_space<semaphore_mem>>)
    %add3A_17 = arith.constant 96 : i32
    %add3A_18 = arith.addi %mul3A_2, %add3A_17 : i32
    %dma_start3A_19 = arith.constant 1 : i32
    %dma_start3A_20 = arith.constant 0 : i32
    %dma_start3A_21 = arith.constant 0 : i32
    %dma_start3A_22 = tpu.memref_slice %arg7[%dma_start3A_20, %dma_start3A_21] : memref<96x128xf32, #tpu.memory_space<vmem>> -> memref<96x128xf32, #tpu.memory_space<vmem>>
    %dma_start3A_23 = arith.constant 0 : i32
    %dma_start3A_24 = tpu.memref_slice %arg3[%add3A_18, %dma_start3A_23] : memref<100000x128xf32, #tpu.memory_space<hbm>> -> memref<96x128xf32, #tpu.memory_space<hbm>>
    %dma_start3A_25 = tpu.memref_slice %arg10[%dma_start3A_19] : memref<4x!tpu.dma_semaphore, #tpu.memory_space<semaphore_mem>> -> memref<1x!tpu.dma_semaphore, #tpu.memory_space<semaphore_mem>>
    %dma_start3A_26 = tpu.memref_squeeze %dma_start3A_25 : memref<1x!tpu.dma_semaphore, #tpu.memory_space<semaphore_mem>> -> memref<!tpu.dma_semaphore, #tpu.memory_space<semaphore_mem>>
    %dma_start3A_27 = arith.constant 0 : i32
    %dma_start3A_28 = arith.constant 0 : i32
    %dma_start3A_29 = tpu.memref_slice %arg7[%dma_start3A_27, %dma_start3A_28] : memref<96x128xf32, #tpu.memory_space<vmem>> -> memref<96x128xf32, #tpu.memory_space<vmem>>
    %dma_start3A_30 = arith.constant 0 : i32
    %dma_start3A_31 = tpu.memref_slice %arg3[%add3A_18, %dma_start3A_30] : memref<100000x128xf32, #tpu.memory_space<hbm>> -> memref<96x128xf32, #tpu.memory_space<hbm>>
    tpu.enqueue_dma source(%dma_start3A_31 : memref<96x128xf32, #tpu.memory_space<hbm>>) target(%dma_start3A_29 : memref<96x128xf32, #tpu.memory_space<vmem>>) target_semaphore(%dma_start3A_26 : memref<!tpu.dma_semaphore, #tpu.memory_space<semaphore_mem>>)
    %while3A = arith.constant 0 : i32
    %while3A_32 = arith.constant 0 : i32
    %while3A_33 = arith.subi %select_n3A, %while3A_32 : i32
    %while3A_34 = arith.addi %while3A_32, %while3A_33 : i32
    %while3A_35 = arith.constant 1 : i32
    %while3A_36 = arith.divsi %while3A_33, %while3A_35 : i32
    %while3A_37 = arith.muli %while3A_36, %while3A_35 : i32
    %while3A_38 = arith.addi %while3A_32, %while3A_37 : i32
    %while3A_39 = arith.constant 1 : i32
    scf.for %while3A_72 = %while3A_32 to %while3A_38 step %while3A_39  : i32 {
      %jit3A_73 = arith.constant 2 : i32
      %eq3A_74 = arith.constant 0 : i32
      %eq3A_75 = arith.cmpi eq, %jit3A_73, %eq3A_74 : i32
      %jit3A_76 = arith.constant 1 : i32
      %select_n3A_77 = arith.select %eq3A_75, %jit3A_76, %jit3A_73 : i32
      %rem3A = arith.remsi %while3A_72, %select_n3A_77 : i32
      %ne3A = arith.constant 0 : i32
      %ne3A_78 = arith.cmpi ne, %rem3A, %ne3A : i32
      %lt3A = arith.constant 0 : i32
      %lt3A_79 = arith.cmpi slt, %rem3A, %lt3A : i32
      %lt3A_80 = arith.constant 0 : i32
      %lt3A_81 = arith.cmpi slt, %select_n3A_77, %lt3A_80 : i32
      %ne3A_82 = arith.xori %lt3A_79, %lt3A_81 : i1
      %and3A = arith.andi %ne3A_82, %ne3A_78 : i1
      %add3A_83 = arith.addi %rem3A, %select_n3A_77 : i32
      %select_n3A_84 = arith.select %and3A, %add3A_83, %rem3A : i32
      %eq3A_85 = arith.constant 0 : i32
      %eq3A_86 = arith.cmpi eq, %select_n3A_84, %eq3A_85 : i32
      %convert_element_type3A_87 = arith.extui %eq3A_86 : i1 to i32
      %cond3A_88 = arith.constant 0 : i32
      %cond3A_89 = arith.cmpi ne, %convert_element_type3A_87, %cond3A_88 : i32
      scf.if %cond3A_89 {
        %dma_wait3A_111 = arith.constant 0 : i32
        %dma_wait3A_112 = arith.constant 0 : i32
        %dma_wait3A_113 = arith.constant 0 : i32
        %dma_wait3A_114 = tpu.memref_slice %arg6[%dma_wait3A_112, %dma_wait3A_113] : memref<96x128xf32, #tpu.memory_space<vmem>> -> memref<96x128xf32, #tpu.memory_space<vmem>>
        %dma_wait3A_115 = arith.constant 0 : i32
        %dma_wait3A_116 = arith.constant 0 : i32
        %dma_wait3A_117 = tpu.memref_slice %arg3[%dma_wait3A_115, %dma_wait3A_116] : memref<100000x128xf32, #tpu.memory_space<hbm>> -> memref<96x128xf32, #tpu.memory_space<hbm>>
        %dma_wait3A_118 = tpu.memref_slice %arg10[%dma_wait3A_111] : memref<4x!tpu.dma_semaphore, #tpu.memory_space<semaphore_mem>> -> memref<1x!tpu.dma_semaphore, #tpu.memory_space<semaphore_mem>>
        %dma_wait3A_119 = tpu.memref_squeeze %dma_wait3A_118 : memref<1x!tpu.dma_semaphore, #tpu.memory_space<semaphore_mem>> -> memref<!tpu.dma_semaphore, #tpu.memory_space<semaphore_mem>>
        %dma_wait3A_120 = arith.constant 0 : i32
        %dma_wait3A_121 = arith.constant 0 : i32
        %dma_wait3A_122 = tpu.memref_slice %arg6[%dma_wait3A_120, %dma_wait3A_121] : memref<96x128xf32, #tpu.memory_space<vmem>> -> memref<96x128xf32, #tpu.memory_space<vmem>>
        %dma_wait3A_123 = arith.constant 0 : i32
        %dma_wait3A_124 = arith.constant 0 : i32
        %dma_wait3A_125 = tpu.memref_slice %arg3[%dma_wait3A_123, %dma_wait3A_124] : memref<100000x128xf32, #tpu.memory_space<hbm>> -> memref<96x128xf32, #tpu.memory_space<hbm>>
        tpu.wait_dma2 semaphore(%dma_wait3A_119 : memref<!tpu.dma_semaphore, #tpu.memory_space<semaphore_mem>>) src(%dma_wait3A_125 : memref<96x128xf32, #tpu.memory_space<hbm>>) dst(%dma_wait3A_122 : memref<96x128xf32, #tpu.memory_space<vmem>>)
        %ge3A = arith.constant 2 : i32
        %ge3A_126 = arith.cmpi sge, %while3A_72, %ge3A : i32
        %convert_element_type3A_127 = arith.extui %ge3A_126 : i1 to i32
        %cond3A_128 = arith.constant 0 : i32
        %cond3A_129 = arith.cmpi ne, %convert_element_type3A_127, %cond3A_128 : i32
        scf.if %cond3A_129 {
          %dma_wait3A_154 = arith.constant 2 : i32
          %dma_wait3A_155 = arith.constant 0 : i32
          %dma_wait3A_156 = arith.constant 0 : i32
          %dma_wait3A_157 = tpu.memref_slice %arg8[%dma_wait3A_155, %dma_wait3A_156] : memref<96x64xf32, #tpu.memory_space<vmem>> -> memref<96x64xf32, #tpu.memory_space<vmem>>
          %dma_wait3A_158 = arith.constant 0 : i32
          %dma_wait3A_159 = arith.constant 0 : i32
          %dma_wait3A_160 = tpu.memref_slice %arg4[%dma_wait3A_158, %dma_wait3A_159] : memref<100000x64xf32, #tpu.memory_space<hbm>> -> memref<96x64xf32, #tpu.memory_space<hbm>>
          %dma_wait3A_161 = tpu.memref_slice %arg10[%dma_wait3A_154] : memref<4x!tpu.dma_semaphore, #tpu.memory_space<semaphore_mem>> -> memref<1x!tpu.dma_semaphore, #tpu.memory_space<semaphore_mem>>
          %dma_wait3A_162 = tpu.memref_squeeze %dma_wait3A_161 : memref<1x!tpu.dma_semaphore, #tpu.memory_space<semaphore_mem>> -> memref<!tpu.dma_semaphore, #tpu.memory_space<semaphore_mem>>
          %dma_wait3A_163 = arith.constant 0 : i32
          %dma_wait3A_164 = arith.constant 0 : i32
          %dma_wait3A_165 = tpu.memref_slice %arg4[%dma_wait3A_163, %dma_wait3A_164] : memref<100000x64xf32, #tpu.memory_space<hbm>> -> memref<96x64xf32, #tpu.memory_space<hbm>>
          %dma_wait3A_166 = arith.constant 0 : i32
          %dma_wait3A_167 = arith.constant 0 : i32
          %dma_wait3A_168 = tpu.memref_slice %arg8[%dma_wait3A_166, %dma_wait3A_167] : memref<96x64xf32, #tpu.memory_space<vmem>> -> memref<96x64xf32, #tpu.memory_space<vmem>>
          tpu.wait_dma2 semaphore(%dma_wait3A_162 : memref<!tpu.dma_semaphore, #tpu.memory_space<semaphore_mem>>) src(%dma_wait3A_168 : memref<96x64xf32, #tpu.memory_space<vmem>>) dst(%dma_wait3A_165 : memref<96x64xf32, #tpu.memory_space<hbm>>)
        } else {
        }
        %parallel_loop3A = arith.constant 0 : i32
        %parallel_loop3A_130 = arith.constant 96 : i32
        %parallel_loop3A_131 = arith.constant 1 : i32
        scf.for %parallel_loop3A_154 = %parallel_loop3A to %parallel_loop3A_130 step %parallel_loop3A_131  : i32 {
          %parallel_loop3A_155 = arith.index_cast %parallel_loop3A_154 : i32 to index
          %parallel_loop3A_156 = arith.constant 64 : index
          %parallel_loop3A_157 = tpu.vector_load %arg6[%parallel_loop3A_155, %parallel_loop3A_156] {strides = array<i32>} : memref<96x128xf32, #tpu.memory_space<vmem>>, vector<1x16xf32>,
          %parallel_loop3A_158 = vector.shape_cast %parallel_loop3A_157 : vector<1x16xf32> to vector<16xf32>
          %parallel_loop3A_159 = arith.fptosi %parallel_loop3A_158 : vector<16xf32> to vector<16xi32>
          %parallel_loop3A_160 = vector.extract_strided_slice %parallel_loop3A_159 {offsets = [0], sizes = [1], strides = [1]} : vector<16xi32> to vector<1xi32>
          %parallel_loop3A_161 = vector.extract %parallel_loop3A_160[0] : i32 from vector<1xi32>
          %parallel_loop3A_162 = vector.extract_strided_slice %parallel_loop3A_159 {offsets = [1], sizes = [1], strides = [1]} : vector<16xi32> to vector<1xi32>
          %parallel_loop3A_163 = vector.extract %parallel_loop3A_162[0] : i32 from vector<1xi32>
          %parallel_loop3A_164 = vector.extract_strided_slice %parallel_loop3A_159 {offsets = [2], sizes = [1], strides = [1]} : vector<16xi32> to vector<1xi32>
          %parallel_loop3A_165 = vector.extract %parallel_loop3A_164[0] : i32 from vector<1xi32>
          %parallel_loop3A_166 = vector.extract_strided_slice %parallel_loop3A_159 {offsets = [3], sizes = [1], strides = [1]} : vector<16xi32> to vector<1xi32>
          %parallel_loop3A_167 = vector.extract %parallel_loop3A_166[0] : i32 from vector<1xi32>
          %parallel_loop3A_168 = arith.index_cast %parallel_loop3A_154 : i32 to index
          %parallel_loop3A_169 = arith.constant 0 : index
          %parallel_loop3A_170 = tpu.vector_load %arg6[%parallel_loop3A_168, %parallel_loop3A_169] {strides = array<i32>} : memref<96x128xf32, #tpu.memory_space<vmem>>, vector<1x16xf32>,
          %parallel_loop3A_171 = vector.shape_cast %parallel_loop3A_170 : vector<1x16xf32> to vector<16xf32>
          %parallel_loop3A_172 = arith.constant 0 : i32
          %parallel_loop3A_173 = arith.addi %parallel_loop3A_161, %parallel_loop3A_172 : i32
          %parallel_loop3A_174 = arith.index_cast %parallel_loop3A_173 : i32 to index
          %parallel_loop3A_175 = tpu.vector_load %arg5[%parallel_loop3A_174] {strides = array<i32>} : memref<76992xf32, #tpu.memory_space<vmem>>, vector<16xf32>,
          %parallel_loop3A_176 = vector.shape_cast %parallel_loop3A_175 : vector<16xf32> to vector<16xf32>
          %parallel_loop3A_177 = arith.addf %parallel_loop3A_171, %parallel_loop3A_176 : vector<16xf32>
          %parallel_loop3A_178 = arith.constant 0 : i32
          %parallel_loop3A_179 = arith.addi %parallel_loop3A_163, %parallel_loop3A_178 : i32
          %parallel_loop3A_180 = arith.index_cast %parallel_loop3A_179 : i32 to index
          %parallel_loop3A_181 = tpu.vector_load %arg5[%parallel_loop3A_180] {strides = array<i32>} : memref<76992xf32, #tpu.memory_space<vmem>>, vector<16xf32>,
          %parallel_loop3A_182 = vector.shape_cast %parallel_loop3A_181 : vector<16xf32> to vector<16xf32>
          %parallel_loop3A_183 = arith.addf %parallel_loop3A_177, %parallel_loop3A_182 : vector<16xf32>
          %parallel_loop3A_184 = arith.constant 0 : i32
          %parallel_loop3A_185 = arith.addi %parallel_loop3A_165, %parallel_loop3A_184 : i32
          %parallel_loop3A_186 = arith.index_cast %parallel_loop3A_185 : i32 to index
          %parallel_loop3A_187 = tpu.vector_load %arg5[%parallel_loop3A_186] {strides = array<i32>} : memref<76992xf32, #tpu.memory_space<vmem>>, vector<16xf32>,
          %parallel_loop3A_188 = vector.shape_cast %parallel_loop3A_187 : vector<16xf32> to vector<16xf32>
          %parallel_loop3A_189 = arith.addf %parallel_loop3A_183, %parallel_loop3A_188 : vector<16xf32>
          %parallel_loop3A_190 = arith.constant 0 : i32
          %parallel_loop3A_191 = arith.addi %parallel_loop3A_167, %parallel_loop3A_190 : i32
          %parallel_loop3A_192 = arith.index_cast %parallel_loop3A_191 : i32 to index
          %parallel_loop3A_193 = tpu.vector_load %arg5[%parallel_loop3A_192] {strides = array<i32>} : memref<76992xf32, #tpu.memory_space<vmem>>, vector<16xf32>,
          %parallel_loop3A_194 = vector.shape_cast %parallel_loop3A_193 : vector<16xf32> to vector<16xf32>
          %parallel_loop3A_195 = arith.addf %parallel_loop3A_189, %parallel_loop3A_194 : vector<16xf32>
          %parallel_loop3A_196 = arith.index_cast %parallel_loop3A_154 : i32 to index
          %parallel_loop3A_197 = arith.constant 0 : index
          %parallel_loop3A_198 = tpu.vector_load %arg8[%parallel_loop3A_196, %parallel_loop3A_197] {strides = array<i32>} : memref<96x64xf32, #tpu.memory_space<vmem>>, vector<1x16xf32>,
          %parallel_loop3A_199 = vector.shape_cast %parallel_loop3A_198 : vector<1x16xf32> to vector<16xf32>
          %parallel_loop3A_200 = vector.shape_cast %parallel_loop3A_195 : vector<16xf32> to vector<1x16xf32>
          tpu.vector_store %arg8[%parallel_loop3A_196, %parallel_loop3A_197], %parallel_loop3A_200 {strides = array<i32>} : memref<96x64xf32, #tpu.memory_space<vmem>>, vector<1x16xf32>,
          %parallel_loop3A_201 = arith.index_cast %parallel_loop3A_154 : i32 to index
          %parallel_loop3A_202 = arith.constant 16 : index
          %parallel_loop3A_203 = tpu.vector_load %arg6[%parallel_loop3A_201, %parallel_loop3A_202] {strides = array<i32>} : memref<96x128xf32, #tpu.memory_space<vmem>>, vector<1x16xf32>,
          %parallel_loop3A_204 = vector.shape_cast %parallel_loop3A_203 : vector<1x16xf32> to vector<16xf32>
          %parallel_loop3A_205 = arith.constant 16 : i32
          %parallel_loop3A_206 = arith.addi %parallel_loop3A_161, %parallel_loop3A_205 : i32
          %parallel_loop3A_207 = arith.index_cast %parallel_loop3A_206 : i32 to index
          %parallel_loop3A_208 = tpu.vector_load %arg5[%parallel_loop3A_207] {strides = array<i32>} : memref<76992xf32, #tpu.memory_space<vmem>>, vector<16xf32>,
          %parallel_loop3A_209 = vector.shape_cast %parallel_loop3A_208 : vector<16xf32> to vector<16xf32>
          %parallel_loop3A_210 = arith.addf %parallel_loop3A_204, %parallel_loop3A_209 : vector<16xf32>
          %parallel_loop3A_211 = arith.constant 16 : i32
          %parallel_loop3A_212 = arith.addi %parallel_loop3A_163, %parallel_loop3A_211 : i32
          %parallel_loop3A_213 = arith.index_cast %parallel_loop3A_212 : i32 to index
          %parallel_loop3A_214 = tpu.vector_load %arg5[%parallel_loop3A_213] {strides = array<i32>} : memref<76992xf32, #tpu.memory_space<vmem>>, vector<16xf32>,
          %parallel_loop3A_215 = vector.shape_cast %parallel_loop3A_214 : vector<16xf32> to vector<16xf32>
          %parallel_loop3A_216 = arith.addf %parallel_loop3A_210, %parallel_loop3A_215 : vector<16xf32>
          %parallel_loop3A_217 = arith.constant 16 : i32
          %parallel_loop3A_218 = arith.addi %parallel_loop3A_165, %parallel_loop3A_217 : i32
          %parallel_loop3A_219 = arith.index_cast %parallel_loop3A_218 : i32 to index
          %parallel_loop3A_220 = tpu.vector_load %arg5[%parallel_loop3A_219] {strides = array<i32>} : memref<76992xf32, #tpu.memory_space<vmem>>, vector<16xf32>,
          %parallel_loop3A_221 = vector.shape_cast %parallel_loop3A_220 : vector<16xf32> to vector<16xf32>
          %parallel_loop3A_222 = arith.addf %parallel_loop3A_216, %parallel_loop3A_221 : vector<16xf32>
          %parallel_loop3A_223 = arith.constant 16 : i32
          %parallel_loop3A_224 = arith.addi %parallel_loop3A_167, %parallel_loop3A_223 : i32
          %parallel_loop3A_225 = arith.index_cast %parallel_loop3A_224 : i32 to index
          %parallel_loop3A_226 = tpu.vector_load %arg5[%parallel_loop3A_225] {strides = array<i32>} : memref<76992xf32, #tpu.memory_space<vmem>>, vector<16xf32>,
          %parallel_loop3A_227 = vector.shape_cast %parallel_loop3A_226 : vector<16xf32> to vector<16xf32>
          %parallel_loop3A_228 = arith.addf %parallel_loop3A_222, %parallel_loop3A_227 : vector<16xf32>
          %parallel_loop3A_229 = arith.index_cast %parallel_loop3A_154 : i32 to index
          %parallel_loop3A_230 = arith.constant 16 : index
          %parallel_loop3A_231 = tpu.vector_load %arg8[%parallel_loop3A_229, %parallel_loop3A_230] {strides = array<i32>} : memref<96x64xf32, #tpu.memory_space<vmem>>, vector<1x16xf32>,
          %parallel_loop3A_232 = vector.shape_cast %parallel_loop3A_231 : vector<1x16xf32> to vector<16xf32>
          %parallel_loop3A_233 = vector.shape_cast %parallel_loop3A_228 : vector<16xf32> to vector<1x16xf32>
          tpu.vector_store %arg8[%parallel_loop3A_229, %parallel_loop3A_230], %parallel_loop3A_233 {strides = array<i32>} : memref<96x64xf32, #tpu.memory_space<vmem>>, vector<1x16xf32>,
          %parallel_loop3A_234 = arith.index_cast %parallel_loop3A_154 : i32 to index
          %parallel_loop3A_235 = arith.constant 32 : index
          %parallel_loop3A_236 = tpu.vector_load %arg6[%parallel_loop3A_234, %parallel_loop3A_235] {strides = array<i32>} : memref<96x128xf32, #tpu.memory_space<vmem>>, vector<1x16xf32>,
          %parallel_loop3A_237 = vector.shape_cast %parallel_loop3A_236 : vector<1x16xf32> to vector<16xf32>
          %parallel_loop3A_238 = arith.constant 32 : i32
          %parallel_loop3A_239 = arith.addi %parallel_loop3A_161, %parallel_loop3A_238 : i32
          %parallel_loop3A_240 = arith.index_cast %parallel_loop3A_239 : i32 to index
          %parallel_loop3A_241 = tpu.vector_load %arg5[%parallel_loop3A_240] {strides = array<i32>} : memref<76992xf32, #tpu.memory_space<vmem>>, vector<16xf32>,
          %parallel_loop3A_242 = vector.shape_cast %parallel_loop3A_241 : vector<16xf32> to vector<16xf32>
          %parallel_loop3A_243 = arith.addf %parallel_loop3A_237, %parallel_loop3A_242 : vector<16xf32>
          %parallel_loop3A_244 = arith.constant 32 : i32
          %parallel_loop3A_245 = arith.addi %parallel_loop3A_163, %parallel_loop3A_244 : i32
          %parallel_loop3A_246 = arith.index_cast %parallel_loop3A_245 : i32 to index
          %parallel_loop3A_247 = tpu.vector_load %arg5[%parallel_loop3A_246] {strides = array<i32>} : memref<76992xf32, #tpu.memory_space<vmem>>, vector<16xf32>,
          %parallel_loop3A_248 = vector.shape_cast %parallel_loop3A_247 : vector<16xf32> to vector<16xf32>
          %parallel_loop3A_249 = arith.addf %parallel_loop3A_243, %parallel_loop3A_248 : vector<16xf32>
          %parallel_loop3A_250 = arith.constant 32 : i32
          %parallel_loop3A_251 = arith.addi %parallel_loop3A_165, %parallel_loop3A_250 : i32
          %parallel_loop3A_252 = arith.index_cast %parallel_loop3A_251 : i32 to index
          %parallel_loop3A_253 = tpu.vector_load %arg5[%parallel_loop3A_252] {strides = array<i32>} : memref<76992xf32, #tpu.memory_space<vmem>>, vector<16xf32>,
          %parallel_loop3A_254 = vector.shape_cast %parallel_loop3A_253 : vector<16xf32> to vector<16xf32>
          %parallel_loop3A_255 = arith.addf %parallel_loop3A_249, %parallel_loop3A_254 : vector<16xf32>
          %parallel_loop3A_256 = arith.constant 32 : i32
          %parallel_loop3A_257 = arith.addi %parallel_loop3A_167, %parallel_loop3A_256 : i32
          %parallel_loop3A_258 = arith.index_cast %parallel_loop3A_257 : i32 to index
          %parallel_loop3A_259 = tpu.vector_load %arg5[%parallel_loop3A_258] {strides = array<i32>} : memref<76992xf32, #tpu.memory_space<vmem>>, vector<16xf32>,
          %parallel_loop3A_260 = vector.shape_cast %parallel_loop3A_259 : vector<16xf32> to vector<16xf32>
          %parallel_loop3A_261 = arith.addf %parallel_loop3A_255, %parallel_loop3A_260 : vector<16xf32>
          %parallel_loop3A_262 = arith.index_cast %parallel_loop3A_154 : i32 to index
          %parallel_loop3A_263 = arith.constant 32 : index
          %parallel_loop3A_264 = tpu.vector_load %arg8[%parallel_loop3A_262, %parallel_loop3A_263] {strides = array<i32>} : memref<96x64xf32, #tpu.memory_space<vmem>>, vector<1x16xf32>,
          %parallel_loop3A_265 = vector.shape_cast %parallel_loop3A_264 : vector<1x16xf32> to vector<16xf32>
          %parallel_loop3A_266 = vector.shape_cast %parallel_loop3A_261 : vector<16xf32> to vector<1x16xf32>
          tpu.vector_store %arg8[%parallel_loop3A_262, %parallel_loop3A_263], %parallel_loop3A_266 {strides = array<i32>} : memref<96x64xf32, #tpu.memory_space<vmem>>, vector<1x16xf32>,
          %parallel_loop3A_267 = arith.index_cast %parallel_loop3A_154 : i32 to index
          %parallel_loop3A_268 = arith.constant 48 : index
          %parallel_loop3A_269 = tpu.vector_load %arg6[%parallel_loop3A_267, %parallel_loop3A_268] {strides = array<i32>} : memref<96x128xf32, #tpu.memory_space<vmem>>, vector<1x16xf32>,
          %parallel_loop3A_270 = vector.shape_cast %parallel_loop3A_269 : vector<1x16xf32> to vector<16xf32>
          %parallel_loop3A_271 = arith.constant 48 : i32
          %parallel_loop3A_272 = arith.addi %parallel_loop3A_161, %parallel_loop3A_271 : i32
          %parallel_loop3A_273 = arith.index_cast %parallel_loop3A_272 : i32 to index
          %parallel_loop3A_274 = tpu.vector_load %arg5[%parallel_loop3A_273] {strides = array<i32>} : memref<76992xf32, #tpu.memory_space<vmem>>, vector<16xf32>,
          %parallel_loop3A_275 = vector.shape_cast %parallel_loop3A_274 : vector<16xf32> to vector<16xf32>
          %parallel_loop3A_276 = arith.addf %parallel_loop3A_270, %parallel_loop3A_275 : vector<16xf32>
          %parallel_loop3A_277 = arith.constant 48 : i32
          %parallel_loop3A_278 = arith.addi %parallel_loop3A_163, %parallel_loop3A_277 : i32
          %parallel_loop3A_279 = arith.index_cast %parallel_loop3A_278 : i32 to index
          %parallel_loop3A_280 = tpu.vector_load %arg5[%parallel_loop3A_279] {strides = array<i32>} : memref<76992xf32, #tpu.memory_space<vmem>>, vector<16xf32>,
          %parallel_loop3A_281 = vector.shape_cast %parallel_loop3A_280 : vector<16xf32> to vector<16xf32>
          %parallel_loop3A_282 = arith.addf %parallel_loop3A_276, %parallel_loop3A_281 : vector<16xf32>
          %parallel_loop3A_283 = arith.constant 48 : i32
          %parallel_loop3A_284 = arith.addi %parallel_loop3A_165, %parallel_loop3A_283 : i32
          %parallel_loop3A_285 = arith.index_cast %parallel_loop3A_284 : i32 to index
          %parallel_loop3A_286 = tpu.vector_load %arg5[%parallel_loop3A_285] {strides = array<i32>} : memref<76992xf32, #tpu.memory_space<vmem>>, vector<16xf32>,
          %parallel_loop3A_287 = vector.shape_cast %parallel_loop3A_286 : vector<16xf32> to vector<16xf32>
          %parallel_loop3A_288 = arith.addf %parallel_loop3A_282, %parallel_loop3A_287 : vector<16xf32>
          %parallel_loop3A_289 = arith.constant 48 : i32
          %parallel_loop3A_290 = arith.addi %parallel_loop3A_167, %parallel_loop3A_289 : i32
          %parallel_loop3A_291 = arith.index_cast %parallel_loop3A_290 : i32 to index
          %parallel_loop3A_292 = tpu.vector_load %arg5[%parallel_loop3A_291] {strides = array<i32>} : memref<76992xf32, #tpu.memory_space<vmem>>, vector<16xf32>,
          %parallel_loop3A_293 = vector.shape_cast %parallel_loop3A_292 : vector<16xf32> to vector<16xf32>
          %parallel_loop3A_294 = arith.addf %parallel_loop3A_288, %parallel_loop3A_293 : vector<16xf32>
          %parallel_loop3A_295 = arith.index_cast %parallel_loop3A_154 : i32 to index
          %parallel_loop3A_296 = arith.constant 48 : index
          %parallel_loop3A_297 = tpu.vector_load %arg8[%parallel_loop3A_295, %parallel_loop3A_296] {strides = array<i32>} : memref<96x64xf32, #tpu.memory_space<vmem>>, vector<1x16xf32>,
          %parallel_loop3A_298 = vector.shape_cast %parallel_loop3A_297 : vector<1x16xf32> to vector<16xf32>
          %parallel_loop3A_299 = vector.shape_cast %parallel_loop3A_294 : vector<16xf32> to vector<1x16xf32>
          tpu.vector_store %arg8[%parallel_loop3A_295, %parallel_loop3A_296], %parallel_loop3A_299 {strides = array<i32>} : memref<96x64xf32, #tpu.memory_space<vmem>>, vector<1x16xf32>,
        } {sc.loop_unroll_factor = 4 : i64, sc.parallel_access}
        %mul3A_132 = arith.constant 96 : i32
        %mul3A_133 = arith.muli %while3A_72, %mul3A_132 : i32
        %add3A_134 = arith.addi %mul3A_2, %mul3A_133 : i32
        %dma_start3A_135 = arith.constant 2 : i32
        %dma_start3A_136 = arith.constant 0 : i32
        %dma_start3A_137 = arith.constant 0 : i32
        %dma_start3A_138 = tpu.memref_slice %arg8[%dma_start3A_136, %dma_start3A_137] : memref<96x64xf32, #tpu.memory_space<vmem>> -> memref<96x64xf32, #tpu.memory_space<vmem>>
        %dma_start3A_139 = arith.constant 0 : i32
        %dma_start3A_140 = tpu.memref_slice %arg4[%add3A_134, %dma_start3A_139] : memref<100000x64xf32, #tpu.memory_space<hbm>> -> memref<96x64xf32, #tpu.memory_space<hbm>>
        %dma_start3A_141 = tpu.memref_slice %arg10[%dma_start3A_135] : memref<4x!tpu.dma_semaphore, #tpu.memory_space<semaphore_mem>> -> memref<1x!tpu.dma_semaphore, #tpu.memory_space<semaphore_mem>>
        %dma_start3A_142 = tpu.memref_squeeze %dma_start3A_141 : memref<1x!tpu.dma_semaphore, #tpu.memory_space<semaphore_mem>> -> memref<!tpu.dma_semaphore, #tpu.memory_space<semaphore_mem>>
        %dma_start3A_143 = arith.constant 0 : i32
        %dma_start3A_144 = tpu.memref_slice %arg4[%add3A_134, %dma_start3A_143] : memref<100000x64xf32, #tpu.memory_space<hbm>> -> memref<96x64xf32, #tpu.memory_space<hbm>>
        %dma_start3A_145 = arith.constant 0 : i32
        %dma_start3A_146 = arith.constant 0 : i32
        %dma_start3A_147 = tpu.memref_slice %arg8[%dma_start3A_145, %dma_start3A_146] : memref<96x64xf32, #tpu.memory_space<vmem>> -> memref<96x64xf32, #tpu.memory_space<vmem>>
        tpu.enqueue_dma source(%dma_start3A_147 : memref<96x64xf32, #tpu.memory_space<vmem>>) target(%dma_start3A_144 : memref<96x64xf32, #tpu.memory_space<hbm>>) target_semaphore(%dma_start3A_142 : memref<!tpu.dma_semaphore, #tpu.memory_space<semaphore_mem>>)
        %add3A_148 = arith.constant 2 : i32
        %add3A_149 = arith.addi %while3A_72, %add3A_148 : i32
        %lt3A_150 = arith.cmpi slt, %add3A_149, %select_n3A : i32
        %convert_element_type3A_151 = arith.extui %lt3A_150 : i1 to i32
        %cond3A_152 = arith.constant 0 : i32
        %cond3A_153 = arith.cmpi ne, %convert_element_type3A_151, %cond3A_152 : i32
        scf.if %cond3A_153 {
          %add3A_154 = arith.constant 2 : i32
          %add3A_155 = arith.addi %while3A_72, %add3A_154 : i32
          %mul3A_156 = arith.constant 96 : i32
          %mul3A_157 = arith.muli %add3A_155, %mul3A_156 : i32
          %add3A_158 = arith.addi %mul3A_2, %mul3A_157 : i32
          %dma_start3A_159 = arith.constant 0 : i32
          %dma_start3A_160 = arith.constant 0 : i32
          %dma_start3A_161 = arith.constant 0 : i32
          %dma_start3A_162 = tpu.memref_slice %arg6[%dma_start3A_160, %dma_start3A_161] : memref<96x128xf32, #tpu.memory_space<vmem>> -> memref<96x128xf32, #tpu.memory_space<vmem>>
          %dma_start3A_163 = arith.constant 0 : i32
          %dma_start3A_164 = tpu.memref_slice %arg3[%add3A_158, %dma_start3A_163] : memref<100000x128xf32, #tpu.memory_space<hbm>> -> memref<96x128xf32, #tpu.memory_space<hbm>>
          %dma_start3A_165 = tpu.memref_slice %arg10[%dma_start3A_159] : memref<4x!tpu.dma_semaphore, #tpu.memory_space<semaphore_mem>> -> memref<1x!tpu.dma_semaphore, #tpu.memory_space<semaphore_mem>>
          %dma_start3A_166 = tpu.memref_squeeze %dma_start3A_165 : memref<1x!tpu.dma_semaphore, #tpu.memory_space<semaphore_mem>> -> memref<!tpu.dma_semaphore, #tpu.memory_space<semaphore_mem>>
          %dma_start3A_167 = arith.constant 0 : i32
          %dma_start3A_168 = arith.constant 0 : i32
          %dma_start3A_169 = tpu.memref_slice %arg6[%dma_start3A_167, %dma_start3A_168] : memref<96x128xf32, #tpu.memory_space<vmem>> -> memref<96x128xf32, #tpu.memory_space<vmem>>
          %dma_start3A_170 = arith.constant 0 : i32
          %dma_start3A_171 = tpu.memref_slice %arg3[%add3A_158, %dma_start3A_170] : memref<100000x128xf32, #tpu.memory_space<hbm>> -> memref<96x128xf32, #tpu.memory_space<hbm>>
          tpu.enqueue_dma source(%dma_start3A_171 : memref<96x128xf32, #tpu.memory_space<hbm>>) target(%dma_start3A_169 : memref<96x128xf32, #tpu.memory_space<vmem>>) target_semaphore(%dma_start3A_166 : memref<!tpu.dma_semaphore, #tpu.memory_space<semaphore_mem>>)
        } else {
        }
      } else {
      }
      %jit3A_90 = arith.constant 2 : i32
      %eq3A_91 = arith.constant 0 : i32
      %eq3A_92 = arith.cmpi eq, %jit3A_90, %eq3A_91 : i32
      %jit3A_93 = arith.constant 1 : i32
      %select_n3A_94 = arith.select %eq3A_92, %jit3A_93, %jit3A_90 : i32
      %rem3A_95 = arith.remsi %while3A_72, %select_n3A_94 : i32
      %ne3A_96 = arith.constant 0 : i32
      %ne3A_97 = arith.cmpi ne, %rem3A_95, %ne3A_96 : i32
      %lt3A_98 = arith.constant 0 : i32
      %lt3A_99 = arith.cmpi slt, %rem3A_95, %lt3A_98 : i32
      %lt3A_100 = arith.constant 0 : i32
      %lt3A_101 = arith.cmpi slt, %select_n3A_94, %lt3A_100 : i32
      %ne3A_102 = arith.xori %lt3A_99, %lt3A_101 : i1
      %and3A_103 = arith.andi %ne3A_102, %ne3A_97 : i1
      %add3A_104 = arith.addi %rem3A_95, %select_n3A_94 : i32
      %select_n3A_105 = arith.select %and3A_103, %add3A_104, %rem3A_95 : i32
      %eq3A_106 = arith.constant 1 : i32
      %eq3A_107 = arith.cmpi eq, %select_n3A_105, %eq3A_106 : i32
      %convert_element_type3A_108 = arith.extui %eq3A_107 : i1 to i32
      %cond3A_109 = arith.constant 0 : i32
      %cond3A_110 = arith.cmpi ne, %convert_element_type3A_108, %cond3A_109 : i32
      scf.if %cond3A_110 {
        %dma_wait3A_111 = arith.constant 1 : i32
        %dma_wait3A_112 = arith.constant 0 : i32
        %dma_wait3A_113 = arith.constant 0 : i32
        %dma_wait3A_114 = tpu.memref_slice %arg7[%dma_wait3A_112, %dma_wait3A_113] : memref<96x128xf32, #tpu.memory_space<vmem>> -> memref<96x128xf32, #tpu.memory_space<vmem>>
        %dma_wait3A_115 = arith.constant 0 : i32
        %dma_wait3A_116 = arith.constant 0 : i32
        %dma_wait3A_117 = tpu.memref_slice %arg3[%dma_wait3A_115, %dma_wait3A_116] : memref<100000x128xf32, #tpu.memory_space<hbm>> -> memref<96x128xf32, #tpu.memory_space<hbm>>
        %dma_wait3A_118 = tpu.memref_slice %arg10[%dma_wait3A_111] : memref<4x!tpu.dma_semaphore, #tpu.memory_space<semaphore_mem>> -> memref<1x!tpu.dma_semaphore, #tpu.memory_space<semaphore_mem>>
        %dma_wait3A_119 = tpu.memref_squeeze %dma_wait3A_118 : memref<1x!tpu.dma_semaphore, #tpu.memory_space<semaphore_mem>> -> memref<!tpu.dma_semaphore, #tpu.memory_space<semaphore_mem>>
        %dma_wait3A_120 = arith.constant 0 : i32
        %dma_wait3A_121 = arith.constant 0 : i32
        %dma_wait3A_122 = tpu.memref_slice %arg7[%dma_wait3A_120, %dma_wait3A_121] : memref<96x128xf32, #tpu.memory_space<vmem>> -> memref<96x128xf32, #tpu.memory_space<vmem>>
        %dma_wait3A_123 = arith.constant 0 : i32
        %dma_wait3A_124 = arith.constant 0 : i32
        %dma_wait3A_125 = tpu.memref_slice %arg3[%dma_wait3A_123, %dma_wait3A_124] : memref<100000x128xf32, #tpu.memory_space<hbm>> -> memref<96x128xf32, #tpu.memory_space<hbm>>
        tpu.wait_dma2 semaphore(%dma_wait3A_119 : memref<!tpu.dma_semaphore, #tpu.memory_space<semaphore_mem>>) src(%dma_wait3A_125 : memref<96x128xf32, #tpu.memory_space<hbm>>) dst(%dma_wait3A_122 : memref<96x128xf32, #tpu.memory_space<vmem>>)
        %ge3A = arith.constant 2 : i32
        %ge3A_126 = arith.cmpi sge, %while3A_72, %ge3A : i32
        %convert_element_type3A_127 = arith.extui %ge3A_126 : i1 to i32
        %cond3A_128 = arith.constant 0 : i32
        %cond3A_129 = arith.cmpi ne, %convert_element_type3A_127, %cond3A_128 : i32
        scf.if %cond3A_129 {
          %dma_wait3A_154 = arith.constant 3 : i32
          %dma_wait3A_155 = arith.constant 0 : i32
          %dma_wait3A_156 = arith.constant 0 : i32
          %dma_wait3A_157 = tpu.memref_slice %arg9[%dma_wait3A_155, %dma_wait3A_156] : memref<96x64xf32, #tpu.memory_space<vmem>> -> memref<96x64xf32, #tpu.memory_space<vmem>>
          %dma_wait3A_158 = arith.constant 0 : i32
          %dma_wait3A_159 = arith.constant 0 : i32
          %dma_wait3A_160 = tpu.memref_slice %arg4[%dma_wait3A_158, %dma_wait3A_159] : memref<100000x64xf32, #tpu.memory_space<hbm>> -> memref<96x64xf32, #tpu.memory_space<hbm>>
          %dma_wait3A_161 = tpu.memref_slice %arg10[%dma_wait3A_154] : memref<4x!tpu.dma_semaphore, #tpu.memory_space<semaphore_mem>> -> memref<1x!tpu.dma_semaphore, #tpu.memory_space<semaphore_mem>>
          %dma_wait3A_162 = tpu.memref_squeeze %dma_wait3A_161 : memref<1x!tpu.dma_semaphore, #tpu.memory_space<semaphore_mem>> -> memref<!tpu.dma_semaphore, #tpu.memory_space<semaphore_mem>>
          %dma_wait3A_163 = arith.constant 0 : i32
          %dma_wait3A_164 = arith.constant 0 : i32
          %dma_wait3A_165 = tpu.memref_slice %arg4[%dma_wait3A_163, %dma_wait3A_164] : memref<100000x64xf32, #tpu.memory_space<hbm>> -> memref<96x64xf32, #tpu.memory_space<hbm>>
          %dma_wait3A_166 = arith.constant 0 : i32
          %dma_wait3A_167 = arith.constant 0 : i32
          %dma_wait3A_168 = tpu.memref_slice %arg9[%dma_wait3A_166, %dma_wait3A_167] : memref<96x64xf32, #tpu.memory_space<vmem>> -> memref<96x64xf32, #tpu.memory_space<vmem>>
          tpu.wait_dma2 semaphore(%dma_wait3A_162 : memref<!tpu.dma_semaphore, #tpu.memory_space<semaphore_mem>>) src(%dma_wait3A_168 : memref<96x64xf32, #tpu.memory_space<vmem>>) dst(%dma_wait3A_165 : memref<96x64xf32, #tpu.memory_space<hbm>>)
        } else {
        }
        %parallel_loop3A = arith.constant 0 : i32
        %parallel_loop3A_130 = arith.constant 96 : i32
        %parallel_loop3A_131 = arith.constant 1 : i32
        scf.for %parallel_loop3A_154 = %parallel_loop3A to %parallel_loop3A_130 step %parallel_loop3A_131  : i32 {
          %parallel_loop3A_155 = arith.index_cast %parallel_loop3A_154 : i32 to index
          %parallel_loop3A_156 = arith.constant 64 : index
          %parallel_loop3A_157 = tpu.vector_load %arg7[%parallel_loop3A_155, %parallel_loop3A_156] {strides = array<i32>} : memref<96x128xf32, #tpu.memory_space<vmem>>, vector<1x16xf32>,
          %parallel_loop3A_158 = vector.shape_cast %parallel_loop3A_157 : vector<1x16xf32> to vector<16xf32>
          %parallel_loop3A_159 = arith.fptosi %parallel_loop3A_158 : vector<16xf32> to vector<16xi32>
          %parallel_loop3A_160 = vector.extract_strided_slice %parallel_loop3A_159 {offsets = [0], sizes = [1], strides = [1]} : vector<16xi32> to vector<1xi32>
          %parallel_loop3A_161 = vector.extract %parallel_loop3A_160[0] : i32 from vector<1xi32>
          %parallel_loop3A_162 = vector.extract_strided_slice %parallel_loop3A_159 {offsets = [1], sizes = [1], strides = [1]} : vector<16xi32> to vector<1xi32>
          %parallel_loop3A_163 = vector.extract %parallel_loop3A_162[0] : i32 from vector<1xi32>
          %parallel_loop3A_164 = vector.extract_strided_slice %parallel_loop3A_159 {offsets = [2], sizes = [1], strides = [1]} : vector<16xi32> to vector<1xi32>
          %parallel_loop3A_165 = vector.extract %parallel_loop3A_164[0] : i32 from vector<1xi32>
          %parallel_loop3A_166 = vector.extract_strided_slice %parallel_loop3A_159 {offsets = [3], sizes = [1], strides = [1]} : vector<16xi32> to vector<1xi32>
          %parallel_loop3A_167 = vector.extract %parallel_loop3A_166[0] : i32 from vector<1xi32>
          %parallel_loop3A_168 = arith.index_cast %parallel_loop3A_154 : i32 to index
          %parallel_loop3A_169 = arith.constant 0 : index
          %parallel_loop3A_170 = tpu.vector_load %arg7[%parallel_loop3A_168, %parallel_loop3A_169] {strides = array<i32>} : memref<96x128xf32, #tpu.memory_space<vmem>>, vector<1x16xf32>,
          %parallel_loop3A_171 = vector.shape_cast %parallel_loop3A_170 : vector<1x16xf32> to vector<16xf32>
          %parallel_loop3A_172 = arith.constant 0 : i32
          %parallel_loop3A_173 = arith.addi %parallel_loop3A_161, %parallel_loop3A_172 : i32
          %parallel_loop3A_174 = arith.index_cast %parallel_loop3A_173 : i32 to index
          %parallel_loop3A_175 = tpu.vector_load %arg5[%parallel_loop3A_174] {strides = array<i32>} : memref<76992xf32, #tpu.memory_space<vmem>>, vector<16xf32>,
          %parallel_loop3A_176 = vector.shape_cast %parallel_loop3A_175 : vector<16xf32> to vector<16xf32>
          %parallel_loop3A_177 = arith.addf %parallel_loop3A_171, %parallel_loop3A_176 : vector<16xf32>
          %parallel_loop3A_178 = arith.constant 0 : i32
          %parallel_loop3A_179 = arith.addi %parallel_loop3A_163, %parallel_loop3A_178 : i32
          %parallel_loop3A_180 = arith.index_cast %parallel_loop3A_179 : i32 to index
          %parallel_loop3A_181 = tpu.vector_load %arg5[%parallel_loop3A_180] {strides = array<i32>} : memref<76992xf32, #tpu.memory_space<vmem>>, vector<16xf32>,
          %parallel_loop3A_182 = vector.shape_cast %parallel_loop3A_181 : vector<16xf32> to vector<16xf32>
          %parallel_loop3A_183 = arith.addf %parallel_loop3A_177, %parallel_loop3A_182 : vector<16xf32>
          %parallel_loop3A_184 = arith.constant 0 : i32
          %parallel_loop3A_185 = arith.addi %parallel_loop3A_165, %parallel_loop3A_184 : i32
          %parallel_loop3A_186 = arith.index_cast %parallel_loop3A_185 : i32 to index
          %parallel_loop3A_187 = tpu.vector_load %arg5[%parallel_loop3A_186] {strides = array<i32>} : memref<76992xf32, #tpu.memory_space<vmem>>, vector<16xf32>,
          %parallel_loop3A_188 = vector.shape_cast %parallel_loop3A_187 : vector<16xf32> to vector<16xf32>
          %parallel_loop3A_189 = arith.addf %parallel_loop3A_183, %parallel_loop3A_188 : vector<16xf32>
          %parallel_loop3A_190 = arith.constant 0 : i32
          %parallel_loop3A_191 = arith.addi %parallel_loop3A_167, %parallel_loop3A_190 : i32
          %parallel_loop3A_192 = arith.index_cast %parallel_loop3A_191 : i32 to index
          %parallel_loop3A_193 = tpu.vector_load %arg5[%parallel_loop3A_192] {strides = array<i32>} : memref<76992xf32, #tpu.memory_space<vmem>>, vector<16xf32>,
          %parallel_loop3A_194 = vector.shape_cast %parallel_loop3A_193 : vector<16xf32> to vector<16xf32>
          %parallel_loop3A_195 = arith.addf %parallel_loop3A_189, %parallel_loop3A_194 : vector<16xf32>
          %parallel_loop3A_196 = arith.index_cast %parallel_loop3A_154 : i32 to index
          %parallel_loop3A_197 = arith.constant 0 : index
          %parallel_loop3A_198 = tpu.vector_load %arg9[%parallel_loop3A_196, %parallel_loop3A_197] {strides = array<i32>} : memref<96x64xf32, #tpu.memory_space<vmem>>, vector<1x16xf32>,
          %parallel_loop3A_199 = vector.shape_cast %parallel_loop3A_198 : vector<1x16xf32> to vector<16xf32>
          %parallel_loop3A_200 = vector.shape_cast %parallel_loop3A_195 : vector<16xf32> to vector<1x16xf32>
          tpu.vector_store %arg9[%parallel_loop3A_196, %parallel_loop3A_197], %parallel_loop3A_200 {strides = array<i32>} : memref<96x64xf32, #tpu.memory_space<vmem>>, vector<1x16xf32>,
          %parallel_loop3A_201 = arith.index_cast %parallel_loop3A_154 : i32 to index
          %parallel_loop3A_202 = arith.constant 16 : index
          %parallel_loop3A_203 = tpu.vector_load %arg7[%parallel_loop3A_201, %parallel_loop3A_202] {strides = array<i32>} : memref<96x128xf32, #tpu.memory_space<vmem>>, vector<1x16xf32>,
          %parallel_loop3A_204 = vector.shape_cast %parallel_loop3A_203 : vector<1x16xf32> to vector<16xf32>
          %parallel_loop3A_205 = arith.constant 16 : i32
          %parallel_loop3A_206 = arith.addi %parallel_loop3A_161, %parallel_loop3A_205 : i32
          %parallel_loop3A_207 = arith.index_cast %parallel_loop3A_206 : i32 to index
          %parallel_loop3A_208 = tpu.vector_load %arg5[%parallel_loop3A_207] {strides = array<i32>} : memref<76992xf32, #tpu.memory_space<vmem>>, vector<16xf32>,
          %parallel_loop3A_209 = vector.shape_cast %parallel_loop3A_208 : vector<16xf32> to vector<16xf32>
          %parallel_loop3A_210 = arith.addf %parallel_loop3A_204, %parallel_loop3A_209 : vector<16xf32>
          %parallel_loop3A_211 = arith.constant 16 : i32
          %parallel_loop3A_212 = arith.addi %parallel_loop3A_163, %parallel_loop3A_211 : i32
          %parallel_loop3A_213 = arith.index_cast %parallel_loop3A_212 : i32 to index
          %parallel_loop3A_214 = tpu.vector_load %arg5[%parallel_loop3A_213] {strides = array<i32>} : memref<76992xf32, #tpu.memory_space<vmem>>, vector<16xf32>,
          %parallel_loop3A_215 = vector.shape_cast %parallel_loop3A_214 : vector<16xf32> to vector<16xf32>
          %parallel_loop3A_216 = arith.addf %parallel_loop3A_210, %parallel_loop3A_215 : vector<16xf32>
          %parallel_loop3A_217 = arith.constant 16 : i32
          %parallel_loop3A_218 = arith.addi %parallel_loop3A_165, %parallel_loop3A_217 : i32
          %parallel_loop3A_219 = arith.index_cast %parallel_loop3A_218 : i32 to index
          %parallel_loop3A_220 = tpu.vector_load %arg5[%parallel_loop3A_219] {strides = array<i32>} : memref<76992xf32, #tpu.memory_space<vmem>>, vector<16xf32>,
          %parallel_loop3A_221 = vector.shape_cast %parallel_loop3A_220 : vector<16xf32> to vector<16xf32>
          %parallel_loop3A_222 = arith.addf %parallel_loop3A_216, %parallel_loop3A_221 : vector<16xf32>
          %parallel_loop3A_223 = arith.constant 16 : i32
          %parallel_loop3A_224 = arith.addi %parallel_loop3A_167, %parallel_loop3A_223 : i32
          %parallel_loop3A_225 = arith.index_cast %parallel_loop3A_224 : i32 to index
          %parallel_loop3A_226 = tpu.vector_load %arg5[%parallel_loop3A_225] {strides = array<i32>} : memref<76992xf32, #tpu.memory_space<vmem>>, vector<16xf32>,
          %parallel_loop3A_227 = vector.shape_cast %parallel_loop3A_226 : vector<16xf32> to vector<16xf32>
          %parallel_loop3A_228 = arith.addf %parallel_loop3A_222, %parallel_loop3A_227 : vector<16xf32>
          %parallel_loop3A_229 = arith.index_cast %parallel_loop3A_154 : i32 to index
          %parallel_loop3A_230 = arith.constant 16 : index
          %parallel_loop3A_231 = tpu.vector_load %arg9[%parallel_loop3A_229, %parallel_loop3A_230] {strides = array<i32>} : memref<96x64xf32, #tpu.memory_space<vmem>>, vector<1x16xf32>,
          %parallel_loop3A_232 = vector.shape_cast %parallel_loop3A_231 : vector<1x16xf32> to vector<16xf32>
          %parallel_loop3A_233 = vector.shape_cast %parallel_loop3A_228 : vector<16xf32> to vector<1x16xf32>
          tpu.vector_store %arg9[%parallel_loop3A_229, %parallel_loop3A_230], %parallel_loop3A_233 {strides = array<i32>} : memref<96x64xf32, #tpu.memory_space<vmem>>, vector<1x16xf32>,
          %parallel_loop3A_234 = arith.index_cast %parallel_loop3A_154 : i32 to index
          %parallel_loop3A_235 = arith.constant 32 : index
          %parallel_loop3A_236 = tpu.vector_load %arg7[%parallel_loop3A_234, %parallel_loop3A_235] {strides = array<i32>} : memref<96x128xf32, #tpu.memory_space<vmem>>, vector<1x16xf32>,
          %parallel_loop3A_237 = vector.shape_cast %parallel_loop3A_236 : vector<1x16xf32> to vector<16xf32>
          %parallel_loop3A_238 = arith.constant 32 : i32
          %parallel_loop3A_239 = arith.addi %parallel_loop3A_161, %parallel_loop3A_238 : i32
          %parallel_loop3A_240 = arith.index_cast %parallel_loop3A_239 : i32 to index
          %parallel_loop3A_241 = tpu.vector_load %arg5[%parallel_loop3A_240] {strides = array<i32>} : memref<76992xf32, #tpu.memory_space<vmem>>, vector<16xf32>,
          %parallel_loop3A_242 = vector.shape_cast %parallel_loop3A_241 : vector<16xf32> to vector<16xf32>
          %parallel_loop3A_243 = arith.addf %parallel_loop3A_237, %parallel_loop3A_242 : vector<16xf32>
          %parallel_loop3A_244 = arith.constant 32 : i32
          %parallel_loop3A_245 = arith.addi %parallel_loop3A_163, %parallel_loop3A_244 : i32
          %parallel_loop3A_246 = arith.index_cast %parallel_loop3A_245 : i32 to index
          %parallel_loop3A_247 = tpu.vector_load %arg5[%parallel_loop3A_246] {strides = array<i32>} : memref<76992xf32, #tpu.memory_space<vmem>>, vector<16xf32>,
          %parallel_loop3A_248 = vector.shape_cast %parallel_loop3A_247 : vector<16xf32> to vector<16xf32>
          %parallel_loop3A_249 = arith.addf %parallel_loop3A_243, %parallel_loop3A_248 : vector<16xf32>
          %parallel_loop3A_250 = arith.constant 32 : i32
          %parallel_loop3A_251 = arith.addi %parallel_loop3A_165, %parallel_loop3A_250 : i32
          %parallel_loop3A_252 = arith.index_cast %parallel_loop3A_251 : i32 to index
          %parallel_loop3A_253 = tpu.vector_load %arg5[%parallel_loop3A_252] {strides = array<i32>} : memref<76992xf32, #tpu.memory_space<vmem>>, vector<16xf32>,
          %parallel_loop3A_254 = vector.shape_cast %parallel_loop3A_253 : vector<16xf32> to vector<16xf32>
          %parallel_loop3A_255 = arith.addf %parallel_loop3A_249, %parallel_loop3A_254 : vector<16xf32>
          %parallel_loop3A_256 = arith.constant 32 : i32
          %parallel_loop3A_257 = arith.addi %parallel_loop3A_167, %parallel_loop3A_256 : i32
          %parallel_loop3A_258 = arith.index_cast %parallel_loop3A_257 : i32 to index
          %parallel_loop3A_259 = tpu.vector_load %arg5[%parallel_loop3A_258] {strides = array<i32>} : memref<76992xf32, #tpu.memory_space<vmem>>, vector<16xf32>,
          %parallel_loop3A_260 = vector.shape_cast %parallel_loop3A_259 : vector<16xf32> to vector<16xf32>
          %parallel_loop3A_261 = arith.addf %parallel_loop3A_255, %parallel_loop3A_260 : vector<16xf32>
          %parallel_loop3A_262 = arith.index_cast %parallel_loop3A_154 : i32 to index
          %parallel_loop3A_263 = arith.constant 32 : index
          %parallel_loop3A_264 = tpu.vector_load %arg9[%parallel_loop3A_262, %parallel_loop3A_263] {strides = array<i32>} : memref<96x64xf32, #tpu.memory_space<vmem>>, vector<1x16xf32>,
          %parallel_loop3A_265 = vector.shape_cast %parallel_loop3A_264 : vector<1x16xf32> to vector<16xf32>
          %parallel_loop3A_266 = vector.shape_cast %parallel_loop3A_261 : vector<16xf32> to vector<1x16xf32>
          tpu.vector_store %arg9[%parallel_loop3A_262, %parallel_loop3A_263], %parallel_loop3A_266 {strides = array<i32>} : memref<96x64xf32, #tpu.memory_space<vmem>>, vector<1x16xf32>,
          %parallel_loop3A_267 = arith.index_cast %parallel_loop3A_154 : i32 to index
          %parallel_loop3A_268 = arith.constant 48 : index
          %parallel_loop3A_269 = tpu.vector_load %arg7[%parallel_loop3A_267, %parallel_loop3A_268] {strides = array<i32>} : memref<96x128xf32, #tpu.memory_space<vmem>>, vector<1x16xf32>,
          %parallel_loop3A_270 = vector.shape_cast %parallel_loop3A_269 : vector<1x16xf32> to vector<16xf32>
          %parallel_loop3A_271 = arith.constant 48 : i32
          %parallel_loop3A_272 = arith.addi %parallel_loop3A_161, %parallel_loop3A_271 : i32
          %parallel_loop3A_273 = arith.index_cast %parallel_loop3A_272 : i32 to index
          %parallel_loop3A_274 = tpu.vector_load %arg5[%parallel_loop3A_273] {strides = array<i32>} : memref<76992xf32, #tpu.memory_space<vmem>>, vector<16xf32>,
          %parallel_loop3A_275 = vector.shape_cast %parallel_loop3A_274 : vector<16xf32> to vector<16xf32>
          %parallel_loop3A_276 = arith.addf %parallel_loop3A_270, %parallel_loop3A_275 : vector<16xf32>
          %parallel_loop3A_277 = arith.constant 48 : i32
          %parallel_loop3A_278 = arith.addi %parallel_loop3A_163, %parallel_loop3A_277 : i32
          %parallel_loop3A_279 = arith.index_cast %parallel_loop3A_278 : i32 to index
          %parallel_loop3A_280 = tpu.vector_load %arg5[%parallel_loop3A_279] {strides = array<i32>} : memref<76992xf32, #tpu.memory_space<vmem>>, vector<16xf32>,
          %parallel_loop3A_281 = vector.shape_cast %parallel_loop3A_280 : vector<16xf32> to vector<16xf32>
          %parallel_loop3A_282 = arith.addf %parallel_loop3A_276, %parallel_loop3A_281 : vector<16xf32>
          %parallel_loop3A_283 = arith.constant 48 : i32
          %parallel_loop3A_284 = arith.addi %parallel_loop3A_165, %parallel_loop3A_283 : i32
          %parallel_loop3A_285 = arith.index_cast %parallel_loop3A_284 : i32 to index
          %parallel_loop3A_286 = tpu.vector_load %arg5[%parallel_loop3A_285] {strides = array<i32>} : memref<76992xf32, #tpu.memory_space<vmem>>, vector<16xf32>,
          %parallel_loop3A_287 = vector.shape_cast %parallel_loop3A_286 : vector<16xf32> to vector<16xf32>
          %parallel_loop3A_288 = arith.addf %parallel_loop3A_282, %parallel_loop3A_287 : vector<16xf32>
          %parallel_loop3A_289 = arith.constant 48 : i32
          %parallel_loop3A_290 = arith.addi %parallel_loop3A_167, %parallel_loop3A_289 : i32
          %parallel_loop3A_291 = arith.index_cast %parallel_loop3A_290 : i32 to index
          %parallel_loop3A_292 = tpu.vector_load %arg5[%parallel_loop3A_291] {strides = array<i32>} : memref<76992xf32, #tpu.memory_space<vmem>>, vector<16xf32>,
          %parallel_loop3A_293 = vector.shape_cast %parallel_loop3A_292 : vector<16xf32> to vector<16xf32>
          %parallel_loop3A_294 = arith.addf %parallel_loop3A_288, %parallel_loop3A_293 : vector<16xf32>
          %parallel_loop3A_295 = arith.index_cast %parallel_loop3A_154 : i32 to index
          %parallel_loop3A_296 = arith.constant 48 : index
          %parallel_loop3A_297 = tpu.vector_load %arg9[%parallel_loop3A_295, %parallel_loop3A_296] {strides = array<i32>} : memref<96x64xf32, #tpu.memory_space<vmem>>, vector<1x16xf32>,
          %parallel_loop3A_298 = vector.shape_cast %parallel_loop3A_297 : vector<1x16xf32> to vector<16xf32>
          %parallel_loop3A_299 = vector.shape_cast %parallel_loop3A_294 : vector<16xf32> to vector<1x16xf32>
          tpu.vector_store %arg9[%parallel_loop3A_295, %parallel_loop3A_296], %parallel_loop3A_299 {strides = array<i32>} : memref<96x64xf32, #tpu.memory_space<vmem>>, vector<1x16xf32>,
        } {sc.loop_unroll_factor = 4 : i64, sc.parallel_access}
        %mul3A_132 = arith.constant 96 : i32
        %mul3A_133 = arith.muli %while3A_72, %mul3A_132 : i32
        %add3A_134 = arith.addi %mul3A_2, %mul3A_133 : i32
        %dma_start3A_135 = arith.constant 3 : i32
        %dma_start3A_136 = arith.constant 0 : i32
        %dma_start3A_137 = arith.constant 0 : i32
        %dma_start3A_138 = tpu.memref_slice %arg9[%dma_start3A_136, %dma_start3A_137] : memref<96x64xf32, #tpu.memory_space<vmem>> -> memref<96x64xf32, #tpu.memory_space<vmem>>
        %dma_start3A_139 = arith.constant 0 : i32
        %dma_start3A_140 = tpu.memref_slice %arg4[%add3A_134, %dma_start3A_139] : memref<100000x64xf32, #tpu.memory_space<hbm>> -> memref<96x64xf32, #tpu.memory_space<hbm>>
        %dma_start3A_141 = tpu.memref_slice %arg10[%dma_start3A_135] : memref<4x!tpu.dma_semaphore, #tpu.memory_space<semaphore_mem>> -> memref<1x!tpu.dma_semaphore, #tpu.memory_space<semaphore_mem>>
        %dma_start3A_142 = tpu.memref_squeeze %dma_start3A_141 : memref<1x!tpu.dma_semaphore, #tpu.memory_space<semaphore_mem>> -> memref<!tpu.dma_semaphore, #tpu.memory_space<semaphore_mem>>
        %dma_start3A_143 = arith.constant 0 : i32
        %dma_start3A_144 = tpu.memref_slice %arg4[%add3A_134, %dma_start3A_143] : memref<100000x64xf32, #tpu.memory_space<hbm>> -> memref<96x64xf32, #tpu.memory_space<hbm>>
        %dma_start3A_145 = arith.constant 0 : i32
        %dma_start3A_146 = arith.constant 0 : i32
        %dma_start3A_147 = tpu.memref_slice %arg9[%dma_start3A_145, %dma_start3A_146] : memref<96x64xf32, #tpu.memory_space<vmem>> -> memref<96x64xf32, #tpu.memory_space<vmem>>
        tpu.enqueue_dma source(%dma_start3A_147 : memref<96x64xf32, #tpu.memory_space<vmem>>) target(%dma_start3A_144 : memref<96x64xf32, #tpu.memory_space<hbm>>) target_semaphore(%dma_start3A_142 : memref<!tpu.dma_semaphore, #tpu.memory_space<semaphore_mem>>)
        %add3A_148 = arith.constant 2 : i32
        %add3A_149 = arith.addi %while3A_72, %add3A_148 : i32
        %lt3A_150 = arith.cmpi slt, %add3A_149, %select_n3A : i32
        %convert_element_type3A_151 = arith.extui %lt3A_150 : i1 to i32
        %cond3A_152 = arith.constant 0 : i32
        %cond3A_153 = arith.cmpi ne, %convert_element_type3A_151, %cond3A_152 : i32
        scf.if %cond3A_153 {
          %add3A_154 = arith.constant 2 : i32
          %add3A_155 = arith.addi %while3A_72, %add3A_154 : i32
          %mul3A_156 = arith.constant 96 : i32
          %mul3A_157 = arith.muli %add3A_155, %mul3A_156 : i32
          %add3A_158 = arith.addi %mul3A_2, %mul3A_157 : i32
          %dma_start3A_159 = arith.constant 1 : i32
          %dma_start3A_160 = arith.constant 0 : i32
          %dma_start3A_161 = arith.constant 0 : i32
          %dma_start3A_162 = tpu.memref_slice %arg7[%dma_start3A_160, %dma_start3A_161] : memref<96x128xf32, #tpu.memory_space<vmem>> -> memref<96x128xf32, #tpu.memory_space<vmem>>
          %dma_start3A_163 = arith.constant 0 : i32
          %dma_start3A_164 = tpu.memref_slice %arg3[%add3A_158, %dma_start3A_163] : memref<100000x128xf32, #tpu.memory_space<hbm>> -> memref<96x128xf32, #tpu.memory_space<hbm>>
          %dma_start3A_165 = tpu.memref_slice %arg10[%dma_start3A_159] : memref<4x!tpu.dma_semaphore, #tpu.memory_space<semaphore_mem>> -> memref<1x!tpu.dma_semaphore, #tpu.memory_space<semaphore_mem>>
          %dma_start3A_166 = tpu.memref_squeeze %dma_start3A_165 : memref<1x!tpu.dma_semaphore, #tpu.memory_space<semaphore_mem>> -> memref<!tpu.dma_semaphore, #tpu.memory_space<semaphore_mem>>
          %dma_start3A_167 = arith.constant 0 : i32
          %dma_start3A_168 = arith.constant 0 : i32
          %dma_start3A_169 = tpu.memref_slice %arg7[%dma_start3A_167, %dma_start3A_168] : memref<96x128xf32, #tpu.memory_space<vmem>> -> memref<96x128xf32, #tpu.memory_space<vmem>>
          %dma_start3A_170 = arith.constant 0 : i32
          %dma_start3A_171 = tpu.memref_slice %arg3[%add3A_158, %dma_start3A_170] : memref<100000x128xf32, #tpu.memory_space<hbm>> -> memref<96x128xf32, #tpu.memory_space<hbm>>
          tpu.enqueue_dma source(%dma_start3A_171 : memref<96x128xf32, #tpu.memory_space<hbm>>) target(%dma_start3A_169 : memref<96x128xf32, #tpu.memory_space<vmem>>) target_semaphore(%dma_start3A_166 : memref<!tpu.dma_semaphore, #tpu.memory_space<semaphore_mem>>)
        } else {
        }
      } else {
      }
    }
    %while3A_40 = arith.constant 1 : i32
    scf.for %while3A_72 = %while3A_38 to %while3A_34 step %while3A_40  : i32 {
      %jit3A_73 = arith.constant 2 : i32
      %eq3A_74 = arith.constant 0 : i32
      %eq3A_75 = arith.cmpi eq, %jit3A_73, %eq3A_74 : i32
      %jit3A_76 = arith.constant 1 : i32
      %select_n3A_77 = arith.select %eq3A_75, %jit3A_76, %jit3A_73 : i32
      %rem3A = arith.remsi %while3A_72, %select_n3A_77 : i32
      %ne3A = arith.constant 0 : i32
      %ne3A_78 = arith.cmpi ne, %rem3A, %ne3A : i32
      %lt3A = arith.constant 0 : i32
      %lt3A_79 = arith.cmpi slt, %rem3A, %lt3A : i32
      %lt3A_80 = arith.constant 0 : i32
      %lt3A_81 = arith.cmpi slt, %select_n3A_77, %lt3A_80 : i32
      %ne3A_82 = arith.xori %lt3A_79, %lt3A_81 : i1
      %and3A = arith.andi %ne3A_82, %ne3A_78 : i1
      %add3A_83 = arith.addi %rem3A, %select_n3A_77 : i32
      %select_n3A_84 = arith.select %and3A, %add3A_83, %rem3A : i32
      %eq3A_85 = arith.constant 0 : i32
      %eq3A_86 = arith.cmpi eq, %select_n3A_84, %eq3A_85 : i32
      %convert_element_type3A_87 = arith.extui %eq3A_86 : i1 to i32
      %cond3A_88 = arith.constant 0 : i32
      %cond3A_89 = arith.cmpi ne, %convert_element_type3A_87, %cond3A_88 : i32
      scf.if %cond3A_89 {
        %dma_wait3A_111 = arith.constant 0 : i32
        %dma_wait3A_112 = arith.constant 0 : i32
        %dma_wait3A_113 = arith.constant 0 : i32
        %dma_wait3A_114 = tpu.memref_slice %arg6[%dma_wait3A_112, %dma_wait3A_113] : memref<96x128xf32, #tpu.memory_space<vmem>> -> memref<96x128xf32, #tpu.memory_space<vmem>>
        %dma_wait3A_115 = arith.constant 0 : i32
        %dma_wait3A_116 = arith.constant 0 : i32
        %dma_wait3A_117 = tpu.memref_slice %arg3[%dma_wait3A_115, %dma_wait3A_116] : memref<100000x128xf32, #tpu.memory_space<hbm>> -> memref<96x128xf32, #tpu.memory_space<hbm>>
        %dma_wait3A_118 = tpu.memref_slice %arg10[%dma_wait3A_111] : memref<4x!tpu.dma_semaphore, #tpu.memory_space<semaphore_mem>> -> memref<1x!tpu.dma_semaphore, #tpu.memory_space<semaphore_mem>>
        %dma_wait3A_119 = tpu.memref_squeeze %dma_wait3A_118 : memref<1x!tpu.dma_semaphore, #tpu.memory_space<semaphore_mem>> -> memref<!tpu.dma_semaphore, #tpu.memory_space<semaphore_mem>>
        %dma_wait3A_120 = arith.constant 0 : i32
        %dma_wait3A_121 = arith.constant 0 : i32
        %dma_wait3A_122 = tpu.memref_slice %arg6[%dma_wait3A_120, %dma_wait3A_121] : memref<96x128xf32, #tpu.memory_space<vmem>> -> memref<96x128xf32, #tpu.memory_space<vmem>>
        %dma_wait3A_123 = arith.constant 0 : i32
        %dma_wait3A_124 = arith.constant 0 : i32
        %dma_wait3A_125 = tpu.memref_slice %arg3[%dma_wait3A_123, %dma_wait3A_124] : memref<100000x128xf32, #tpu.memory_space<hbm>> -> memref<96x128xf32, #tpu.memory_space<hbm>>
        tpu.wait_dma2 semaphore(%dma_wait3A_119 : memref<!tpu.dma_semaphore, #tpu.memory_space<semaphore_mem>>) src(%dma_wait3A_125 : memref<96x128xf32, #tpu.memory_space<hbm>>) dst(%dma_wait3A_122 : memref<96x128xf32, #tpu.memory_space<vmem>>)
        %ge3A = arith.constant 2 : i32
        %ge3A_126 = arith.cmpi sge, %while3A_72, %ge3A : i32
        %convert_element_type3A_127 = arith.extui %ge3A_126 : i1 to i32
        %cond3A_128 = arith.constant 0 : i32
        %cond3A_129 = arith.cmpi ne, %convert_element_type3A_127, %cond3A_128 : i32
        scf.if %cond3A_129 {
          %dma_wait3A_154 = arith.constant 2 : i32
          %dma_wait3A_155 = arith.constant 0 : i32
          %dma_wait3A_156 = arith.constant 0 : i32
          %dma_wait3A_157 = tpu.memref_slice %arg8[%dma_wait3A_155, %dma_wait3A_156] : memref<96x64xf32, #tpu.memory_space<vmem>> -> memref<96x64xf32, #tpu.memory_space<vmem>>
          %dma_wait3A_158 = arith.constant 0 : i32
          %dma_wait3A_159 = arith.constant 0 : i32
          %dma_wait3A_160 = tpu.memref_slice %arg4[%dma_wait3A_158, %dma_wait3A_159] : memref<100000x64xf32, #tpu.memory_space<hbm>> -> memref<96x64xf32, #tpu.memory_space<hbm>>
          %dma_wait3A_161 = tpu.memref_slice %arg10[%dma_wait3A_154] : memref<4x!tpu.dma_semaphore, #tpu.memory_space<semaphore_mem>> -> memref<1x!tpu.dma_semaphore, #tpu.memory_space<semaphore_mem>>
          %dma_wait3A_162 = tpu.memref_squeeze %dma_wait3A_161 : memref<1x!tpu.dma_semaphore, #tpu.memory_space<semaphore_mem>> -> memref<!tpu.dma_semaphore, #tpu.memory_space<semaphore_mem>>
          %dma_wait3A_163 = arith.constant 0 : i32
          %dma_wait3A_164 = arith.constant 0 : i32
          %dma_wait3A_165 = tpu.memref_slice %arg4[%dma_wait3A_163, %dma_wait3A_164] : memref<100000x64xf32, #tpu.memory_space<hbm>> -> memref<96x64xf32, #tpu.memory_space<hbm>>
          %dma_wait3A_166 = arith.constant 0 : i32
          %dma_wait3A_167 = arith.constant 0 : i32
          %dma_wait3A_168 = tpu.memref_slice %arg8[%dma_wait3A_166, %dma_wait3A_167] : memref<96x64xf32, #tpu.memory_space<vmem>> -> memref<96x64xf32, #tpu.memory_space<vmem>>
          tpu.wait_dma2 semaphore(%dma_wait3A_162 : memref<!tpu.dma_semaphore, #tpu.memory_space<semaphore_mem>>) src(%dma_wait3A_168 : memref<96x64xf32, #tpu.memory_space<vmem>>) dst(%dma_wait3A_165 : memref<96x64xf32, #tpu.memory_space<hbm>>)
        } else {
        }
        %parallel_loop3A = arith.constant 0 : i32
        %parallel_loop3A_130 = arith.constant 96 : i32
        %parallel_loop3A_131 = arith.constant 1 : i32
        scf.for %parallel_loop3A_154 = %parallel_loop3A to %parallel_loop3A_130 step %parallel_loop3A_131  : i32 {
          %parallel_loop3A_155 = arith.index_cast %parallel_loop3A_154 : i32 to index
          %parallel_loop3A_156 = arith.constant 64 : index
          %parallel_loop3A_157 = tpu.vector_load %arg6[%parallel_loop3A_155, %parallel_loop3A_156] {strides = array<i32>} : memref<96x128xf32, #tpu.memory_space<vmem>>, vector<1x16xf32>,
          %parallel_loop3A_158 = vector.shape_cast %parallel_loop3A_157 : vector<1x16xf32> to vector<16xf32>
          %parallel_loop3A_159 = arith.fptosi %parallel_loop3A_158 : vector<16xf32> to vector<16xi32>
          %parallel_loop3A_160 = vector.extract_strided_slice %parallel_loop3A_159 {offsets = [0], sizes = [1], strides = [1]} : vector<16xi32> to vector<1xi32>
          %parallel_loop3A_161 = vector.extract %parallel_loop3A_160[0] : i32 from vector<1xi32>
          %parallel_loop3A_162 = vector.extract_strided_slice %parallel_loop3A_159 {offsets = [1], sizes = [1], strides = [1]} : vector<16xi32> to vector<1xi32>
          %parallel_loop3A_163 = vector.extract %parallel_loop3A_162[0] : i32 from vector<1xi32>
          %parallel_loop3A_164 = vector.extract_strided_slice %parallel_loop3A_159 {offsets = [2], sizes = [1], strides = [1]} : vector<16xi32> to vector<1xi32>
          %parallel_loop3A_165 = vector.extract %parallel_loop3A_164[0] : i32 from vector<1xi32>
          %parallel_loop3A_166 = vector.extract_strided_slice %parallel_loop3A_159 {offsets = [3], sizes = [1], strides = [1]} : vector<16xi32> to vector<1xi32>
          %parallel_loop3A_167 = vector.extract %parallel_loop3A_166[0] : i32 from vector<1xi32>
          %parallel_loop3A_168 = arith.index_cast %parallel_loop3A_154 : i32 to index
          %parallel_loop3A_169 = arith.constant 0 : index
          %parallel_loop3A_170 = tpu.vector_load %arg6[%parallel_loop3A_168, %parallel_loop3A_169] {strides = array<i32>} : memref<96x128xf32, #tpu.memory_space<vmem>>, vector<1x16xf32>,
          %parallel_loop3A_171 = vector.shape_cast %parallel_loop3A_170 : vector<1x16xf32> to vector<16xf32>
          %parallel_loop3A_172 = arith.constant 0 : i32
          %parallel_loop3A_173 = arith.addi %parallel_loop3A_161, %parallel_loop3A_172 : i32
          %parallel_loop3A_174 = arith.index_cast %parallel_loop3A_173 : i32 to index
          %parallel_loop3A_175 = tpu.vector_load %arg5[%parallel_loop3A_174] {strides = array<i32>} : memref<76992xf32, #tpu.memory_space<vmem>>, vector<16xf32>,
          %parallel_loop3A_176 = vector.shape_cast %parallel_loop3A_175 : vector<16xf32> to vector<16xf32>
          %parallel_loop3A_177 = arith.addf %parallel_loop3A_171, %parallel_loop3A_176 : vector<16xf32>
          %parallel_loop3A_178 = arith.constant 0 : i32
          %parallel_loop3A_179 = arith.addi %parallel_loop3A_163, %parallel_loop3A_178 : i32
          %parallel_loop3A_180 = arith.index_cast %parallel_loop3A_179 : i32 to index
          %parallel_loop3A_181 = tpu.vector_load %arg5[%parallel_loop3A_180] {strides = array<i32>} : memref<76992xf32, #tpu.memory_space<vmem>>, vector<16xf32>,
          %parallel_loop3A_182 = vector.shape_cast %parallel_loop3A_181 : vector<16xf32> to vector<16xf32>
          %parallel_loop3A_183 = arith.addf %parallel_loop3A_177, %parallel_loop3A_182 : vector<16xf32>
          %parallel_loop3A_184 = arith.constant 0 : i32
          %parallel_loop3A_185 = arith.addi %parallel_loop3A_165, %parallel_loop3A_184 : i32
          %parallel_loop3A_186 = arith.index_cast %parallel_loop3A_185 : i32 to index
          %parallel_loop3A_187 = tpu.vector_load %arg5[%parallel_loop3A_186] {strides = array<i32>} : memref<76992xf32, #tpu.memory_space<vmem>>, vector<16xf32>,
          %parallel_loop3A_188 = vector.shape_cast %parallel_loop3A_187 : vector<16xf32> to vector<16xf32>
          %parallel_loop3A_189 = arith.addf %parallel_loop3A_183, %parallel_loop3A_188 : vector<16xf32>
          %parallel_loop3A_190 = arith.constant 0 : i32
          %parallel_loop3A_191 = arith.addi %parallel_loop3A_167, %parallel_loop3A_190 : i32
          %parallel_loop3A_192 = arith.index_cast %parallel_loop3A_191 : i32 to index
          %parallel_loop3A_193 = tpu.vector_load %arg5[%parallel_loop3A_192] {strides = array<i32>} : memref<76992xf32, #tpu.memory_space<vmem>>, vector<16xf32>,
          %parallel_loop3A_194 = vector.shape_cast %parallel_loop3A_193 : vector<16xf32> to vector<16xf32>
          %parallel_loop3A_195 = arith.addf %parallel_loop3A_189, %parallel_loop3A_194 : vector<16xf32>
          %parallel_loop3A_196 = arith.index_cast %parallel_loop3A_154 : i32 to index
          %parallel_loop3A_197 = arith.constant 0 : index
          %parallel_loop3A_198 = tpu.vector_load %arg8[%parallel_loop3A_196, %parallel_loop3A_197] {strides = array<i32>} : memref<96x64xf32, #tpu.memory_space<vmem>>, vector<1x16xf32>,
          %parallel_loop3A_199 = vector.shape_cast %parallel_loop3A_198 : vector<1x16xf32> to vector<16xf32>
          %parallel_loop3A_200 = vector.shape_cast %parallel_loop3A_195 : vector<16xf32> to vector<1x16xf32>
          tpu.vector_store %arg8[%parallel_loop3A_196, %parallel_loop3A_197], %parallel_loop3A_200 {strides = array<i32>} : memref<96x64xf32, #tpu.memory_space<vmem>>, vector<1x16xf32>,
          %parallel_loop3A_201 = arith.index_cast %parallel_loop3A_154 : i32 to index
          %parallel_loop3A_202 = arith.constant 16 : index
          %parallel_loop3A_203 = tpu.vector_load %arg6[%parallel_loop3A_201, %parallel_loop3A_202] {strides = array<i32>} : memref<96x128xf32, #tpu.memory_space<vmem>>, vector<1x16xf32>,
          %parallel_loop3A_204 = vector.shape_cast %parallel_loop3A_203 : vector<1x16xf32> to vector<16xf32>
          %parallel_loop3A_205 = arith.constant 16 : i32
          %parallel_loop3A_206 = arith.addi %parallel_loop3A_161, %parallel_loop3A_205 : i32
          %parallel_loop3A_207 = arith.index_cast %parallel_loop3A_206 : i32 to index
          %parallel_loop3A_208 = tpu.vector_load %arg5[%parallel_loop3A_207] {strides = array<i32>} : memref<76992xf32, #tpu.memory_space<vmem>>, vector<16xf32>,
          %parallel_loop3A_209 = vector.shape_cast %parallel_loop3A_208 : vector<16xf32> to vector<16xf32>
          %parallel_loop3A_210 = arith.addf %parallel_loop3A_204, %parallel_loop3A_209 : vector<16xf32>
          %parallel_loop3A_211 = arith.constant 16 : i32
          %parallel_loop3A_212 = arith.addi %parallel_loop3A_163, %parallel_loop3A_211 : i32
          %parallel_loop3A_213 = arith.index_cast %parallel_loop3A_212 : i32 to index
          %parallel_loop3A_214 = tpu.vector_load %arg5[%parallel_loop3A_213] {strides = array<i32>} : memref<76992xf32, #tpu.memory_space<vmem>>, vector<16xf32>,
          %parallel_loop3A_215 = vector.shape_cast %parallel_loop3A_214 : vector<16xf32> to vector<16xf32>
          %parallel_loop3A_216 = arith.addf %parallel_loop3A_210, %parallel_loop3A_215 : vector<16xf32>
          %parallel_loop3A_217 = arith.constant 16 : i32
          %parallel_loop3A_218 = arith.addi %parallel_loop3A_165, %parallel_loop3A_217 : i32
          %parallel_loop3A_219 = arith.index_cast %parallel_loop3A_218 : i32 to index
          %parallel_loop3A_220 = tpu.vector_load %arg5[%parallel_loop3A_219] {strides = array<i32>} : memref<76992xf32, #tpu.memory_space<vmem>>, vector<16xf32>,
          %parallel_loop3A_221 = vector.shape_cast %parallel_loop3A_220 : vector<16xf32> to vector<16xf32>
          %parallel_loop3A_222 = arith.addf %parallel_loop3A_216, %parallel_loop3A_221 : vector<16xf32>
          %parallel_loop3A_223 = arith.constant 16 : i32
          %parallel_loop3A_224 = arith.addi %parallel_loop3A_167, %parallel_loop3A_223 : i32
          %parallel_loop3A_225 = arith.index_cast %parallel_loop3A_224 : i32 to index
          %parallel_loop3A_226 = tpu.vector_load %arg5[%parallel_loop3A_225] {strides = array<i32>} : memref<76992xf32, #tpu.memory_space<vmem>>, vector<16xf32>,
          %parallel_loop3A_227 = vector.shape_cast %parallel_loop3A_226 : vector<16xf32> to vector<16xf32>
          %parallel_loop3A_228 = arith.addf %parallel_loop3A_222, %parallel_loop3A_227 : vector<16xf32>
          %parallel_loop3A_229 = arith.index_cast %parallel_loop3A_154 : i32 to index
          %parallel_loop3A_230 = arith.constant 16 : index
          %parallel_loop3A_231 = tpu.vector_load %arg8[%parallel_loop3A_229, %parallel_loop3A_230] {strides = array<i32>} : memref<96x64xf32, #tpu.memory_space<vmem>>, vector<1x16xf32>,
          %parallel_loop3A_232 = vector.shape_cast %parallel_loop3A_231 : vector<1x16xf32> to vector<16xf32>
          %parallel_loop3A_233 = vector.shape_cast %parallel_loop3A_228 : vector<16xf32> to vector<1x16xf32>
          tpu.vector_store %arg8[%parallel_loop3A_229, %parallel_loop3A_230], %parallel_loop3A_233 {strides = array<i32>} : memref<96x64xf32, #tpu.memory_space<vmem>>, vector<1x16xf32>,
          %parallel_loop3A_234 = arith.index_cast %parallel_loop3A_154 : i32 to index
          %parallel_loop3A_235 = arith.constant 32 : index
          %parallel_loop3A_236 = tpu.vector_load %arg6[%parallel_loop3A_234, %parallel_loop3A_235] {strides = array<i32>} : memref<96x128xf32, #tpu.memory_space<vmem>>, vector<1x16xf32>,
          %parallel_loop3A_237 = vector.shape_cast %parallel_loop3A_236 : vector<1x16xf32> to vector<16xf32>
          %parallel_loop3A_238 = arith.constant 32 : i32
          %parallel_loop3A_239 = arith.addi %parallel_loop3A_161, %parallel_loop3A_238 : i32
          %parallel_loop3A_240 = arith.index_cast %parallel_loop3A_239 : i32 to index
          %parallel_loop3A_241 = tpu.vector_load %arg5[%parallel_loop3A_240] {strides = array<i32>} : memref<76992xf32, #tpu.memory_space<vmem>>, vector<16xf32>,
          %parallel_loop3A_242 = vector.shape_cast %parallel_loop3A_241 : vector<16xf32> to vector<16xf32>
          %parallel_loop3A_243 = arith.addf %parallel_loop3A_237, %parallel_loop3A_242 : vector<16xf32>
          %parallel_loop3A_244 = arith.constant 32 : i32
          %parallel_loop3A_245 = arith.addi %parallel_loop3A_163, %parallel_loop3A_244 : i32
          %parallel_loop3A_246 = arith.index_cast %parallel_loop3A_245 : i32 to index
          %parallel_loop3A_247 = tpu.vector_load %arg5[%parallel_loop3A_246] {strides = array<i32>} : memref<76992xf32, #tpu.memory_space<vmem>>, vector<16xf32>,
          %parallel_loop3A_248 = vector.shape_cast %parallel_loop3A_247 : vector<16xf32> to vector<16xf32>
          %parallel_loop3A_249 = arith.addf %parallel_loop3A_243, %parallel_loop3A_248 : vector<16xf32>
          %parallel_loop3A_250 = arith.constant 32 : i32
          %parallel_loop3A_251 = arith.addi %parallel_loop3A_165, %parallel_loop3A_250 : i32
          %parallel_loop3A_252 = arith.index_cast %parallel_loop3A_251 : i32 to index
          %parallel_loop3A_253 = tpu.vector_load %arg5[%parallel_loop3A_252] {strides = array<i32>} : memref<76992xf32, #tpu.memory_space<vmem>>, vector<16xf32>,
          %parallel_loop3A_254 = vector.shape_cast %parallel_loop3A_253 : vector<16xf32> to vector<16xf32>
          %parallel_loop3A_255 = arith.addf %parallel_loop3A_249, %parallel_loop3A_254 : vector<16xf32>
          %parallel_loop3A_256 = arith.constant 32 : i32
          %parallel_loop3A_257 = arith.addi %parallel_loop3A_167, %parallel_loop3A_256 : i32
          %parallel_loop3A_258 = arith.index_cast %parallel_loop3A_257 : i32 to index
          %parallel_loop3A_259 = tpu.vector_load %arg5[%parallel_loop3A_258] {strides = array<i32>} : memref<76992xf32, #tpu.memory_space<vmem>>, vector<16xf32>,
          %parallel_loop3A_260 = vector.shape_cast %parallel_loop3A_259 : vector<16xf32> to vector<16xf32>
          %parallel_loop3A_261 = arith.addf %parallel_loop3A_255, %parallel_loop3A_260 : vector<16xf32>
          %parallel_loop3A_262 = arith.index_cast %parallel_loop3A_154 : i32 to index
          %parallel_loop3A_263 = arith.constant 32 : index
          %parallel_loop3A_264 = tpu.vector_load %arg8[%parallel_loop3A_262, %parallel_loop3A_263] {strides = array<i32>} : memref<96x64xf32, #tpu.memory_space<vmem>>, vector<1x16xf32>,
          %parallel_loop3A_265 = vector.shape_cast %parallel_loop3A_264 : vector<1x16xf32> to vector<16xf32>
          %parallel_loop3A_266 = vector.shape_cast %parallel_loop3A_261 : vector<16xf32> to vector<1x16xf32>
          tpu.vector_store %arg8[%parallel_loop3A_262, %parallel_loop3A_263], %parallel_loop3A_266 {strides = array<i32>} : memref<96x64xf32, #tpu.memory_space<vmem>>, vector<1x16xf32>,
          %parallel_loop3A_267 = arith.index_cast %parallel_loop3A_154 : i32 to index
          %parallel_loop3A_268 = arith.constant 48 : index
          %parallel_loop3A_269 = tpu.vector_load %arg6[%parallel_loop3A_267, %parallel_loop3A_268] {strides = array<i32>} : memref<96x128xf32, #tpu.memory_space<vmem>>, vector<1x16xf32>,
          %parallel_loop3A_270 = vector.shape_cast %parallel_loop3A_269 : vector<1x16xf32> to vector<16xf32>
          %parallel_loop3A_271 = arith.constant 48 : i32
          %parallel_loop3A_272 = arith.addi %parallel_loop3A_161, %parallel_loop3A_271 : i32
          %parallel_loop3A_273 = arith.index_cast %parallel_loop3A_272 : i32 to index
          %parallel_loop3A_274 = tpu.vector_load %arg5[%parallel_loop3A_273] {strides = array<i32>} : memref<76992xf32, #tpu.memory_space<vmem>>, vector<16xf32>,
          %parallel_loop3A_275 = vector.shape_cast %parallel_loop3A_274 : vector<16xf32> to vector<16xf32>
          %parallel_loop3A_276 = arith.addf %parallel_loop3A_270, %parallel_loop3A_275 : vector<16xf32>
          %parallel_loop3A_277 = arith.constant 48 : i32
          %parallel_loop3A_278 = arith.addi %parallel_loop3A_163, %parallel_loop3A_277 : i32
          %parallel_loop3A_279 = arith.index_cast %parallel_loop3A_278 : i32 to index
          %parallel_loop3A_280 = tpu.vector_load %arg5[%parallel_loop3A_279] {strides = array<i32>} : memref<76992xf32, #tpu.memory_space<vmem>>, vector<16xf32>,
          %parallel_loop3A_281 = vector.shape_cast %parallel_loop3A_280 : vector<16xf32> to vector<16xf32>
          %parallel_loop3A_282 = arith.addf %parallel_loop3A_276, %parallel_loop3A_281 : vector<16xf32>
          %parallel_loop3A_283 = arith.constant 48 : i32
          %parallel_loop3A_284 = arith.addi %parallel_loop3A_165, %parallel_loop3A_283 : i32
          %parallel_loop3A_285 = arith.index_cast %parallel_loop3A_284 : i32 to index
          %parallel_loop3A_286 = tpu.vector_load %arg5[%parallel_loop3A_285] {strides = array<i32>} : memref<76992xf32, #tpu.memory_space<vmem>>, vector<16xf32>,
          %parallel_loop3A_287 = vector.shape_cast %parallel_loop3A_286 : vector<16xf32> to vector<16xf32>
          %parallel_loop3A_288 = arith.addf %parallel_loop3A_282, %parallel_loop3A_287 : vector<16xf32>
          %parallel_loop3A_289 = arith.constant 48 : i32
          %parallel_loop3A_290 = arith.addi %parallel_loop3A_167, %parallel_loop3A_289 : i32
          %parallel_loop3A_291 = arith.index_cast %parallel_loop3A_290 : i32 to index
          %parallel_loop3A_292 = tpu.vector_load %arg5[%parallel_loop3A_291] {strides = array<i32>} : memref<76992xf32, #tpu.memory_space<vmem>>, vector<16xf32>,
          %parallel_loop3A_293 = vector.shape_cast %parallel_loop3A_292 : vector<16xf32> to vector<16xf32>
          %parallel_loop3A_294 = arith.addf %parallel_loop3A_288, %parallel_loop3A_293 : vector<16xf32>
          %parallel_loop3A_295 = arith.index_cast %parallel_loop3A_154 : i32 to index
          %parallel_loop3A_296 = arith.constant 48 : index
          %parallel_loop3A_297 = tpu.vector_load %arg8[%parallel_loop3A_295, %parallel_loop3A_296] {strides = array<i32>} : memref<96x64xf32, #tpu.memory_space<vmem>>, vector<1x16xf32>,
          %parallel_loop3A_298 = vector.shape_cast %parallel_loop3A_297 : vector<1x16xf32> to vector<16xf32>
          %parallel_loop3A_299 = vector.shape_cast %parallel_loop3A_294 : vector<16xf32> to vector<1x16xf32>
          tpu.vector_store %arg8[%parallel_loop3A_295, %parallel_loop3A_296], %parallel_loop3A_299 {strides = array<i32>} : memref<96x64xf32, #tpu.memory_space<vmem>>, vector<1x16xf32>,
        } {sc.loop_unroll_factor = 4 : i64, sc.parallel_access}
        %mul3A_132 = arith.constant 96 : i32
        %mul3A_133 = arith.muli %while3A_72, %mul3A_132 : i32
        %add3A_134 = arith.addi %mul3A_2, %mul3A_133 : i32
        %dma_start3A_135 = arith.constant 2 : i32
        %dma_start3A_136 = arith.constant 0 : i32
        %dma_start3A_137 = arith.constant 0 : i32
        %dma_start3A_138 = tpu.memref_slice %arg8[%dma_start3A_136, %dma_start3A_137] : memref<96x64xf32, #tpu.memory_space<vmem>> -> memref<96x64xf32, #tpu.memory_space<vmem>>
        %dma_start3A_139 = arith.constant 0 : i32
        %dma_start3A_140 = tpu.memref_slice %arg4[%add3A_134, %dma_start3A_139] : memref<100000x64xf32, #tpu.memory_space<hbm>> -> memref<96x64xf32, #tpu.memory_space<hbm>>
        %dma_start3A_141 = tpu.memref_slice %arg10[%dma_start3A_135] : memref<4x!tpu.dma_semaphore, #tpu.memory_space<semaphore_mem>> -> memref<1x!tpu.dma_semaphore, #tpu.memory_space<semaphore_mem>>
        %dma_start3A_142 = tpu.memref_squeeze %dma_start3A_141 : memref<1x!tpu.dma_semaphore, #tpu.memory_space<semaphore_mem>> -> memref<!tpu.dma_semaphore, #tpu.memory_space<semaphore_mem>>
        %dma_start3A_143 = arith.constant 0 : i32
        %dma_start3A_144 = tpu.memref_slice %arg4[%add3A_134, %dma_start3A_143] : memref<100000x64xf32, #tpu.memory_space<hbm>> -> memref<96x64xf32, #tpu.memory_space<hbm>>
        %dma_start3A_145 = arith.constant 0 : i32
        %dma_start3A_146 = arith.constant 0 : i32
        %dma_start3A_147 = tpu.memref_slice %arg8[%dma_start3A_145, %dma_start3A_146] : memref<96x64xf32, #tpu.memory_space<vmem>> -> memref<96x64xf32, #tpu.memory_space<vmem>>
        tpu.enqueue_dma source(%dma_start3A_147 : memref<96x64xf32, #tpu.memory_space<vmem>>) target(%dma_start3A_144 : memref<96x64xf32, #tpu.memory_space<hbm>>) target_semaphore(%dma_start3A_142 : memref<!tpu.dma_semaphore, #tpu.memory_space<semaphore_mem>>)
        %add3A_148 = arith.constant 2 : i32
        %add3A_149 = arith.addi %while3A_72, %add3A_148 : i32
        %lt3A_150 = arith.cmpi slt, %add3A_149, %select_n3A : i32
        %convert_element_type3A_151 = arith.extui %lt3A_150 : i1 to i32
        %cond3A_152 = arith.constant 0 : i32
        %cond3A_153 = arith.cmpi ne, %convert_element_type3A_151, %cond3A_152 : i32
        scf.if %cond3A_153 {
          %add3A_154 = arith.constant 2 : i32
          %add3A_155 = arith.addi %while3A_72, %add3A_154 : i32
          %mul3A_156 = arith.constant 96 : i32
          %mul3A_157 = arith.muli %add3A_155, %mul3A_156 : i32
          %add3A_158 = arith.addi %mul3A_2, %mul3A_157 : i32
          %dma_start3A_159 = arith.constant 0 : i32
          %dma_start3A_160 = arith.constant 0 : i32
          %dma_start3A_161 = arith.constant 0 : i32
          %dma_start3A_162 = tpu.memref_slice %arg6[%dma_start3A_160, %dma_start3A_161] : memref<96x128xf32, #tpu.memory_space<vmem>> -> memref<96x128xf32, #tpu.memory_space<vmem>>
          %dma_start3A_163 = arith.constant 0 : i32
          %dma_start3A_164 = tpu.memref_slice %arg3[%add3A_158, %dma_start3A_163] : memref<100000x128xf32, #tpu.memory_space<hbm>> -> memref<96x128xf32, #tpu.memory_space<hbm>>
          %dma_start3A_165 = tpu.memref_slice %arg10[%dma_start3A_159] : memref<4x!tpu.dma_semaphore, #tpu.memory_space<semaphore_mem>> -> memref<1x!tpu.dma_semaphore, #tpu.memory_space<semaphore_mem>>
          %dma_start3A_166 = tpu.memref_squeeze %dma_start3A_165 : memref<1x!tpu.dma_semaphore, #tpu.memory_space<semaphore_mem>> -> memref<!tpu.dma_semaphore, #tpu.memory_space<semaphore_mem>>
          %dma_start3A_167 = arith.constant 0 : i32
          %dma_start3A_168 = arith.constant 0 : i32
          %dma_start3A_169 = tpu.memref_slice %arg6[%dma_start3A_167, %dma_start3A_168] : memref<96x128xf32, #tpu.memory_space<vmem>> -> memref<96x128xf32, #tpu.memory_space<vmem>>
          %dma_start3A_170 = arith.constant 0 : i32
          %dma_start3A_171 = tpu.memref_slice %arg3[%add3A_158, %dma_start3A_170] : memref<100000x128xf32, #tpu.memory_space<hbm>> -> memref<96x128xf32, #tpu.memory_space<hbm>>
          tpu.enqueue_dma source(%dma_start3A_171 : memref<96x128xf32, #tpu.memory_space<hbm>>) target(%dma_start3A_169 : memref<96x128xf32, #tpu.memory_space<vmem>>) target_semaphore(%dma_start3A_166 : memref<!tpu.dma_semaphore, #tpu.memory_space<semaphore_mem>>)
        } else {
        }
      } else {
      }
      %jit3A_90 = arith.constant 2 : i32
      %eq3A_91 = arith.constant 0 : i32
      %eq3A_92 = arith.cmpi eq, %jit3A_90, %eq3A_91 : i32
      %jit3A_93 = arith.constant 1 : i32
      %select_n3A_94 = arith.select %eq3A_92, %jit3A_93, %jit3A_90 : i32
      %rem3A_95 = arith.remsi %while3A_72, %select_n3A_94 : i32
      %ne3A_96 = arith.constant 0 : i32
      %ne3A_97 = arith.cmpi ne, %rem3A_95, %ne3A_96 : i32
      %lt3A_98 = arith.constant 0 : i32
      %lt3A_99 = arith.cmpi slt, %rem3A_95, %lt3A_98 : i32
      %lt3A_100 = arith.constant 0 : i32
      %lt3A_101 = arith.cmpi slt, %select_n3A_94, %lt3A_100 : i32
      %ne3A_102 = arith.xori %lt3A_99, %lt3A_101 : i1
      %and3A_103 = arith.andi %ne3A_102, %ne3A_97 : i1
      %add3A_104 = arith.addi %rem3A_95, %select_n3A_94 : i32
      %select_n3A_105 = arith.select %and3A_103, %add3A_104, %rem3A_95 : i32
      %eq3A_106 = arith.constant 1 : i32
      %eq3A_107 = arith.cmpi eq, %select_n3A_105, %eq3A_106 : i32
      %convert_element_type3A_108 = arith.extui %eq3A_107 : i1 to i32
      %cond3A_109 = arith.constant 0 : i32
      %cond3A_110 = arith.cmpi ne, %convert_element_type3A_108, %cond3A_109 : i32
      scf.if %cond3A_110 {
        %dma_wait3A_111 = arith.constant 1 : i32
        %dma_wait3A_112 = arith.constant 0 : i32
        %dma_wait3A_113 = arith.constant 0 : i32
        %dma_wait3A_114 = tpu.memref_slice %arg7[%dma_wait3A_112, %dma_wait3A_113] : memref<96x128xf32, #tpu.memory_space<vmem>> -> memref<96x128xf32, #tpu.memory_space<vmem>>
        %dma_wait3A_115 = arith.constant 0 : i32
        %dma_wait3A_116 = arith.constant 0 : i32
        %dma_wait3A_117 = tpu.memref_slice %arg3[%dma_wait3A_115, %dma_wait3A_116] : memref<100000x128xf32, #tpu.memory_space<hbm>> -> memref<96x128xf32, #tpu.memory_space<hbm>>
        %dma_wait3A_118 = tpu.memref_slice %arg10[%dma_wait3A_111] : memref<4x!tpu.dma_semaphore, #tpu.memory_space<semaphore_mem>> -> memref<1x!tpu.dma_semaphore, #tpu.memory_space<semaphore_mem>>
        %dma_wait3A_119 = tpu.memref_squeeze %dma_wait3A_118 : memref<1x!tpu.dma_semaphore, #tpu.memory_space<semaphore_mem>> -> memref<!tpu.dma_semaphore, #tpu.memory_space<semaphore_mem>>
        %dma_wait3A_120 = arith.constant 0 : i32
        %dma_wait3A_121 = arith.constant 0 : i32
        %dma_wait3A_122 = tpu.memref_slice %arg7[%dma_wait3A_120, %dma_wait3A_121] : memref<96x128xf32, #tpu.memory_space<vmem>> -> memref<96x128xf32, #tpu.memory_space<vmem>>
        %dma_wait3A_123 = arith.constant 0 : i32
        %dma_wait3A_124 = arith.constant 0 : i32
        %dma_wait3A_125 = tpu.memref_slice %arg3[%dma_wait3A_123, %dma_wait3A_124] : memref<100000x128xf32, #tpu.memory_space<hbm>> -> memref<96x128xf32, #tpu.memory_space<hbm>>
        tpu.wait_dma2 semaphore(%dma_wait3A_119 : memref<!tpu.dma_semaphore, #tpu.memory_space<semaphore_mem>>) src(%dma_wait3A_125 : memref<96x128xf32, #tpu.memory_space<hbm>>) dst(%dma_wait3A_122 : memref<96x128xf32, #tpu.memory_space<vmem>>)
        %ge3A = arith.constant 2 : i32
        %ge3A_126 = arith.cmpi sge, %while3A_72, %ge3A : i32
        %convert_element_type3A_127 = arith.extui %ge3A_126 : i1 to i32
        %cond3A_128 = arith.constant 0 : i32
        %cond3A_129 = arith.cmpi ne, %convert_element_type3A_127, %cond3A_128 : i32
        scf.if %cond3A_129 {
          %dma_wait3A_154 = arith.constant 3 : i32
          %dma_wait3A_155 = arith.constant 0 : i32
          %dma_wait3A_156 = arith.constant 0 : i32
          %dma_wait3A_157 = tpu.memref_slice %arg9[%dma_wait3A_155, %dma_wait3A_156] : memref<96x64xf32, #tpu.memory_space<vmem>> -> memref<96x64xf32, #tpu.memory_space<vmem>>
          %dma_wait3A_158 = arith.constant 0 : i32
          %dma_wait3A_159 = arith.constant 0 : i32
          %dma_wait3A_160 = tpu.memref_slice %arg4[%dma_wait3A_158, %dma_wait3A_159] : memref<100000x64xf32, #tpu.memory_space<hbm>> -> memref<96x64xf32, #tpu.memory_space<hbm>>
          %dma_wait3A_161 = tpu.memref_slice %arg10[%dma_wait3A_154] : memref<4x!tpu.dma_semaphore, #tpu.memory_space<semaphore_mem>> -> memref<1x!tpu.dma_semaphore, #tpu.memory_space<semaphore_mem>>
          %dma_wait3A_162 = tpu.memref_squeeze %dma_wait3A_161 : memref<1x!tpu.dma_semaphore, #tpu.memory_space<semaphore_mem>> -> memref<!tpu.dma_semaphore, #tpu.memory_space<semaphore_mem>>
          %dma_wait3A_163 = arith.constant 0 : i32
          %dma_wait3A_164 = arith.constant 0 : i32
          %dma_wait3A_165 = tpu.memref_slice %arg4[%dma_wait3A_163, %dma_wait3A_164] : memref<100000x64xf32, #tpu.memory_space<hbm>> -> memref<96x64xf32, #tpu.memory_space<hbm>>
          %dma_wait3A_166 = arith.constant 0 : i32
          %dma_wait3A_167 = arith.constant 0 : i32
          %dma_wait3A_168 = tpu.memref_slice %arg9[%dma_wait3A_166, %dma_wait3A_167] : memref<96x64xf32, #tpu.memory_space<vmem>> -> memref<96x64xf32, #tpu.memory_space<vmem>>
          tpu.wait_dma2 semaphore(%dma_wait3A_162 : memref<!tpu.dma_semaphore, #tpu.memory_space<semaphore_mem>>) src(%dma_wait3A_168 : memref<96x64xf32, #tpu.memory_space<vmem>>) dst(%dma_wait3A_165 : memref<96x64xf32, #tpu.memory_space<hbm>>)
        } else {
        }
        %parallel_loop3A = arith.constant 0 : i32
        %parallel_loop3A_130 = arith.constant 96 : i32
        %parallel_loop3A_131 = arith.constant 1 : i32
        scf.for %parallel_loop3A_154 = %parallel_loop3A to %parallel_loop3A_130 step %parallel_loop3A_131  : i32 {
          %parallel_loop3A_155 = arith.index_cast %parallel_loop3A_154 : i32 to index
          %parallel_loop3A_156 = arith.constant 64 : index
          %parallel_loop3A_157 = tpu.vector_load %arg7[%parallel_loop3A_155, %parallel_loop3A_156] {strides = array<i32>} : memref<96x128xf32, #tpu.memory_space<vmem>>, vector<1x16xf32>,
          %parallel_loop3A_158 = vector.shape_cast %parallel_loop3A_157 : vector<1x16xf32> to vector<16xf32>
          %parallel_loop3A_159 = arith.fptosi %parallel_loop3A_158 : vector<16xf32> to vector<16xi32>
          %parallel_loop3A_160 = vector.extract_strided_slice %parallel_loop3A_159 {offsets = [0], sizes = [1], strides = [1]} : vector<16xi32> to vector<1xi32>
          %parallel_loop3A_161 = vector.extract %parallel_loop3A_160[0] : i32 from vector<1xi32>
          %parallel_loop3A_162 = vector.extract_strided_slice %parallel_loop3A_159 {offsets = [1], sizes = [1], strides = [1]} : vector<16xi32> to vector<1xi32>
          %parallel_loop3A_163 = vector.extract %parallel_loop3A_162[0] : i32 from vector<1xi32>
          %parallel_loop3A_164 = vector.extract_strided_slice %parallel_loop3A_159 {offsets = [2], sizes = [1], strides = [1]} : vector<16xi32> to vector<1xi32>
          %parallel_loop3A_165 = vector.extract %parallel_loop3A_164[0] : i32 from vector<1xi32>
          %parallel_loop3A_166 = vector.extract_strided_slice %parallel_loop3A_159 {offsets = [3], sizes = [1], strides = [1]} : vector<16xi32> to vector<1xi32>
          %parallel_loop3A_167 = vector.extract %parallel_loop3A_166[0] : i32 from vector<1xi32>
          %parallel_loop3A_168 = arith.index_cast %parallel_loop3A_154 : i32 to index
          %parallel_loop3A_169 = arith.constant 0 : index
          %parallel_loop3A_170 = tpu.vector_load %arg7[%parallel_loop3A_168, %parallel_loop3A_169] {strides = array<i32>} : memref<96x128xf32, #tpu.memory_space<vmem>>, vector<1x16xf32>,
          %parallel_loop3A_171 = vector.shape_cast %parallel_loop3A_170 : vector<1x16xf32> to vector<16xf32>
          %parallel_loop3A_172 = arith.constant 0 : i32
          %parallel_loop3A_173 = arith.addi %parallel_loop3A_161, %parallel_loop3A_172 : i32
          %parallel_loop3A_174 = arith.index_cast %parallel_loop3A_173 : i32 to index
          %parallel_loop3A_175 = tpu.vector_load %arg5[%parallel_loop3A_174] {strides = array<i32>} : memref<76992xf32, #tpu.memory_space<vmem>>, vector<16xf32>,
          %parallel_loop3A_176 = vector.shape_cast %parallel_loop3A_175 : vector<16xf32> to vector<16xf32>
          %parallel_loop3A_177 = arith.addf %parallel_loop3A_171, %parallel_loop3A_176 : vector<16xf32>
          %parallel_loop3A_178 = arith.constant 0 : i32
          %parallel_loop3A_179 = arith.addi %parallel_loop3A_163, %parallel_loop3A_178 : i32
          %parallel_loop3A_180 = arith.index_cast %parallel_loop3A_179 : i32 to index
          %parallel_loop3A_181 = tpu.vector_load %arg5[%parallel_loop3A_180] {strides = array<i32>} : memref<76992xf32, #tpu.memory_space<vmem>>, vector<16xf32>,
          %parallel_loop3A_182 = vector.shape_cast %parallel_loop3A_181 : vector<16xf32> to vector<16xf32>
          %parallel_loop3A_183 = arith.addf %parallel_loop3A_177, %parallel_loop3A_182 : vector<16xf32>
          %parallel_loop3A_184 = arith.constant 0 : i32
          %parallel_loop3A_185 = arith.addi %parallel_loop3A_165, %parallel_loop3A_184 : i32
          %parallel_loop3A_186 = arith.index_cast %parallel_loop3A_185 : i32 to index
          %parallel_loop3A_187 = tpu.vector_load %arg5[%parallel_loop3A_186] {strides = array<i32>} : memref<76992xf32, #tpu.memory_space<vmem>>, vector<16xf32>,
          %parallel_loop3A_188 = vector.shape_cast %parallel_loop3A_187 : vector<16xf32> to vector<16xf32>
          %parallel_loop3A_189 = arith.addf %parallel_loop3A_183, %parallel_loop3A_188 : vector<16xf32>
          %parallel_loop3A_190 = arith.constant 0 : i32
          %parallel_loop3A_191 = arith.addi %parallel_loop3A_167, %parallel_loop3A_190 : i32
          %parallel_loop3A_192 = arith.index_cast %parallel_loop3A_191 : i32 to index
          %parallel_loop3A_193 = tpu.vector_load %arg5[%parallel_loop3A_192] {strides = array<i32>} : memref<76992xf32, #tpu.memory_space<vmem>>, vector<16xf32>,
          %parallel_loop3A_194 = vector.shape_cast %parallel_loop3A_193 : vector<16xf32> to vector<16xf32>
          %parallel_loop3A_195 = arith.addf %parallel_loop3A_189, %parallel_loop3A_194 : vector<16xf32>
          %parallel_loop3A_196 = arith.index_cast %parallel_loop3A_154 : i32 to index
          %parallel_loop3A_197 = arith.constant 0 : index
          %parallel_loop3A_198 = tpu.vector_load %arg9[%parallel_loop3A_196, %parallel_loop3A_197] {strides = array<i32>} : memref<96x64xf32, #tpu.memory_space<vmem>>, vector<1x16xf32>,
          %parallel_loop3A_199 = vector.shape_cast %parallel_loop3A_198 : vector<1x16xf32> to vector<16xf32>
          %parallel_loop3A_200 = vector.shape_cast %parallel_loop3A_195 : vector<16xf32> to vector<1x16xf32>
          tpu.vector_store %arg9[%parallel_loop3A_196, %parallel_loop3A_197], %parallel_loop3A_200 {strides = array<i32>} : memref<96x64xf32, #tpu.memory_space<vmem>>, vector<1x16xf32>,
          %parallel_loop3A_201 = arith.index_cast %parallel_loop3A_154 : i32 to index
          %parallel_loop3A_202 = arith.constant 16 : index
          %parallel_loop3A_203 = tpu.vector_load %arg7[%parallel_loop3A_201, %parallel_loop3A_202] {strides = array<i32>} : memref<96x128xf32, #tpu.memory_space<vmem>>, vector<1x16xf32>,
          %parallel_loop3A_204 = vector.shape_cast %parallel_loop3A_203 : vector<1x16xf32> to vector<16xf32>
          %parallel_loop3A_205 = arith.constant 16 : i32
          %parallel_loop3A_206 = arith.addi %parallel_loop3A_161, %parallel_loop3A_205 : i32
          %parallel_loop3A_207 = arith.index_cast %parallel_loop3A_206 : i32 to index
          %parallel_loop3A_208 = tpu.vector_load %arg5[%parallel_loop3A_207] {strides = array<i32>} : memref<76992xf32, #tpu.memory_space<vmem>>, vector<16xf32>,
          %parallel_loop3A_209 = vector.shape_cast %parallel_loop3A_208 : vector<16xf32> to vector<16xf32>
          %parallel_loop3A_210 = arith.addf %parallel_loop3A_204, %parallel_loop3A_209 : vector<16xf32>
          %parallel_loop3A_211 = arith.constant 16 : i32
          %parallel_loop3A_212 = arith.addi %parallel_loop3A_163, %parallel_loop3A_211 : i32
          %parallel_loop3A_213 = arith.index_cast %parallel_loop3A_212 : i32 to index
          %parallel_loop3A_214 = tpu.vector_load %arg5[%parallel_loop3A_213] {strides = array<i32>} : memref<76992xf32, #tpu.memory_space<vmem>>, vector<16xf32>,
          %parallel_loop3A_215 = vector.shape_cast %parallel_loop3A_214 : vector<16xf32> to vector<16xf32>
          %parallel_loop3A_216 = arith.addf %parallel_loop3A_210, %parallel_loop3A_215 : vector<16xf32>
          %parallel_loop3A_217 = arith.constant 16 : i32
          %parallel_loop3A_218 = arith.addi %parallel_loop3A_165, %parallel_loop3A_217 : i32
          %parallel_loop3A_219 = arith.index_cast %parallel_loop3A_218 : i32 to index
          %parallel_loop3A_220 = tpu.vector_load %arg5[%parallel_loop3A_219] {strides = array<i32>} : memref<76992xf32, #tpu.memory_space<vmem>>, vector<16xf32>,
          %parallel_loop3A_221 = vector.shape_cast %parallel_loop3A_220 : vector<16xf32> to vector<16xf32>
          %parallel_loop3A_222 = arith.addf %parallel_loop3A_216, %parallel_loop3A_221 : vector<16xf32>
          %parallel_loop3A_223 = arith.constant 16 : i32
          %parallel_loop3A_224 = arith.addi %parallel_loop3A_167, %parallel_loop3A_223 : i32
          %parallel_loop3A_225 = arith.index_cast %parallel_loop3A_224 : i32 to index
          %parallel_loop3A_226 = tpu.vector_load %arg5[%parallel_loop3A_225] {strides = array<i32>} : memref<76992xf32, #tpu.memory_space<vmem>>, vector<16xf32>,
          %parallel_loop3A_227 = vector.shape_cast %parallel_loop3A_226 : vector<16xf32> to vector<16xf32>
          %parallel_loop3A_228 = arith.addf %parallel_loop3A_222, %parallel_loop3A_227 : vector<16xf32>
          %parallel_loop3A_229 = arith.index_cast %parallel_loop3A_154 : i32 to index
          %parallel_loop3A_230 = arith.constant 16 : index
          %parallel_loop3A_231 = tpu.vector_load %arg9[%parallel_loop3A_229, %parallel_loop3A_230] {strides = array<i32>} : memref<96x64xf32, #tpu.memory_space<vmem>>, vector<1x16xf32>,
          %parallel_loop3A_232 = vector.shape_cast %parallel_loop3A_231 : vector<1x16xf32> to vector<16xf32>
          %parallel_loop3A_233 = vector.shape_cast %parallel_loop3A_228 : vector<16xf32> to vector<1x16xf32>
          tpu.vector_store %arg9[%parallel_loop3A_229, %parallel_loop3A_230], %parallel_loop3A_233 {strides = array<i32>} : memref<96x64xf32, #tpu.memory_space<vmem>>, vector<1x16xf32>,
          %parallel_loop3A_234 = arith.index_cast %parallel_loop3A_154 : i32 to index
          %parallel_loop3A_235 = arith.constant 32 : index
          %parallel_loop3A_236 = tpu.vector_load %arg7[%parallel_loop3A_234, %parallel_loop3A_235] {strides = array<i32>} : memref<96x128xf32, #tpu.memory_space<vmem>>, vector<1x16xf32>,
          %parallel_loop3A_237 = vector.shape_cast %parallel_loop3A_236 : vector<1x16xf32> to vector<16xf32>
          %parallel_loop3A_238 = arith.constant 32 : i32
          %parallel_loop3A_239 = arith.addi %parallel_loop3A_161, %parallel_loop3A_238 : i32
          %parallel_loop3A_240 = arith.index_cast %parallel_loop3A_239 : i32 to index
          %parallel_loop3A_241 = tpu.vector_load %arg5[%parallel_loop3A_240] {strides = array<i32>} : memref<76992xf32, #tpu.memory_space<vmem>>, vector<16xf32>,
          %parallel_loop3A_242 = vector.shape_cast %parallel_loop3A_241 : vector<16xf32> to vector<16xf32>
          %parallel_loop3A_243 = arith.addf %parallel_loop3A_237, %parallel_loop3A_242 : vector<16xf32>
          %parallel_loop3A_244 = arith.constant 32 : i32
          %parallel_loop3A_245 = arith.addi %parallel_loop3A_163, %parallel_loop3A_244 : i32
          %parallel_loop3A_246 = arith.index_cast %parallel_loop3A_245 : i32 to index
          %parallel_loop3A_247 = tpu.vector_load %arg5[%parallel_loop3A_246] {strides = array<i32>} : memref<76992xf32, #tpu.memory_space<vmem>>, vector<16xf32>,
          %parallel_loop3A_248 = vector.shape_cast %parallel_loop3A_247 : vector<16xf32> to vector<16xf32>
          %parallel_loop3A_249 = arith.addf %parallel_loop3A_243, %parallel_loop3A_248 : vector<16xf32>
          %parallel_loop3A_250 = arith.constant 32 : i32
          %parallel_loop3A_251 = arith.addi %parallel_loop3A_165, %parallel_loop3A_250 : i32
          %parallel_loop3A_252 = arith.index_cast %parallel_loop3A_251 : i32 to index
          %parallel_loop3A_253 = tpu.vector_load %arg5[%parallel_loop3A_252] {strides = array<i32>} : memref<76992xf32, #tpu.memory_space<vmem>>, vector<16xf32>,
          %parallel_loop3A_254 = vector.shape_cast %parallel_loop3A_253 : vector<16xf32> to vector<16xf32>
          %parallel_loop3A_255 = arith.addf %parallel_loop3A_249, %parallel_loop3A_254 : vector<16xf32>
          %parallel_loop3A_256 = arith.constant 32 : i32
          %parallel_loop3A_257 = arith.addi %parallel_loop3A_167, %parallel_loop3A_256 : i32
          %parallel_loop3A_258 = arith.index_cast %parallel_loop3A_257 : i32 to index
          %parallel_loop3A_259 = tpu.vector_load %arg5[%parallel_loop3A_258] {strides = array<i32>} : memref<76992xf32, #tpu.memory_space<vmem>>, vector<16xf32>,
          %parallel_loop3A_260 = vector.shape_cast %parallel_loop3A_259 : vector<16xf32> to vector<16xf32>
          %parallel_loop3A_261 = arith.addf %parallel_loop3A_255, %parallel_loop3A_260 : vector<16xf32>
          %parallel_loop3A_262 = arith.index_cast %parallel_loop3A_154 : i32 to index
          %parallel_loop3A_263 = arith.constant 32 : index
          %parallel_loop3A_264 = tpu.vector_load %arg9[%parallel_loop3A_262, %parallel_loop3A_263] {strides = array<i32>} : memref<96x64xf32, #tpu.memory_space<vmem>>, vector<1x16xf32>,
          %parallel_loop3A_265 = vector.shape_cast %parallel_loop3A_264 : vector<1x16xf32> to vector<16xf32>
          %parallel_loop3A_266 = vector.shape_cast %parallel_loop3A_261 : vector<16xf32> to vector<1x16xf32>
          tpu.vector_store %arg9[%parallel_loop3A_262, %parallel_loop3A_263], %parallel_loop3A_266 {strides = array<i32>} : memref<96x64xf32, #tpu.memory_space<vmem>>, vector<1x16xf32>,
          %parallel_loop3A_267 = arith.index_cast %parallel_loop3A_154 : i32 to index
          %parallel_loop3A_268 = arith.constant 48 : index
          %parallel_loop3A_269 = tpu.vector_load %arg7[%parallel_loop3A_267, %parallel_loop3A_268] {strides = array<i32>} : memref<96x128xf32, #tpu.memory_space<vmem>>, vector<1x16xf32>,
          %parallel_loop3A_270 = vector.shape_cast %parallel_loop3A_269 : vector<1x16xf32> to vector<16xf32>
          %parallel_loop3A_271 = arith.constant 48 : i32
          %parallel_loop3A_272 = arith.addi %parallel_loop3A_161, %parallel_loop3A_271 : i32
          %parallel_loop3A_273 = arith.index_cast %parallel_loop3A_272 : i32 to index
          %parallel_loop3A_274 = tpu.vector_load %arg5[%parallel_loop3A_273] {strides = array<i32>} : memref<76992xf32, #tpu.memory_space<vmem>>, vector<16xf32>,
          %parallel_loop3A_275 = vector.shape_cast %parallel_loop3A_274 : vector<16xf32> to vector<16xf32>
          %parallel_loop3A_276 = arith.addf %parallel_loop3A_270, %parallel_loop3A_275 : vector<16xf32>
          %parallel_loop3A_277 = arith.constant 48 : i32
          %parallel_loop3A_278 = arith.addi %parallel_loop3A_163, %parallel_loop3A_277 : i32
          %parallel_loop3A_279 = arith.index_cast %parallel_loop3A_278 : i32 to index
          %parallel_loop3A_280 = tpu.vector_load %arg5[%parallel_loop3A_279] {strides = array<i32>} : memref<76992xf32, #tpu.memory_space<vmem>>, vector<16xf32>,
          %parallel_loop3A_281 = vector.shape_cast %parallel_loop3A_280 : vector<16xf32> to vector<16xf32>
          %parallel_loop3A_282 = arith.addf %parallel_loop3A_276, %parallel_loop3A_281 : vector<16xf32>
          %parallel_loop3A_283 = arith.constant 48 : i32
          %parallel_loop3A_284 = arith.addi %parallel_loop3A_165, %parallel_loop3A_283 : i32
          %parallel_loop3A_285 = arith.index_cast %parallel_loop3A_284 : i32 to index
          %parallel_loop3A_286 = tpu.vector_load %arg5[%parallel_loop3A_285] {strides = array<i32>} : memref<76992xf32, #tpu.memory_space<vmem>>, vector<16xf32>,
          %parallel_loop3A_287 = vector.shape_cast %parallel_loop3A_286 : vector<16xf32> to vector<16xf32>
          %parallel_loop3A_288 = arith.addf %parallel_loop3A_282, %parallel_loop3A_287 : vector<16xf32>
          %parallel_loop3A_289 = arith.constant 48 : i32
          %parallel_loop3A_290 = arith.addi %parallel_loop3A_167, %parallel_loop3A_289 : i32
          %parallel_loop3A_291 = arith.index_cast %parallel_loop3A_290 : i32 to index
          %parallel_loop3A_292 = tpu.vector_load %arg5[%parallel_loop3A_291] {strides = array<i32>} : memref<76992xf32, #tpu.memory_space<vmem>>, vector<16xf32>,
          %parallel_loop3A_293 = vector.shape_cast %parallel_loop3A_292 : vector<16xf32> to vector<16xf32>
          %parallel_loop3A_294 = arith.addf %parallel_loop3A_288, %parallel_loop3A_293 : vector<16xf32>
          %parallel_loop3A_295 = arith.index_cast %parallel_loop3A_154 : i32 to index
          %parallel_loop3A_296 = arith.constant 48 : index
          %parallel_loop3A_297 = tpu.vector_load %arg9[%parallel_loop3A_295, %parallel_loop3A_296] {strides = array<i32>} : memref<96x64xf32, #tpu.memory_space<vmem>>, vector<1x16xf32>,
          %parallel_loop3A_298 = vector.shape_cast %parallel_loop3A_297 : vector<1x16xf32> to vector<16xf32>
          %parallel_loop3A_299 = vector.shape_cast %parallel_loop3A_294 : vector<16xf32> to vector<1x16xf32>
          tpu.vector_store %arg9[%parallel_loop3A_295, %parallel_loop3A_296], %parallel_loop3A_299 {strides = array<i32>} : memref<96x64xf32, #tpu.memory_space<vmem>>, vector<1x16xf32>,
        } {sc.loop_unroll_factor = 4 : i64, sc.parallel_access}
        %mul3A_132 = arith.constant 96 : i32
        %mul3A_133 = arith.muli %while3A_72, %mul3A_132 : i32
        %add3A_134 = arith.addi %mul3A_2, %mul3A_133 : i32
        %dma_start3A_135 = arith.constant 3 : i32
        %dma_start3A_136 = arith.constant 0 : i32
        %dma_start3A_137 = arith.constant 0 : i32
        %dma_start3A_138 = tpu.memref_slice %arg9[%dma_start3A_136, %dma_start3A_137] : memref<96x64xf32, #tpu.memory_space<vmem>> -> memref<96x64xf32, #tpu.memory_space<vmem>>
        %dma_start3A_139 = arith.constant 0 : i32
        %dma_start3A_140 = tpu.memref_slice %arg4[%add3A_134, %dma_start3A_139] : memref<100000x64xf32, #tpu.memory_space<hbm>> -> memref<96x64xf32, #tpu.memory_space<hbm>>
        %dma_start3A_141 = tpu.memref_slice %arg10[%dma_start3A_135] : memref<4x!tpu.dma_semaphore, #tpu.memory_space<semaphore_mem>> -> memref<1x!tpu.dma_semaphore, #tpu.memory_space<semaphore_mem>>
        %dma_start3A_142 = tpu.memref_squeeze %dma_start3A_141 : memref<1x!tpu.dma_semaphore, #tpu.memory_space<semaphore_mem>> -> memref<!tpu.dma_semaphore, #tpu.memory_space<semaphore_mem>>
        %dma_start3A_143 = arith.constant 0 : i32
        %dma_start3A_144 = tpu.memref_slice %arg4[%add3A_134, %dma_start3A_143] : memref<100000x64xf32, #tpu.memory_space<hbm>> -> memref<96x64xf32, #tpu.memory_space<hbm>>
        %dma_start3A_145 = arith.constant 0 : i32
        %dma_start3A_146 = arith.constant 0 : i32
        %dma_start3A_147 = tpu.memref_slice %arg9[%dma_start3A_145, %dma_start3A_146] : memref<96x64xf32, #tpu.memory_space<vmem>> -> memref<96x64xf32, #tpu.memory_space<vmem>>
        tpu.enqueue_dma source(%dma_start3A_147 : memref<96x64xf32, #tpu.memory_space<vmem>>) target(%dma_start3A_144 : memref<96x64xf32, #tpu.memory_space<hbm>>) target_semaphore(%dma_start3A_142 : memref<!tpu.dma_semaphore, #tpu.memory_space<semaphore_mem>>)
        %add3A_148 = arith.constant 2 : i32
        %add3A_149 = arith.addi %while3A_72, %add3A_148 : i32
        %lt3A_150 = arith.cmpi slt, %add3A_149, %select_n3A : i32
        %convert_element_type3A_151 = arith.extui %lt3A_150 : i1 to i32
        %cond3A_152 = arith.constant 0 : i32
        %cond3A_153 = arith.cmpi ne, %convert_element_type3A_151, %cond3A_152 : i32
        scf.if %cond3A_153 {
          %add3A_154 = arith.constant 2 : i32
          %add3A_155 = arith.addi %while3A_72, %add3A_154 : i32
          %mul3A_156 = arith.constant 96 : i32
          %mul3A_157 = arith.muli %add3A_155, %mul3A_156 : i32
          %add3A_158 = arith.addi %mul3A_2, %mul3A_157 : i32
          %dma_start3A_159 = arith.constant 1 : i32
          %dma_start3A_160 = arith.constant 0 : i32
          %dma_start3A_161 = arith.constant 0 : i32
          %dma_start3A_162 = tpu.memref_slice %arg7[%dma_start3A_160, %dma_start3A_161] : memref<96x128xf32, #tpu.memory_space<vmem>> -> memref<96x128xf32, #tpu.memory_space<vmem>>
          %dma_start3A_163 = arith.constant 0 : i32
          %dma_start3A_164 = tpu.memref_slice %arg3[%add3A_158, %dma_start3A_163] : memref<100000x128xf32, #tpu.memory_space<hbm>> -> memref<96x128xf32, #tpu.memory_space<hbm>>
          %dma_start3A_165 = tpu.memref_slice %arg10[%dma_start3A_159] : memref<4x!tpu.dma_semaphore, #tpu.memory_space<semaphore_mem>> -> memref<1x!tpu.dma_semaphore, #tpu.memory_space<semaphore_mem>>
          %dma_start3A_166 = tpu.memref_squeeze %dma_start3A_165 : memref<1x!tpu.dma_semaphore, #tpu.memory_space<semaphore_mem>> -> memref<!tpu.dma_semaphore, #tpu.memory_space<semaphore_mem>>
          %dma_start3A_167 = arith.constant 0 : i32
          %dma_start3A_168 = arith.constant 0 : i32
          %dma_start3A_169 = tpu.memref_slice %arg7[%dma_start3A_167, %dma_start3A_168] : memref<96x128xf32, #tpu.memory_space<vmem>> -> memref<96x128xf32, #tpu.memory_space<vmem>>
          %dma_start3A_170 = arith.constant 0 : i32
          %dma_start3A_171 = tpu.memref_slice %arg3[%add3A_158, %dma_start3A_170] : memref<100000x128xf32, #tpu.memory_space<hbm>> -> memref<96x128xf32, #tpu.memory_space<hbm>>
          tpu.enqueue_dma source(%dma_start3A_171 : memref<96x128xf32, #tpu.memory_space<hbm>>) target(%dma_start3A_169 : memref<96x128xf32, #tpu.memory_space<vmem>>) target_semaphore(%dma_start3A_166 : memref<!tpu.dma_semaphore, #tpu.memory_space<semaphore_mem>>)
        } else {
        }
      } else {
      }
    }
    %dma_wait3A = arith.constant 2 : i32
    %dma_wait3A_41 = arith.constant 0 : i32
    %dma_wait3A_42 = arith.constant 0 : i32
    %dma_wait3A_43 = tpu.memref_slice %arg8[%dma_wait3A_41, %dma_wait3A_42] : memref<96x64xf32, #tpu.memory_space<vmem>> -> memref<96x64xf32, #tpu.memory_space<vmem>>
    %dma_wait3A_44 = arith.constant 0 : i32
    %dma_wait3A_45 = arith.constant 0 : i32
    %dma_wait3A_46 = tpu.memref_slice %arg4[%dma_wait3A_44, %dma_wait3A_45] : memref<100000x64xf32, #tpu.memory_space<hbm>> -> memref<96x64xf32, #tpu.memory_space<hbm>>
    %dma_wait3A_47 = tpu.memref_slice %arg10[%dma_wait3A] : memref<4x!tpu.dma_semaphore, #tpu.memory_space<semaphore_mem>> -> memref<1x!tpu.dma_semaphore, #tpu.memory_space<semaphore_mem>>
    %dma_wait3A_48 = tpu.memref_squeeze %dma_wait3A_47 : memref<1x!tpu.dma_semaphore, #tpu.memory_space<semaphore_mem>> -> memref<!tpu.dma_semaphore, #tpu.memory_space<semaphore_mem>>
    %dma_wait3A_49 = arith.constant 0 : i32
    %dma_wait3A_50 = arith.constant 0 : i32
    %dma_wait3A_51 = tpu.memref_slice %arg4[%dma_wait3A_49, %dma_wait3A_50] : memref<100000x64xf32, #tpu.memory_space<hbm>> -> memref<96x64xf32, #tpu.memory_space<hbm>>
    %dma_wait3A_52 = arith.constant 0 : i32
    %dma_wait3A_53 = arith.constant 0 : i32
    %dma_wait3A_54 = tpu.memref_slice %arg8[%dma_wait3A_52, %dma_wait3A_53] : memref<96x64xf32, #tpu.memory_space<vmem>> -> memref<96x64xf32, #tpu.memory_space<vmem>>
    tpu.wait_dma2 semaphore(%dma_wait3A_48 : memref<!tpu.dma_semaphore, #tpu.memory_space<semaphore_mem>>) src(%dma_wait3A_54 : memref<96x64xf32, #tpu.memory_space<vmem>>) dst(%dma_wait3A_51 : memref<96x64xf32, #tpu.memory_space<hbm>>)
    %dma_wait3A_55 = arith.constant 3 : i32
    %dma_wait3A_56 = arith.constant 0 : i32
    %dma_wait3A_57 = arith.constant 0 : i32
    %dma_wait3A_58 = tpu.memref_slice %arg9[%dma_wait3A_56, %dma_wait3A_57] : memref<96x64xf32, #tpu.memory_space<vmem>> -> memref<96x64xf32, #tpu.memory_space<vmem>>
    %dma_wait3A_59 = arith.constant 0 : i32
    %dma_wait3A_60 = arith.constant 0 : i32
    %dma_wait3A_61 = tpu.memref_slice %arg4[%dma_wait3A_59, %dma_wait3A_60] : memref<100000x64xf32, #tpu.memory_space<hbm>> -> memref<96x64xf32, #tpu.memory_space<hbm>>
    %dma_wait3A_62 = tpu.memref_slice %arg10[%dma_wait3A_55] : memref<4x!tpu.dma_semaphore, #tpu.memory_space<semaphore_mem>> -> memref<1x!tpu.dma_semaphore, #tpu.memory_space<semaphore_mem>>
    %dma_wait3A_63 = tpu.memref_squeeze %dma_wait3A_62 : memref<1x!tpu.dma_semaphore, #tpu.memory_space<semaphore_mem>> -> memref<!tpu.dma_semaphore, #tpu.memory_space<semaphore_mem>>
    %dma_wait3A_64 = arith.constant 0 : i32
    %dma_wait3A_65 = arith.constant 0 : i32
    %dma_wait3A_66 = tpu.memref_slice %arg4[%dma_wait3A_64, %dma_wait3A_65] : memref<100000x64xf32, #tpu.memory_space<hbm>> -> memref<96x64xf32, #tpu.memory_space<hbm>>
    %dma_wait3A_67 = arith.constant 0 : i32
    %dma_wait3A_68 = arith.constant 0 : i32
    %dma_wait3A_69 = tpu.memref_slice %arg9[%dma_wait3A_67, %dma_wait3A_68] : memref<96x64xf32, #tpu.memory_space<vmem>> -> memref<96x64xf32, #tpu.memory_space<vmem>>
    tpu.wait_dma2 semaphore(%dma_wait3A_63 : memref<!tpu.dma_semaphore, #tpu.memory_space<semaphore_mem>>) src(%dma_wait3A_69 : memref<96x64xf32, #tpu.memory_space<vmem>>) dst(%dma_wait3A_66 : memref<96x64xf32, #tpu.memory_space<hbm>>)
    %not3A = arith.constant true
    %not3A_70 = arith.xori %eq3A_3, %not3A : i1
    %convert_element_type3A = arith.extui %not3A_70 : i1 to i32
    %cond3A = arith.constant 0 : i32
    %cond3A_71 = arith.cmpi ne, %convert_element_type3A, %cond3A : i32
    scf.if %cond3A_71 {
      %add3A_72 = arith.constant 3072 : i32
      %add3A_73 = arith.addi %mul3A_2, %add3A_72 : i32
      %dma_start3A_74 = arith.constant 0 : i32
      %dma_start3A_75 = arith.constant 0 : i32
      %dma_start3A_76 = arith.constant 0 : i32
      %dma_start3A_77 = tpu.memref_slice %arg6[%dma_start3A_75, %dma_start3A_76] : memref<96x128xf32, #tpu.memory_space<vmem>> -> memref<64x128xf32, #tpu.memory_space<vmem>>
      %dma_start3A_78 = arith.constant 0 : i32
      %dma_start3A_79 = tpu.memref_slice %arg3[%add3A_73, %dma_start3A_78] : memref<100000x128xf32, #tpu.memory_space<hbm>> -> memref<64x128xf32, #tpu.memory_space<hbm>>
      %dma_start3A_80 = tpu.memref_slice %arg10[%dma_start3A_74] : memref<4x!tpu.dma_semaphore, #tpu.memory_space<semaphore_mem>> -> memref<1x!tpu.dma_semaphore, #tpu.memory_space<semaphore_mem>>
      %dma_start3A_81 = tpu.memref_squeeze %dma_start3A_80 : memref<1x!tpu.dma_semaphore, #tpu.memory_space<semaphore_mem>> -> memref<!tpu.dma_semaphore, #tpu.memory_space<semaphore_mem>>
      %dma_start3A_82 = arith.constant 0 : i32
      %dma_start3A_83 = arith.constant 0 : i32
      %dma_start3A_84 = tpu.memref_slice %arg6[%dma_start3A_82, %dma_start3A_83] : memref<96x128xf32, #tpu.memory_space<vmem>> -> memref<64x128xf32, #tpu.memory_space<vmem>>
      %dma_start3A_85 = arith.constant 0 : i32
      %dma_start3A_86 = tpu.memref_slice %arg3[%add3A_73, %dma_start3A_85] : memref<100000x128xf32, #tpu.memory_space<hbm>> -> memref<64x128xf32, #tpu.memory_space<hbm>>
      tpu.enqueue_dma source(%dma_start3A_86 : memref<64x128xf32, #tpu.memory_space<hbm>>) target(%dma_start3A_84 : memref<64x128xf32, #tpu.memory_space<vmem>>) target_semaphore(%dma_start3A_81 : memref<!tpu.dma_semaphore, #tpu.memory_space<semaphore_mem>>)
      %dma_wait3A_87 = arith.constant 0 : i32
      %dma_wait3A_88 = arith.constant 0 : i32
      %dma_wait3A_89 = arith.constant 0 : i32
      %dma_wait3A_90 = tpu.memref_slice %arg6[%dma_wait3A_88, %dma_wait3A_89] : memref<96x128xf32, #tpu.memory_space<vmem>> -> memref<64x128xf32, #tpu.memory_space<vmem>>
      %dma_wait3A_91 = arith.constant 0 : i32
      %dma_wait3A_92 = arith.constant 0 : i32
      %dma_wait3A_93 = tpu.memref_slice %arg3[%dma_wait3A_91, %dma_wait3A_92] : memref<100000x128xf32, #tpu.memory_space<hbm>> -> memref<64x128xf32, #tpu.memory_space<hbm>>
      %dma_wait3A_94 = tpu.memref_slice %arg10[%dma_wait3A_87] : memref<4x!tpu.dma_semaphore, #tpu.memory_space<semaphore_mem>> -> memref<1x!tpu.dma_semaphore, #tpu.memory_space<semaphore_mem>>
      %dma_wait3A_95 = tpu.memref_squeeze %dma_wait3A_94 : memref<1x!tpu.dma_semaphore, #tpu.memory_space<semaphore_mem>> -> memref<!tpu.dma_semaphore, #tpu.memory_space<semaphore_mem>>
      %dma_wait3A_96 = arith.constant 0 : i32
      %dma_wait3A_97 = arith.constant 0 : i32
      %dma_wait3A_98 = tpu.memref_slice %arg6[%dma_wait3A_96, %dma_wait3A_97] : memref<96x128xf32, #tpu.memory_space<vmem>> -> memref<64x128xf32, #tpu.memory_space<vmem>>
      %dma_wait3A_99 = arith.constant 0 : i32
      %dma_wait3A_100 = arith.constant 0 : i32
      %dma_wait3A_101 = tpu.memref_slice %arg3[%dma_wait3A_99, %dma_wait3A_100] : memref<100000x128xf32, #tpu.memory_space<hbm>> -> memref<64x128xf32, #tpu.memory_space<hbm>>
      tpu.wait_dma2 semaphore(%dma_wait3A_95 : memref<!tpu.dma_semaphore, #tpu.memory_space<semaphore_mem>>) src(%dma_wait3A_101 : memref<64x128xf32, #tpu.memory_space<hbm>>) dst(%dma_wait3A_98 : memref<64x128xf32, #tpu.memory_space<vmem>>)
      %parallel_loop3A = arith.constant 0 : i32
      %parallel_loop3A_102 = arith.constant 64 : i32
      %parallel_loop3A_103 = arith.constant 1 : i32
      scf.for %parallel_loop3A_132 = %parallel_loop3A to %parallel_loop3A_102 step %parallel_loop3A_103  : i32 {
        %parallel_loop3A_133 = arith.index_cast %parallel_loop3A_132 : i32 to index
        %parallel_loop3A_134 = arith.constant 64 : index
        %parallel_loop3A_135 = tpu.vector_load %arg6[%parallel_loop3A_133, %parallel_loop3A_134] {strides = array<i32>} : memref<96x128xf32, #tpu.memory_space<vmem>>, vector<1x16xf32>,
        %parallel_loop3A_136 = vector.shape_cast %parallel_loop3A_135 : vector<1x16xf32> to vector<16xf32>
        %parallel_loop3A_137 = arith.fptosi %parallel_loop3A_136 : vector<16xf32> to vector<16xi32>
        %parallel_loop3A_138 = vector.extract_strided_slice %parallel_loop3A_137 {offsets = [0], sizes = [1], strides = [1]} : vector<16xi32> to vector<1xi32>
        %parallel_loop3A_139 = vector.extract %parallel_loop3A_138[0] : i32 from vector<1xi32>
        %parallel_loop3A_140 = vector.extract_strided_slice %parallel_loop3A_137 {offsets = [1], sizes = [1], strides = [1]} : vector<16xi32> to vector<1xi32>
        %parallel_loop3A_141 = vector.extract %parallel_loop3A_140[0] : i32 from vector<1xi32>
        %parallel_loop3A_142 = vector.extract_strided_slice %parallel_loop3A_137 {offsets = [2], sizes = [1], strides = [1]} : vector<16xi32> to vector<1xi32>
        %parallel_loop3A_143 = vector.extract %parallel_loop3A_142[0] : i32 from vector<1xi32>
        %parallel_loop3A_144 = vector.extract_strided_slice %parallel_loop3A_137 {offsets = [3], sizes = [1], strides = [1]} : vector<16xi32> to vector<1xi32>
        %parallel_loop3A_145 = vector.extract %parallel_loop3A_144[0] : i32 from vector<1xi32>
        %parallel_loop3A_146 = arith.index_cast %parallel_loop3A_132 : i32 to index
        %parallel_loop3A_147 = arith.constant 0 : index
        %parallel_loop3A_148 = tpu.vector_load %arg6[%parallel_loop3A_146, %parallel_loop3A_147] {strides = array<i32>} : memref<96x128xf32, #tpu.memory_space<vmem>>, vector<1x16xf32>,
        %parallel_loop3A_149 = vector.shape_cast %parallel_loop3A_148 : vector<1x16xf32> to vector<16xf32>
        %parallel_loop3A_150 = arith.constant 0 : i32
        %parallel_loop3A_151 = arith.addi %parallel_loop3A_139, %parallel_loop3A_150 : i32
        %parallel_loop3A_152 = arith.index_cast %parallel_loop3A_151 : i32 to index
        %parallel_loop3A_153 = tpu.vector_load %arg5[%parallel_loop3A_152] {strides = array<i32>} : memref<76992xf32, #tpu.memory_space<vmem>>, vector<16xf32>,
        %parallel_loop3A_154 = vector.shape_cast %parallel_loop3A_153 : vector<16xf32> to vector<16xf32>
        %parallel_loop3A_155 = arith.addf %parallel_loop3A_149, %parallel_loop3A_154 : vector<16xf32>
        %parallel_loop3A_156 = arith.constant 0 : i32
        %parallel_loop3A_157 = arith.addi %parallel_loop3A_141, %parallel_loop3A_156 : i32
        %parallel_loop3A_158 = arith.index_cast %parallel_loop3A_157 : i32 to index
        %parallel_loop3A_159 = tpu.vector_load %arg5[%parallel_loop3A_158] {strides = array<i32>} : memref<76992xf32, #tpu.memory_space<vmem>>, vector<16xf32>,
        %parallel_loop3A_160 = vector.shape_cast %parallel_loop3A_159 : vector<16xf32> to vector<16xf32>
        %parallel_loop3A_161 = arith.addf %parallel_loop3A_155, %parallel_loop3A_160 : vector<16xf32>
        %parallel_loop3A_162 = arith.constant 0 : i32
        %parallel_loop3A_163 = arith.addi %parallel_loop3A_143, %parallel_loop3A_162 : i32
        %parallel_loop3A_164 = arith.index_cast %parallel_loop3A_163 : i32 to index
        %parallel_loop3A_165 = tpu.vector_load %arg5[%parallel_loop3A_164] {strides = array<i32>} : memref<76992xf32, #tpu.memory_space<vmem>>, vector<16xf32>,
        %parallel_loop3A_166 = vector.shape_cast %parallel_loop3A_165 : vector<16xf32> to vector<16xf32>
        %parallel_loop3A_167 = arith.addf %parallel_loop3A_161, %parallel_loop3A_166 : vector<16xf32>
        %parallel_loop3A_168 = arith.constant 0 : i32
        %parallel_loop3A_169 = arith.addi %parallel_loop3A_145, %parallel_loop3A_168 : i32
        %parallel_loop3A_170 = arith.index_cast %parallel_loop3A_169 : i32 to index
        %parallel_loop3A_171 = tpu.vector_load %arg5[%parallel_loop3A_170] {strides = array<i32>} : memref<76992xf32, #tpu.memory_space<vmem>>, vector<16xf32>,
        %parallel_loop3A_172 = vector.shape_cast %parallel_loop3A_171 : vector<16xf32> to vector<16xf32>
        %parallel_loop3A_173 = arith.addf %parallel_loop3A_167, %parallel_loop3A_172 : vector<16xf32>
        %parallel_loop3A_174 = arith.index_cast %parallel_loop3A_132 : i32 to index
        %parallel_loop3A_175 = arith.constant 0 : index
        %parallel_loop3A_176 = tpu.vector_load %arg8[%parallel_loop3A_174, %parallel_loop3A_175] {strides = array<i32>} : memref<96x64xf32, #tpu.memory_space<vmem>>, vector<1x16xf32>,
        %parallel_loop3A_177 = vector.shape_cast %parallel_loop3A_176 : vector<1x16xf32> to vector<16xf32>
        %parallel_loop3A_178 = vector.shape_cast %parallel_loop3A_173 : vector<16xf32> to vector<1x16xf32>
        tpu.vector_store %arg8[%parallel_loop3A_174, %parallel_loop3A_175], %parallel_loop3A_178 {strides = array<i32>} : memref<96x64xf32, #tpu.memory_space<vmem>>, vector<1x16xf32>,
        %parallel_loop3A_179 = arith.index_cast %parallel_loop3A_132 : i32 to index
        %parallel_loop3A_180 = arith.constant 16 : index
        %parallel_loop3A_181 = tpu.vector_load %arg6[%parallel_loop3A_179, %parallel_loop3A_180] {strides = array<i32>} : memref<96x128xf32, #tpu.memory_space<vmem>>, vector<1x16xf32>,
        %parallel_loop3A_182 = vector.shape_cast %parallel_loop3A_181 : vector<1x16xf32> to vector<16xf32>
        %parallel_loop3A_183 = arith.constant 16 : i32
        %parallel_loop3A_184 = arith.addi %parallel_loop3A_139, %parallel_loop3A_183 : i32
        %parallel_loop3A_185 = arith.index_cast %parallel_loop3A_184 : i32 to index
        %parallel_loop3A_186 = tpu.vector_load %arg5[%parallel_loop3A_185] {strides = array<i32>} : memref<76992xf32, #tpu.memory_space<vmem>>, vector<16xf32>,
        %parallel_loop3A_187 = vector.shape_cast %parallel_loop3A_186 : vector<16xf32> to vector<16xf32>
        %parallel_loop3A_188 = arith.addf %parallel_loop3A_182, %parallel_loop3A_187 : vector<16xf32>
        %parallel_loop3A_189 = arith.constant 16 : i32
        %parallel_loop3A_190 = arith.addi %parallel_loop3A_141, %parallel_loop3A_189 : i32
        %parallel_loop3A_191 = arith.index_cast %parallel_loop3A_190 : i32 to index
        %parallel_loop3A_192 = tpu.vector_load %arg5[%parallel_loop3A_191] {strides = array<i32>} : memref<76992xf32, #tpu.memory_space<vmem>>, vector<16xf32>,
        %parallel_loop3A_193 = vector.shape_cast %parallel_loop3A_192 : vector<16xf32> to vector<16xf32>
        %parallel_loop3A_194 = arith.addf %parallel_loop3A_188, %parallel_loop3A_193 : vector<16xf32>
        %parallel_loop3A_195 = arith.constant 16 : i32
        %parallel_loop3A_196 = arith.addi %parallel_loop3A_143, %parallel_loop3A_195 : i32
        %parallel_loop3A_197 = arith.index_cast %parallel_loop3A_196 : i32 to index
        %parallel_loop3A_198 = tpu.vector_load %arg5[%parallel_loop3A_197] {strides = array<i32>} : memref<76992xf32, #tpu.memory_space<vmem>>, vector<16xf32>,
        %parallel_loop3A_199 = vector.shape_cast %parallel_loop3A_198 : vector<16xf32> to vector<16xf32>
        %parallel_loop3A_200 = arith.addf %parallel_loop3A_194, %parallel_loop3A_199 : vector<16xf32>
        %parallel_loop3A_201 = arith.constant 16 : i32
        %parallel_loop3A_202 = arith.addi %parallel_loop3A_145, %parallel_loop3A_201 : i32
        %parallel_loop3A_203 = arith.index_cast %parallel_loop3A_202 : i32 to index
        %parallel_loop3A_204 = tpu.vector_load %arg5[%parallel_loop3A_203] {strides = array<i32>} : memref<76992xf32, #tpu.memory_space<vmem>>, vector<16xf32>,
        %parallel_loop3A_205 = vector.shape_cast %parallel_loop3A_204 : vector<16xf32> to vector<16xf32>
        %parallel_loop3A_206 = arith.addf %parallel_loop3A_200, %parallel_loop3A_205 : vector<16xf32>
        %parallel_loop3A_207 = arith.index_cast %parallel_loop3A_132 : i32 to index
        %parallel_loop3A_208 = arith.constant 16 : index
        %parallel_loop3A_209 = tpu.vector_load %arg8[%parallel_loop3A_207, %parallel_loop3A_208] {strides = array<i32>} : memref<96x64xf32, #tpu.memory_space<vmem>>, vector<1x16xf32>,
        %parallel_loop3A_210 = vector.shape_cast %parallel_loop3A_209 : vector<1x16xf32> to vector<16xf32>
        %parallel_loop3A_211 = vector.shape_cast %parallel_loop3A_206 : vector<16xf32> to vector<1x16xf32>
        tpu.vector_store %arg8[%parallel_loop3A_207, %parallel_loop3A_208], %parallel_loop3A_211 {strides = array<i32>} : memref<96x64xf32, #tpu.memory_space<vmem>>, vector<1x16xf32>,
        %parallel_loop3A_212 = arith.index_cast %parallel_loop3A_132 : i32 to index
        %parallel_loop3A_213 = arith.constant 32 : index
        %parallel_loop3A_214 = tpu.vector_load %arg6[%parallel_loop3A_212, %parallel_loop3A_213] {strides = array<i32>} : memref<96x128xf32, #tpu.memory_space<vmem>>, vector<1x16xf32>,
        %parallel_loop3A_215 = vector.shape_cast %parallel_loop3A_214 : vector<1x16xf32> to vector<16xf32>
        %parallel_loop3A_216 = arith.constant 32 : i32
        %parallel_loop3A_217 = arith.addi %parallel_loop3A_139, %parallel_loop3A_216 : i32
        %parallel_loop3A_218 = arith.index_cast %parallel_loop3A_217 : i32 to index
        %parallel_loop3A_219 = tpu.vector_load %arg5[%parallel_loop3A_218] {strides = array<i32>} : memref<76992xf32, #tpu.memory_space<vmem>>, vector<16xf32>,
        %parallel_loop3A_220 = vector.shape_cast %parallel_loop3A_219 : vector<16xf32> to vector<16xf32>
        %parallel_loop3A_221 = arith.addf %parallel_loop3A_215, %parallel_loop3A_220 : vector<16xf32>
        %parallel_loop3A_222 = arith.constant 32 : i32
        %parallel_loop3A_223 = arith.addi %parallel_loop3A_141, %parallel_loop3A_222 : i32
        %parallel_loop3A_224 = arith.index_cast %parallel_loop3A_223 : i32 to index
        %parallel_loop3A_225 = tpu.vector_load %arg5[%parallel_loop3A_224] {strides = array<i32>} : memref<76992xf32, #tpu.memory_space<vmem>>, vector<16xf32>,
        %parallel_loop3A_226 = vector.shape_cast %parallel_loop3A_225 : vector<16xf32> to vector<16xf32>
        %parallel_loop3A_227 = arith.addf %parallel_loop3A_221, %parallel_loop3A_226 : vector<16xf32>
        %parallel_loop3A_228 = arith.constant 32 : i32
        %parallel_loop3A_229 = arith.addi %parallel_loop3A_143, %parallel_loop3A_228 : i32
        %parallel_loop3A_230 = arith.index_cast %parallel_loop3A_229 : i32 to index
        %parallel_loop3A_231 = tpu.vector_load %arg5[%parallel_loop3A_230] {strides = array<i32>} : memref<76992xf32, #tpu.memory_space<vmem>>, vector<16xf32>,
        %parallel_loop3A_232 = vector.shape_cast %parallel_loop3A_231 : vector<16xf32> to vector<16xf32>
        %parallel_loop3A_233 = arith.addf %parallel_loop3A_227, %parallel_loop3A_232 : vector<16xf32>
        %parallel_loop3A_234 = arith.constant 32 : i32
        %parallel_loop3A_235 = arith.addi %parallel_loop3A_145, %parallel_loop3A_234 : i32
        %parallel_loop3A_236 = arith.index_cast %parallel_loop3A_235 : i32 to index
        %parallel_loop3A_237 = tpu.vector_load %arg5[%parallel_loop3A_236] {strides = array<i32>} : memref<76992xf32, #tpu.memory_space<vmem>>, vector<16xf32>,
        %parallel_loop3A_238 = vector.shape_cast %parallel_loop3A_237 : vector<16xf32> to vector<16xf32>
        %parallel_loop3A_239 = arith.addf %parallel_loop3A_233, %parallel_loop3A_238 : vector<16xf32>
        %parallel_loop3A_240 = arith.index_cast %parallel_loop3A_132 : i32 to index
        %parallel_loop3A_241 = arith.constant 32 : index
        %parallel_loop3A_242 = tpu.vector_load %arg8[%parallel_loop3A_240, %parallel_loop3A_241] {strides = array<i32>} : memref<96x64xf32, #tpu.memory_space<vmem>>, vector<1x16xf32>,
        %parallel_loop3A_243 = vector.shape_cast %parallel_loop3A_242 : vector<1x16xf32> to vector<16xf32>
        %parallel_loop3A_244 = vector.shape_cast %parallel_loop3A_239 : vector<16xf32> to vector<1x16xf32>
        tpu.vector_store %arg8[%parallel_loop3A_240, %parallel_loop3A_241], %parallel_loop3A_244 {strides = array<i32>} : memref<96x64xf32, #tpu.memory_space<vmem>>, vector<1x16xf32>,
        %parallel_loop3A_245 = arith.index_cast %parallel_loop3A_132 : i32 to index
        %parallel_loop3A_246 = arith.constant 48 : index
        %parallel_loop3A_247 = tpu.vector_load %arg6[%parallel_loop3A_245, %parallel_loop3A_246] {strides = array<i32>} : memref<96x128xf32, #tpu.memory_space<vmem>>, vector<1x16xf32>,
        %parallel_loop3A_248 = vector.shape_cast %parallel_loop3A_247 : vector<1x16xf32> to vector<16xf32>
        %parallel_loop3A_249 = arith.constant 48 : i32
        %parallel_loop3A_250 = arith.addi %parallel_loop3A_139, %parallel_loop3A_249 : i32
        %parallel_loop3A_251 = arith.index_cast %parallel_loop3A_250 : i32 to index
        %parallel_loop3A_252 = tpu.vector_load %arg5[%parallel_loop3A_251] {strides = array<i32>} : memref<76992xf32, #tpu.memory_space<vmem>>, vector<16xf32>,
        %parallel_loop3A_253 = vector.shape_cast %parallel_loop3A_252 : vector<16xf32> to vector<16xf32>
        %parallel_loop3A_254 = arith.addf %parallel_loop3A_248, %parallel_loop3A_253 : vector<16xf32>
        %parallel_loop3A_255 = arith.constant 48 : i32
        %parallel_loop3A_256 = arith.addi %parallel_loop3A_141, %parallel_loop3A_255 : i32
        %parallel_loop3A_257 = arith.index_cast %parallel_loop3A_256 : i32 to index
        %parallel_loop3A_258 = tpu.vector_load %arg5[%parallel_loop3A_257] {strides = array<i32>} : memref<76992xf32, #tpu.memory_space<vmem>>, vector<16xf32>,
        %parallel_loop3A_259 = vector.shape_cast %parallel_loop3A_258 : vector<16xf32> to vector<16xf32>
        %parallel_loop3A_260 = arith.addf %parallel_loop3A_254, %parallel_loop3A_259 : vector<16xf32>
        %parallel_loop3A_261 = arith.constant 48 : i32
        %parallel_loop3A_262 = arith.addi %parallel_loop3A_143, %parallel_loop3A_261 : i32
        %parallel_loop3A_263 = arith.index_cast %parallel_loop3A_262 : i32 to index
        %parallel_loop3A_264 = tpu.vector_load %arg5[%parallel_loop3A_263] {strides = array<i32>} : memref<76992xf32, #tpu.memory_space<vmem>>, vector<16xf32>,
        %parallel_loop3A_265 = vector.shape_cast %parallel_loop3A_264 : vector<16xf32> to vector<16xf32>
        %parallel_loop3A_266 = arith.addf %parallel_loop3A_260, %parallel_loop3A_265 : vector<16xf32>
        %parallel_loop3A_267 = arith.constant 48 : i32
        %parallel_loop3A_268 = arith.addi %parallel_loop3A_145, %parallel_loop3A_267 : i32
        %parallel_loop3A_269 = arith.index_cast %parallel_loop3A_268 : i32 to index
        %parallel_loop3A_270 = tpu.vector_load %arg5[%parallel_loop3A_269] {strides = array<i32>} : memref<76992xf32, #tpu.memory_space<vmem>>, vector<16xf32>,
        %parallel_loop3A_271 = vector.shape_cast %parallel_loop3A_270 : vector<16xf32> to vector<16xf32>
        %parallel_loop3A_272 = arith.addf %parallel_loop3A_266, %parallel_loop3A_271 : vector<16xf32>
        %parallel_loop3A_273 = arith.index_cast %parallel_loop3A_132 : i32 to index
        %parallel_loop3A_274 = arith.constant 48 : index
        %parallel_loop3A_275 = tpu.vector_load %arg8[%parallel_loop3A_273, %parallel_loop3A_274] {strides = array<i32>} : memref<96x64xf32, #tpu.memory_space<vmem>>, vector<1x16xf32>,
        %parallel_loop3A_276 = vector.shape_cast %parallel_loop3A_275 : vector<1x16xf32> to vector<16xf32>
        %parallel_loop3A_277 = vector.shape_cast %parallel_loop3A_272 : vector<16xf32> to vector<1x16xf32>
        tpu.vector_store %arg8[%parallel_loop3A_273, %parallel_loop3A_274], %parallel_loop3A_277 {strides = array<i32>} : memref<96x64xf32, #tpu.memory_space<vmem>>, vector<1x16xf32>,
      } {sc.loop_unroll_factor = 4 : i64, sc.parallel_access}
      %dma_start3A_104 = arith.constant 2 : i32
      %dma_start3A_105 = arith.constant 0 : i32
      %dma_start3A_106 = arith.constant 0 : i32
      %dma_start3A_107 = tpu.memref_slice %arg8[%dma_start3A_105, %dma_start3A_106] : memref<96x64xf32, #tpu.memory_space<vmem>> -> memref<64x64xf32, #tpu.memory_space<vmem>>
      %dma_start3A_108 = arith.constant 0 : i32
      %dma_start3A_109 = tpu.memref_slice %arg4[%add3A_73, %dma_start3A_108] : memref<100000x64xf32, #tpu.memory_space<hbm>> -> memref<64x64xf32, #tpu.memory_space<hbm>>
      %dma_start3A_110 = tpu.memref_slice %arg10[%dma_start3A_104] : memref<4x!tpu.dma_semaphore, #tpu.memory_space<semaphore_mem>> -> memref<1x!tpu.dma_semaphore, #tpu.memory_space<semaphore_mem>>
      %dma_start3A_111 = tpu.memref_squeeze %dma_start3A_110 : memref<1x!tpu.dma_semaphore, #tpu.memory_space<semaphore_mem>> -> memref<!tpu.dma_semaphore, #tpu.memory_space<semaphore_mem>>
      %dma_start3A_112 = arith.constant 0 : i32
      %dma_start3A_113 = tpu.memref_slice %arg4[%add3A_73, %dma_start3A_112] : memref<100000x64xf32, #tpu.memory_space<hbm>> -> memref<64x64xf32, #tpu.memory_space<hbm>>
      %dma_start3A_114 = arith.constant 0 : i32
      %dma_start3A_115 = arith.constant 0 : i32
      %dma_start3A_116 = tpu.memref_slice %arg8[%dma_start3A_114, %dma_start3A_115] : memref<96x64xf32, #tpu.memory_space<vmem>> -> memref<64x64xf32, #tpu.memory_space<vmem>>
      tpu.enqueue_dma source(%dma_start3A_116 : memref<64x64xf32, #tpu.memory_space<vmem>>) target(%dma_start3A_113 : memref<64x64xf32, #tpu.memory_space<hbm>>) target_semaphore(%dma_start3A_111 : memref<!tpu.dma_semaphore, #tpu.memory_space<semaphore_mem>>)
      %dma_wait3A_117 = arith.constant 2 : i32
      %dma_wait3A_118 = arith.constant 0 : i32
      %dma_wait3A_119 = arith.constant 0 : i32
      %dma_wait3A_120 = tpu.memref_slice %arg8[%dma_wait3A_118, %dma_wait3A_119] : memref<96x64xf32, #tpu.memory_space<vmem>> -> memref<64x64xf32, #tpu.memory_space<vmem>>
      %dma_wait3A_121 = arith.constant 0 : i32
      %dma_wait3A_122 = arith.constant 0 : i32
      %dma_wait3A_123 = tpu.memref_slice %arg4[%dma_wait3A_121, %dma_wait3A_122] : memref<100000x64xf32, #tpu.memory_space<hbm>> -> memref<64x64xf32, #tpu.memory_space<hbm>>
      %dma_wait3A_124 = tpu.memref_slice %arg10[%dma_wait3A_117] : memref<4x!tpu.dma_semaphore, #tpu.memory_space<semaphore_mem>> -> memref<1x!tpu.dma_semaphore, #tpu.memory_space<semaphore_mem>>
      %dma_wait3A_125 = tpu.memref_squeeze %dma_wait3A_124 : memref<1x!tpu.dma_semaphore, #tpu.memory_space<semaphore_mem>> -> memref<!tpu.dma_semaphore, #tpu.memory_space<semaphore_mem>>
      %dma_wait3A_126 = arith.constant 0 : i32
      %dma_wait3A_127 = arith.constant 0 : i32
      %dma_wait3A_128 = tpu.memref_slice %arg4[%dma_wait3A_126, %dma_wait3A_127] : memref<100000x64xf32, #tpu.memory_space<hbm>> -> memref<64x64xf32, #tpu.memory_space<hbm>>
      %dma_wait3A_129 = arith.constant 0 : i32
      %dma_wait3A_130 = arith.constant 0 : i32
      %dma_wait3A_131 = tpu.memref_slice %arg8[%dma_wait3A_129, %dma_wait3A_130] : memref<96x64xf32, #tpu.memory_space<vmem>> -> memref<64x64xf32, #tpu.memory_space<vmem>>
      tpu.wait_dma2 semaphore(%dma_wait3A_125 : memref<!tpu.dma_semaphore, #tpu.memory_space<semaphore_mem>>) src(%dma_wait3A_131 : memref<64x64xf32, #tpu.memory_space<vmem>>) dst(%dma_wait3A_128 : memref<64x64xf32, #tpu.memory_space<hbm>>)
    } else {
    }
    return
  }
}

module attributes {stable_mosaic.version = 14 : i64} {
  func.func @_build_body(%arg0: memref<119x64xf32, #tpu.memory_space<vmem>>, %arg1: memref<5x64xf32, #tpu.memory_space<vmem>>, %arg2: memref<12x64xf32, #tpu.memory_space<vmem>>, %arg3: memref<12x64xf32, #tpu.memory_space<vmem>>, %arg4: memref<10x64xf32, #tpu.memory_space<vmem>>, %arg5: memref<6x64xf32, #tpu.memory_space<vmem>>, %arg6: memref<6x64xf32, #tpu.memory_space<vmem>>, %arg7: memref<2x64xf32, #tpu.memory_space<vmem>>, %arg8: memref<2x64xf32, #tpu.memory_space<vmem>>, %arg9: memref<64x64xf32, #tpu.memory_space<vmem>>, %arg10: memref<1203x64xf32, #tpu.memory_space<vmem>>) attributes {dimension_semantics = [], scalar_prefetch = 0 : i64, scratch_operands = 0 : i64, tpu.core_type = #tpu.core_type<tc>} {
    %get3A = arith.constant 0 : index
    %get3A_0 = arith.constant 0 : index
    %get3A_1 = vector.load %arg0[%get3A, %get3A_0] : memref<119x64xf32, #tpu.memory_space<vmem>>, vector<119x64xf32>
    %get3A_2 = arith.constant 0 : index
    %get3A_3 = arith.constant 0 : index
    %get3A_4 = vector.load %arg1[%get3A_2, %get3A_3] : memref<5x64xf32, #tpu.memory_space<vmem>>, vector<5x64xf32>
    %get3A_5 = arith.constant 0 : index
    %get3A_6 = arith.constant 0 : index
    %get3A_7 = vector.load %arg2[%get3A_5, %get3A_6] : memref<12x64xf32, #tpu.memory_space<vmem>>, vector<12x64xf32>
    %get3A_8 = arith.constant 0 : index
    %get3A_9 = arith.constant 0 : index
    %get3A_10 = vector.load %arg3[%get3A_8, %get3A_9] : memref<12x64xf32, #tpu.memory_space<vmem>>, vector<12x64xf32>
    %get3A_11 = arith.constant 0 : index
    %get3A_12 = arith.constant 0 : index
    %get3A_13 = vector.load %arg4[%get3A_11, %get3A_12] : memref<10x64xf32, #tpu.memory_space<vmem>>, vector<10x64xf32>
    %get3A_14 = arith.constant 0 : index
    %get3A_15 = arith.constant 0 : index
    %get3A_16 = vector.load %arg5[%get3A_14, %get3A_15] : memref<6x64xf32, #tpu.memory_space<vmem>>, vector<6x64xf32>
    %get3A_17 = arith.constant 0 : index
    %get3A_18 = arith.constant 0 : index
    %get3A_19 = vector.load %arg6[%get3A_17, %get3A_18] : memref<6x64xf32, #tpu.memory_space<vmem>>, vector<6x64xf32>
    %get3A_20 = arith.constant 0 : index
    %get3A_21 = arith.constant 0 : index
    %get3A_22 = vector.load %arg7[%get3A_20, %get3A_21] : memref<2x64xf32, #tpu.memory_space<vmem>>, vector<2x64xf32>
    %get3A_23 = arith.constant 0 : index
    %get3A_24 = arith.constant 0 : index
    %get3A_25 = vector.load %arg8[%get3A_23, %get3A_24] : memref<2x64xf32, #tpu.memory_space<vmem>>, vector<2x64xf32>
    %concatenate3A = tpu.concatenate %get3A_1, %get3A_4, %get3A_7, %get3A_10, %get3A_13, %get3A_16, %get3A_19, %get3A_22, %get3A_25 in 0 : vector<119x64xf32>, vector<5x64xf32>, vector<12x64xf32>, vector<12x64xf32>, vector<10x64xf32>, vector<6x64xf32>, vector<6x64xf32>, vector<2x64xf32>, vector<2x64xf32> -> vector<174x64xf32>
    %get3A_26 = arith.constant 0 : index
    %get3A_27 = arith.constant 0 : index
    %get3A_28 = vector.load %arg9[%get3A_26, %get3A_27] : memref<64x64xf32, #tpu.memory_space<vmem>>, vector<64x64xf32>
    %dot_general3A = arith.constant dense<0.000000e+00> : vector<174x64xf32>
    %dot_general3A_29 = tpu.matmul %concatenate3A, %get3A_28, %dot_general3A {dimension_numbers = #tpu.dot_dimension_numbers<[1], [0], [0], [1], [0, 0, 1, 1], [], []>, transpose_lhs_hint = false} : vector<174x64xf32>, vector<64x64xf32>, vector<174x64xf32> -> vector<174x64xf32>
    %iota3A = tpu.iota {dimensions = array<i32: 0>} : vector<1203x174xi32>
    %convert_element_type3A = arith.sitofp %iota3A : vector<1203x174xi32> to vector<1203x174xf32>
    %iota3A_30 = tpu.iota {dimensions = array<i32: 1>} : vector<1203x174xi32>
    %convert_element_type3A_31 = arith.sitofp %iota3A_30 : vector<1203x174xi32> to vector<1203x174xf32>
    %lt3A = arith.constant 1.190000e+02 : f32
    %lt3A_32 = vector.broadcast %lt3A : f32 to vector<1203x174xf32>
    %lt3A_33 = arith.cmpf olt, %convert_element_type3A, %lt3A_32 : vector<1203x174xf32>
    %eq3A = arith.cmpf oeq, %convert_element_type3A_31, %convert_element_type3A : vector<1203x174xf32>
    %and3A = arith.andi %lt3A_33, %eq3A : vector<1203x174xi1>
    %sub3A = arith.constant 1.190000e+02 : f32
    %sub3A_34 = vector.broadcast %sub3A : f32 to vector<1203x174xf32>
    %sub3A_35 = arith.subf %convert_element_type3A, %sub3A_34 : vector<1203x174xf32>
    %add3A = arith.constant 5.000000e-01 : f32
    %add3A_36 = vector.broadcast %add3A : f32 to vector<1203x174xf32>
    %add3A_37 = arith.addf %sub3A_35, %add3A_36 : vector<1203x174xf32>
    %mul3A = arith.constant 0.0069444445 : f32
    %mul3A_38 = vector.broadcast %mul3A : f32 to vector<1203x174xf32>
    %mul3A_39 = arith.mulf %add3A_37, %mul3A_38 : vector<1203x174xf32>
    %floor3A = math.floor %mul3A_39 : vector<1203x174xf32>
    %mul3A_40 = arith.constant 1.440000e+02 : f32
    %mul3A_41 = vector.broadcast %mul3A_40 : f32 to vector<1203x174xf32>
    %mul3A_42 = arith.mulf %floor3A, %mul3A_41 : vector<1203x174xf32>
    %sub3A_43 = arith.subf %sub3A_35, %mul3A_42 : vector<1203x174xf32>
    %add3A_44 = arith.constant 5.000000e-01 : f32
    %add3A_45 = vector.broadcast %add3A_44 : f32 to vector<1203x174xf32>
    %add3A_46 = arith.addf %sub3A_43, %add3A_45 : vector<1203x174xf32>
    %mul3A_47 = arith.constant 0.0833333358 : f32
    %mul3A_48 = vector.broadcast %mul3A_47 : f32 to vector<1203x174xf32>
    %mul3A_49 = arith.mulf %add3A_46, %mul3A_48 : vector<1203x174xf32>
    %floor3A_50 = math.floor %mul3A_49 : vector<1203x174xf32>
    %mul3A_51 = arith.constant 1.200000e+01 : f32
    %mul3A_52 = vector.broadcast %mul3A_51 : f32 to vector<1203x174xf32>
    %mul3A_53 = arith.mulf %floor3A_50, %mul3A_52 : vector<1203x174xf32>
    %sub3A_54 = arith.subf %sub3A_43, %mul3A_53 : vector<1203x174xf32>
    %ge3A = arith.constant 1.190000e+02 : f32
    %ge3A_55 = vector.broadcast %ge3A : f32 to vector<1203x174xf32>
    %ge3A_56 = arith.cmpf oge, %convert_element_type3A, %ge3A_55 : vector<1203x174xf32>
    %lt3A_57 = arith.constant 8.390000e+02 : f32
    %lt3A_58 = vector.broadcast %lt3A_57 : f32 to vector<1203x174xf32>
    %lt3A_59 = arith.cmpf olt, %convert_element_type3A, %lt3A_58 : vector<1203x174xf32>
    %and3A_60 = arith.andi %ge3A_56, %lt3A_59 : vector<1203x174xi1>
    %add3A_61 = arith.constant 1.190000e+02 : f32
    %add3A_62 = vector.broadcast %add3A_61 : f32 to vector<1203x174xf32>
    %add3A_63 = arith.addf %add3A_62, %floor3A : vector<1203x174xf32>
    %eq3A_64 = arith.cmpf oeq, %convert_element_type3A_31, %add3A_63 : vector<1203x174xf32>
    %add3A_65 = arith.constant 1.240000e+02 : f32
    %add3A_66 = vector.broadcast %add3A_65 : f32 to vector<1203x174xf32>
    %add3A_67 = arith.addf %add3A_66, %floor3A_50 : vector<1203x174xf32>
    %eq3A_68 = arith.cmpf oeq, %convert_element_type3A_31, %add3A_67 : vector<1203x174xf32>
    %or3A = arith.ori %eq3A_64, %eq3A_68 : vector<1203x174xi1>
    %add3A_69 = arith.constant 1.360000e+02 : f32
    %add3A_70 = vector.broadcast %add3A_69 : f32 to vector<1203x174xf32>
    %add3A_71 = arith.addf %add3A_70, %sub3A_54 : vector<1203x174xf32>
    %eq3A_72 = arith.cmpf oeq, %convert_element_type3A_31, %add3A_71 : vector<1203x174xf32>
    %or3A_73 = arith.ori %or3A, %eq3A_72 : vector<1203x174xi1>
    %and3A_74 = arith.andi %and3A_60, %or3A_73 : vector<1203x174xi1>
    %or3A_75 = arith.ori %and3A, %and3A_74 : vector<1203x174xi1>
    %sub3A_76 = arith.constant 8.390000e+02 : f32
    %sub3A_77 = vector.broadcast %sub3A_76 : f32 to vector<1203x174xf32>
    %sub3A_78 = arith.subf %convert_element_type3A, %sub3A_77 : vector<1203x174xf32>
    %add3A_79 = arith.constant 5.000000e-01 : f32
    %add3A_80 = vector.broadcast %add3A_79 : f32 to vector<1203x174xf32>
    %add3A_81 = arith.addf %sub3A_78, %add3A_80 : vector<1203x174xf32>
    %mul3A_82 = arith.constant 0.027777778 : f32
    %mul3A_83 = vector.broadcast %mul3A_82 : f32 to vector<1203x174xf32>
    %mul3A_84 = arith.mulf %add3A_81, %mul3A_83 : vector<1203x174xf32>
    %floor3A_85 = math.floor %mul3A_84 : vector<1203x174xf32>
    %mul3A_86 = arith.constant 3.600000e+01 : f32
    %mul3A_87 = vector.broadcast %mul3A_86 : f32 to vector<1203x174xf32>
    %mul3A_88 = arith.mulf %floor3A_85, %mul3A_87 : vector<1203x174xf32>
    %sub3A_89 = arith.subf %sub3A_78, %mul3A_88 : vector<1203x174xf32>
    %add3A_90 = arith.constant 5.000000e-01 : f32
    %add3A_91 = vector.broadcast %add3A_90 : f32 to vector<1203x174xf32>
    %add3A_92 = arith.addf %sub3A_89, %add3A_91 : vector<1203x174xf32>
    %mul3A_93 = arith.constant 0.166666672 : f32
    %mul3A_94 = vector.broadcast %mul3A_93 : f32 to vector<1203x174xf32>
    %mul3A_95 = arith.mulf %add3A_92, %mul3A_94 : vector<1203x174xf32>
    %floor3A_96 = math.floor %mul3A_95 : vector<1203x174xf32>
    %mul3A_97 = arith.constant 6.000000e+00 : f32
    %mul3A_98 = vector.broadcast %mul3A_97 : f32 to vector<1203x174xf32>
    %mul3A_99 = arith.mulf %floor3A_96, %mul3A_98 : vector<1203x174xf32>
    %sub3A_100 = arith.subf %sub3A_89, %mul3A_99 : vector<1203x174xf32>
    %ge3A_101 = arith.constant 8.390000e+02 : f32
    %ge3A_102 = vector.broadcast %ge3A_101 : f32 to vector<1203x174xf32>
    %ge3A_103 = arith.cmpf oge, %convert_element_type3A, %ge3A_102 : vector<1203x174xf32>
    %lt3A_104 = arith.constant 1.199000e+03 : f32
    %lt3A_105 = vector.broadcast %lt3A_104 : f32 to vector<1203x174xf32>
    %lt3A_106 = arith.cmpf olt, %convert_element_type3A, %lt3A_105 : vector<1203x174xf32>
    %and3A_107 = arith.andi %ge3A_103, %lt3A_106 : vector<1203x174xi1>
    %add3A_108 = arith.constant 1.480000e+02 : f32
    %add3A_109 = vector.broadcast %add3A_108 : f32 to vector<1203x174xf32>
    %add3A_110 = arith.addf %add3A_109, %floor3A_85 : vector<1203x174xf32>
    %eq3A_111 = arith.cmpf oeq, %convert_element_type3A_31, %add3A_110 : vector<1203x174xf32>
    %add3A_112 = arith.constant 1.580000e+02 : f32
    %add3A_113 = vector.broadcast %add3A_112 : f32 to vector<1203x174xf32>
    %add3A_114 = arith.addf %add3A_113, %floor3A_96 : vector<1203x174xf32>
    %eq3A_115 = arith.cmpf oeq, %convert_element_type3A_31, %add3A_114 : vector<1203x174xf32>
    %or3A_116 = arith.ori %eq3A_111, %eq3A_115 : vector<1203x174xi1>
    %add3A_117 = arith.constant 1.640000e+02 : f32
    %add3A_118 = vector.broadcast %add3A_117 : f32 to vector<1203x174xf32>
    %add3A_119 = arith.addf %add3A_118, %sub3A_100 : vector<1203x174xf32>
    %eq3A_120 = arith.cmpf oeq, %convert_element_type3A_31, %add3A_119 : vector<1203x174xf32>
    %or3A_121 = arith.ori %or3A_116, %eq3A_120 : vector<1203x174xi1>
    %and3A_122 = arith.andi %and3A_107, %or3A_121 : vector<1203x174xi1>
    %or3A_123 = arith.ori %or3A_75, %and3A_122 : vector<1203x174xi1>
    %sub3A_124 = arith.constant 1.199000e+03 : f32
    %sub3A_125 = vector.broadcast %sub3A_124 : f32 to vector<1203x174xf32>
    %sub3A_126 = arith.subf %convert_element_type3A, %sub3A_125 : vector<1203x174xf32>
    %add3A_127 = arith.constant 5.000000e-01 : f32
    %add3A_128 = vector.broadcast %add3A_127 : f32 to vector<1203x174xf32>
    %add3A_129 = arith.addf %sub3A_126, %add3A_128 : vector<1203x174xf32>
    %mul3A_130 = arith.constant 5.000000e-01 : f32
    %mul3A_131 = vector.broadcast %mul3A_130 : f32 to vector<1203x174xf32>
    %mul3A_132 = arith.mulf %add3A_129, %mul3A_131 : vector<1203x174xf32>
    %floor3A_133 = math.floor %mul3A_132 : vector<1203x174xf32>
    %mul3A_134 = arith.constant 2.000000e+00 : f32
    %mul3A_135 = vector.broadcast %mul3A_134 : f32 to vector<1203x174xf32>
    %mul3A_136 = arith.mulf %floor3A_133, %mul3A_135 : vector<1203x174xf32>
    %sub3A_137 = arith.subf %sub3A_126, %mul3A_136 : vector<1203x174xf32>
    %ge3A_138 = arith.constant 1.199000e+03 : f32
    %ge3A_139 = vector.broadcast %ge3A_138 : f32 to vector<1203x174xf32>
    %ge3A_140 = arith.cmpf oge, %convert_element_type3A, %ge3A_139 : vector<1203x174xf32>
    %lt3A_141 = arith.constant 1.203000e+03 : f32
    %lt3A_142 = vector.broadcast %lt3A_141 : f32 to vector<1203x174xf32>
    %lt3A_143 = arith.cmpf olt, %convert_element_type3A, %lt3A_142 : vector<1203x174xf32>
    %and3A_144 = arith.andi %ge3A_140, %lt3A_143 : vector<1203x174xi1>
    %add3A_145 = arith.constant 1.700000e+02 : f32
    %add3A_146 = vector.broadcast %add3A_145 : f32 to vector<1203x174xf32>
    %add3A_147 = arith.addf %add3A_146, %floor3A_133 : vector<1203x174xf32>
    %eq3A_148 = arith.cmpf oeq, %convert_element_type3A_31, %add3A_147 : vector<1203x174xf32>
    %add3A_149 = arith.constant 1.720000e+02 : f32
    %add3A_150 = vector.broadcast %add3A_149 : f32 to vector<1203x174xf32>
    %add3A_151 = arith.addf %add3A_150, %sub3A_137 : vector<1203x174xf32>
    %eq3A_152 = arith.cmpf oeq, %convert_element_type3A_31, %add3A_151 : vector<1203x174xf32>
    %or3A_153 = arith.ori %eq3A_148, %eq3A_152 : vector<1203x174xi1>
    %and3A_154 = arith.andi %and3A_144, %or3A_153 : vector<1203x174xi1>
    %or3A_155 = arith.ori %or3A_123, %and3A_154 : vector<1203x174xi1>
    %convert_element_type3A_156 = arith.extui %or3A_155 : vector<1203x174xi1> to vector<1203x174xi32>
    %convert_element_type3A_157 = arith.sitofp %convert_element_type3A_156 : vector<1203x174xi32> to vector<1203x174xf32>
    %dot_general3A_158 = arith.constant dense<0.000000e+00> : vector<1203x64xf32>
    %dot_general3A_159 = tpu.matmul %convert_element_type3A_157, %dot_general3A_29, %dot_general3A_158 {dimension_numbers = #tpu.dot_dimension_numbers<[1], [0], [0], [1], [0, 0, 1, 1], [], []>, transpose_lhs_hint = false} : vector<1203x174xf32>, vector<174x64xf32>, vector<1203x64xf32> -> vector<1203x64xf32>
    %swap3A = arith.constant 0 : index
    %swap3A_160 = arith.constant 0 : index
    %swap3A_161 = vector.load %arg10[%swap3A, %swap3A_160] : memref<1203x64xf32, #tpu.memory_space<vmem>>, vector<1203x64xf32>
    tpu.vector_store %arg10[%swap3A, %swap3A_160], %dot_general3A_159 {strides = array<i32>} : memref<1203x64xf32, #tpu.memory_space<vmem>>, vector<1203x64xf32>,
    return
  }
}

module attributes {stable_mosaic.version = 14 : i64} {
  func.func @_prep_body(%arg0: i32, %arg1: memref<3136x41xf32, #tpu.memory_space<vmem>>, %arg2: memref<41x128xf32, #tpu.memory_space<vmem>>, %arg3: memref<1x128xf32, #tpu.memory_space<vmem>>, %arg4: memref<3136x128xf32, #tpu.memory_space<vmem>>) attributes {dimension_semantics = [#tpu.dimension_semantics<arbitrary>], iteration_bounds = array<i64: 32>, scalar_prefetch = 0 : i64, scratch_operands = 0 : i64, tpu.core_type = #tpu.core_type<tc>, window_params = [{transform_indices = @transform_0, window_bounds = array<i64: 3136, 41>}, {pipeline_mode = #tpu.pipeline_mode<synchronous>, transform_indices = @transform_1, window_bounds = array<i64: 41, 128>}, {pipeline_mode = #tpu.pipeline_mode<synchronous>, transform_indices = @transform_2, window_bounds = array<i64: 1, 128>}, {transform_indices = @transform_3, window_bounds = array<i64: 3136, 128>}]} {
    %get3A = arith.constant 0 : index
    %get3A_0 = arith.constant 0 : index
    %get3A_1 = vector.load %arg1[%get3A, %get3A_0] : memref<3136x41xf32, #tpu.memory_space<vmem>>, vector<3136x41xf32>
    %get3A_2 = arith.constant 0 : index
    %get3A_3 = arith.constant 0 : index
    %get3A_4 = vector.load %arg2[%get3A_2, %get3A_3] : memref<41x128xf32, #tpu.memory_space<vmem>>, vector<41x128xf32>
    %dot_general3A = arith.constant dense<0.000000e+00> : vector<3136x128xf32>
    %dot_general3A_5 = tpu.matmul %get3A_1, %get3A_4, %dot_general3A {dimension_numbers = #tpu.dot_dimension_numbers<[1], [0], [0], [1], [0, 0, 1, 1], [], []>, transpose_lhs_hint = false} : vector<3136x41xf32>, vector<41x128xf32>, vector<3136x128xf32> -> vector<3136x128xf32>
    %get3A_6 = arith.constant 0 : index
    %get3A_7 = arith.constant 0 : index
    %get3A_8 = vector.load %arg3[%get3A_6, %get3A_7] : memref<1x128xf32, #tpu.memory_space<vmem>>, vector<1x128xf32>
    %add3A = vector.broadcast %get3A_8 : vector<1x128xf32> to vector<3136x128xf32>
    %add3A_9 = arith.addf %dot_general3A_5, %add3A : vector<3136x128xf32>
    %swap3A = arith.constant 0 : index
    %swap3A_10 = arith.constant 0 : index
    %swap3A_11 = vector.load %arg4[%swap3A, %swap3A_10] : memref<3136x128xf32, #tpu.memory_space<vmem>>, vector<3136x128xf32>
    tpu.vector_store %arg4[%swap3A, %swap3A_10], %add3A_9 {strides = array<i32>} : memref<3136x128xf32, #tpu.memory_space<vmem>>, vector<3136x128xf32>,
    return
  }
  func.func @transform_0(%arg0: i32) -> (i32, i32) {
    %c0_i32 = arith.constant 0 : i32
    %c0_i32_0 = arith.constant 0 : i32
    return %arg0, %c0_i32 : i32, i32
  }
  func.func @transform_1(%arg0: i32) -> (i32, i32) {
    %c0_i32 = arith.constant 0 : i32
    %c0_i32_0 = arith.constant 0 : i32
    %c0_i32_1 = arith.constant 0 : i32
    return %c0_i32, %c0_i32_0 : i32, i32
  }
  func.func @transform_2(%arg0: i32) -> (i32, i32) {
    %c0_i32 = arith.constant 0 : i32
    %c0_i32_0 = arith.constant 0 : i32
    %c0_i32_1 = arith.constant 0 : i32
    return %c0_i32, %c0_i32_0 : i32, i32
  }
  func.func @transform_3(%arg0: i32) -> (i32, i32) {
    %c0_i32 = arith.constant 0 : i32
    %c0_i32_0 = arith.constant 0 : i32
    return %arg0, %c0_i32 : i32, i32
  }
}

</mosaic_0001>

<sc_bundles>
// kernel: kernel.5.cloned.1.call-start
scs
__scs_entry_jumppad:
0x0: {  	(pc) =	sbr.rel $0x88, $3  }
0x1: {  	(tag) =	ssettag $0x0;
	lr =	simm.s32 $0x1  }
0x2: {  	[smem:$0x3F95] =	sst lr;
	_ =	strace $0xD0000000  }
0x3: {  	_ = 	snop  }
0x4: {  	_ = 	snop  }
0x5: {  	_ = 	snop  }
0x6: {  	_ = 	snop  }
0x7: {  	_ = 	snop  }
__scs_overlays_trampoline_lowered:
0x8: {  	[smem:$0x3FA4] =	sst s0  }
0x9: {  	[smem:$0x3FA5] =	sst s1  }
0xa: {  	[smem:$0x3FA6] =	sst s2  }
0xb: {  	[smem:$0x3FA7] =	sst s3  }
0xc: {  	[smem:$0x3FA8] =	sst s4  }
0xd: {  	[smem:$0x3FA9] =	sst s5  }
0xe: {  	[smem:$0x3FAA] =	sst s6  }
0xf: {  	[smem:$0x3FAB] =	sst s7  }
0x10: {  	[smem:$0x3FAC] =	sst s8  }
0x11: {  	[smem:$0x3FAD] =	sst s9;
	s0 =	simm.s32 @!p0 $0x0  }
0x12: {  	s1 =	sld [smem:$0x3F93];
	s0 =	simm.s32 @p0 $0x1  }
0x13: {  	[smem:$0x3FAE] =	sst s0;
	s0 =	simm.s32 @!p1 $0x0  }
0x14: {  	s2 =	sld [smem:$0x3F92];
	s0 =	simm.s32 @p1 $0x1  }
0x15: {  	[smem:$0x3FAF] =	sst s0;
	s0 =	simm.s32 @!p2 $0x0  }
0x16: {  	s3 =	sld [smem:$0x3FDB];
	s0 =	simm.s32 @p2 $0x1  }
0x17: {  	s4 =	simm.s32 $0x1BF5;
	[smem:$0x3FB1] =	sst s0  }
0x18: {  	s0 =	sld [smem:$0x3F94];
	_ =	swait.ge [sflag:s4], $0x0  }
0x19: {  	s7 =	sld [smem:$0x3F95]  }
0x1a: {  	s8 =	sadd.s32 $0xFFFFE003, lr  }
0x1b: {  	s9 =	sadd.s32 $0xFFFFFEF7, lr;
	s5 =	simm.s32 $0xFFFFFFFF;
	p2 =	slt.u32 s8, $0xFFFFF086  }
0x1c: {  	p1 =	slt.u32 s9, $0xF7A;
	s5 =	simm.s32 @!p2 $0x0  }
0x1d: {  	s5 =	simm.s32 @p1 $0x1;
	p0 =	seq.s32 s7, s2  }
0x1e: {  	s7 =	smul.u32 @!p0 $0xF7A, s2;
	p2 =	seq.s32 @!p0 s5, $0x0  }
0x1f: {  	s9 =	smul.u32 $0xF7A, s1;
	s8 =	simm.s32 @!p0 $0x1BF5;
	p2 =	por !p2, p0  }
0x20: {  	[sflag:s8] =	ssyncset.s32 @!p0 $0xFFFFF086;
	s6 =	sadd.s32 @!p0 s3, s7;
	s7 =	simm.s32 @!p0 $0x108  }
0x21: {  	s3 =	sadd.s32 s3, s9;
	s6 =	sadd.s32 @!p0 $0x88, s6;
	s7 =	simm.s32 @p2 $0x1082  }
0x22: {  	[simem:s7], [sflag:s8] =	dma.local @!p0 [hbm:s6], $0xF7A  }
0x23: {  	s9 =	sor.u32 $0xD0000000, s2;
	s6 =	simm.s32 $0x108;
	_ =	swait.ge @!p0 [sflag:s8], $0x0  }
0x24: {  	s3 =	sadd.s32 $0x88, s3;
	s6 =	simm.s32 @!p1 $0x1082;
	[sflag:s4] =	ssyncset.s32 $0xFFFFF086  }
0x25: {  	[simem:s6], [sflag:s4] =	dma.local [hbm:s3], $0xF7A  }
0x26: {  	[smem:$0x3F95] =	sst s1;
	(tag) =	ssettag s2;
	_ =	strace s9  }
0x27: {  	s1 =	sld [smem:$0x3FA5]  }
0x28: {  	s2 =	sld [smem:$0x3FA6]  }
0x29: {  	s4 =	sld [smem:$0x3FA8]  }
0x2a: {  	p0 =	seq.s32 s5, $0x0;
	s5 =	sld [smem:$0x3FA9]  }
0x2b: {  	s6 =	sld [smem:$0x3FAA]  }
0x2c: {  	s7 =	sld [smem:$0x3FAB]  }
0x2d: {  	s3 =	simm.s32 $0x108;
	s8 =	sld [smem:$0x3FAC]  }
0x2e: {  	s3 =	simm.s32 @!p0 $0x1082;
	s9 =	sld [smem:$0x3FAD]  }
0x2f: {  	lr =	sadd.s32 s0, s3;
	s0 =	sld [smem:$0x3FA4]  }
0x30: {  	s3 =	sld [smem:$0x3FA7]  }
0x31: {  	[smem:$0x3FB0] =	sst s10  }
0x32: {  	s10 =	sld [smem:$0x3FAE];
	_ =	sdelay $0x3  }
0x33: {  	p0 =	seq.s32 s10, $0x1;
	s10 =	sld [smem:$0x3FB0];
	_ =	sdelay $0x3  }
0x34: {  	[smem:$0x3FB0] =	sst s10  }
0x35: {  	s10 =	sld [smem:$0x3FAF];
	_ =	sdelay $0x3  }
0x36: {  	p1 =	seq.s32 s10, $0x1;
	s10 =	sld [smem:$0x3FB0];
	_ =	sdelay $0x3  }
0x37: {  	[smem:$0x3FB0] =	sst s10  }
0x38: {  	s10 =	sld [smem:$0x3FB1]  }
0x39: {  	_ = 	snop;
	(pc) =	sbr.ind lr, $3  }
0x3a: {  	_ = 	snop  }
0x3b: {  	_ = 	snop  }
0x3c: {  	p2 =	seq.s32 s10, $0x1;
	s10 =	sld [smem:$0x3FB0]  }
0x3d: {  	_ =	shalt  }
0x3e: {  	_ =	shalt  }
0x3f: {  	_ =	shalt  }
0x40: {  	_ =	shalt  }
0x41: {  	_ =	shalt  }
0x42: {  	_ =	shalt  }
0x43: {  	_ =	shalt  }
0x44: {  	_ =	shalt  }
0x45: {  	_ =	shalt  }
0x46: {  	_ =	shalt  }
0x47: {  	_ =	shalt  }
0x48: {  	_ =	shalt  }
0x49: {  	_ =	shalt  }
0x4a: {  	_ =	shalt  }
0x4b: {  	_ =	shalt  }
0x4c: {  	_ =	shalt  }
0x4d: {  	_ =	shalt  }
0x4e: {  	_ =	shalt  }
0x4f: {  	_ =	shalt  }
0x50: {  	_ =	shalt  }
0x51: {  	_ =	shalt  }
0x52: {  	_ =	shalt  }
0x53: {  	_ =	shalt  }
0x54: {  	_ =	shalt  }
0x55: {  	_ =	shalt  }
0x56: {  	_ =	shalt  }
0x57: {  	_ =	shalt  }
0x58: {  	_ =	shalt  }
0x59: {  	_ =	shalt  }
0x5a: {  	_ =	shalt  }
0x5b: {  	_ =	shalt  }
0x5c: {  	_ =	shalt  }
0x5d: {  	_ =	shalt  }
0x5e: {  	_ =	shalt  }
0x5f: {  	_ =	shalt  }
0x60: {  	_ =	shalt  }
0x61: {  	_ =	shalt  }
0x62: {  	_ =	shalt  }
0x63: {  	_ =	shalt  }
0x64: {  	_ =	shalt  }
0x65: {  	_ =	shalt  }
0x66: {  	_ =	shalt  }
0x67: {  	_ =	shalt  }
0x68: {  	_ =	shalt  }
0x69: {  	_ =	shalt  }
0x6a: {  	_ =	shalt  }
0x6b: {  	_ =	shalt  }
0x6c: {  	_ =	shalt  }
0x6d: {  	_ =	shalt  }
0x6e: {  	_ =	shalt  }
0x6f: {  	_ =	shalt  }
0x70: {  	_ =	shalt  }
0x71: {  	_ =	shalt  }
0x72: {  	_ =	shalt  }
0x73: {  	_ =	shalt  }
0x74: {  	_ =	shalt  }
0x75: {  	_ =	shalt  }
0x76: {  	_ =	shalt  }
0x77: {  	_ =	shalt  }
0x78: {  	_ =	shalt  }
0x79: {  	_ =	shalt  }
0x7a: {  	_ =	shalt  }
0x7b: {  	_ =	shalt  }
0x7c: {  	_ =	shalt  }
0x7d: {  	_ =	shalt  }
0x7e: {  	_ =	shalt  }
0x7f: {  	_ =	shalt  }
0x80: {  	_ =	shalt  }
0x81: {  	_ =	shalt  }
0x82: {  	_ =	shalt  }
0x83: {  	_ =	shalt  }
0x84: {  	_ =	shalt  }
0x85: {  	_ =	shalt  }
0x86: {  	_ =	shalt  }
0x87: {  	_ =	shalt  }
.Lfunc_end0:
.L_simem_size_0:
called_computation_lowered:
.L_overlay_start_0:
0x88: {  	s2 =	sld [smem:$0x3FD9]  }
0x89: {  	s3 =	sld [smem:$0x3FFE];
	_ =	sdelay $0x1  }
0x8a: {  	s1 =	srdreg.scid  }
0x8b: {  	s0 =	sand.u32 $0x1, s1  }
0x8c: {  	s17 =	sshll.u32 s0, $0xA;
	s2 =	sadd.s32 s3, s2  }
0x8d: {  	s2 =	sadd.s32 s2, s17  }
0x8e: {  	[smem:$0x3FBC] =	sst s2  }
0x8f: {  	_ = 	snop  }
0x90: {  	s2 =	sld [smem:$0x3FD0];
	(tm) =	ssettm $0x1  }
0x91: {  	s18 =	sld [smem:$0x3FFB];
	_ =	sdelay $0x3  }
0x92: {  	_ =	strace s18  }
0x93: {  	s3 =	sld [smem:$0x3FFC];
	_ =	sdelay $0x3  }
0x94: {  	_ =	strace s3  }
0x95: {  	s3 =	sld [smem:$0x3FFD];
	_ =	sdelay $0x3  }
0x96: {  	_ =	strace s3  }
0x97: {  	_ =	strace $0x8FFFFFFF  }
0x98: {  	s19 =	sld [smem:$0x3FDB];
	_ =	sdelay $0x1  }
0x99: {  	s4 =	simm.s32 $_scs_section_size  }
0x9a: {  	s5 =	simm.s32 $_size__tile_overlayer_lowered;
	s6 =	simm.s32 $_tile_overlayer_lowered  }
0x9b: {  	s22 =	simm.s32 $0x1BFF;
	s21 =	sshll.u32 s6, $0x1;
	s3 =	sadd.s32 s4, s19  }
0x9c: {  	s7 =	simm.s32 $0x0;
	s20 =	sshll.u32 s5, $0x1;
	s5 =	sadd.s32 s21, s3  }
0x9d: {  	[timem:s7], [sflag:s22] =	dma.local [hbm:s5], s20  }
0x9e: {  	_ =	swait.ge [sflag:s22], s20  }
0x9f: {  	s4 =	ssub.s32 $0x0, s20;
	[sflag:s22] =	ssyncset.done $0x0  }
0xa0: {  	[sflag:s22] =	ssyncadd.s32 s4;
	_ =	sdelay $0x1  }
0xa1: {  	s23 =	simm.s32 $0x1B8B  }
0xa2: {  	_ =	swait.ge [sflag:s23], $0x1  }
0xa3: {  	[sflag:s23] =	ssyncset.done $0x0  }
0xa4: {  	s25 =	simm.s32 $0x1B8E;
	s24 =	sld [smem:$0x3FFE];
	[sflag:s23] =	ssyncadd.s32 $0xFFFFFFFF  }
0xa5: {  	s26 =	simm.s32 $execute0_lowered;
	[smem:$0x3FD2] =	sst s25  }
0xa6: {  	s5 =	sshll.u32 s26, $0x1;
	_ =	strace $0x80000046;
	[dreg:$0x1] =	wrdreg $0xFFFFFFFF  }
0xa7: {  	s28 =	simm.s32 $_size_execute0_lowered;
	s3 =	sadd.s32 s3, s5;
	[dreg:$0x0] =	wrdreg $0x0  }
0xa8: {  	s5 =	sshll.u32 s28, $0x1;
	[dreg:$0x2] =	wrdreg s3  }
0xa9: {  	[dreg:$0x3] =	wrdreg s5  }
0xaa: {  	[dreg:$0x4] =	wrdreg $0xC0  }
0xab: {  	_ =	task [dreg:s7], $0x5FFFF  }
0xac: {  	[dreg:$0x1] =	wrdreg $0xFFFFFFFF  }
0xad: {  	[dreg:$0x0] =	wrdreg $0x60  }
0xae: {  	[dreg:$0x2] =	wrdreg s2  }
0xaf: {  	[dreg:$0x3] =	wrdreg s24  }
0xb0: {  	[dreg:$0x4] =	wrdreg $0x9  }
0xb1: {  	_ =	task.clear_ibuf [dreg:s7], $0x5FFFF;
	_ =	strace $0x90000046  }
0xb2: {  	s29 =	simm.s32 $0x9;
	_ =	strace $0x80000048  }
0xb3: {  	_ =	swait.ge [sflag:s29], $0x1  }
0xb4: {  	[sflag:s29] =	ssyncadd.s32 $0xFFFFFFFF  }
0xb5: {  	_ =	strace $0x90000048  }
0xb6: {  	_ =	sfence  }
0xb7: {  	s30 =	sld [smem:$0x0];
	_ =	sdelay $0x2  }
0xb8: {  	s31 =	sshll.u32 s1, $0xD;
	s1 =	sshrl.u32 s1, $0x2  }
0xb9: {  	s3 =	sand.u32 $0x4000, s31;
	s1 =	sadd.s32 s1, s30  }
0xba: {  	s0 =	sor.u32 s3, s0;
	s1 =	sshll.u32 s1, $0x11  }
0xbb: {  	s0 =	sor.u32 s1, s0  }
0xbc: {  	s0 =	sadd.s32 $0x8F2B, s0  }
0xbd: {  	[sflag:s0] =	ssyncadd.remote.s32 $0x1  }
0xbe: {  	_ =	sfence.sel $0xFFFF  }
0xbf: {  	[dreg:$0x0] =	wrdreg $0xFFFFFFFF;
	(pc) =	sbr.abs _section_cstart, $3  }
0xc0: {  	[dreg:$0x1] =	wrdreg $0xFFFFFFFF  }
0xc1: {  	_ =	task.clear_ibuf [dreg:s7], $0x2FFFF;
	_ =	strace $0x9FFFFFFF  }
0xc2: {  	(tm) =	ssettm $0x7FFFFFFF  }
0xc3: {  	_ =	shalt  }
tec
execute0_lowered:
.L_overlay_start_1:
0x0: {  	(tag) =	ssettag $0x1  }
0x1: {  	s0 =	rddreg [dreg:$0x1]  }
0x2: {  	s1 =	simm.s32 $0x0;
	s24 =	srdreg.scid;
	s2 =	stileid.u32  }
0x3: {  	[smem:$0x7FF] =	sst s1;
	s1 =	sand.u32 $0x1, s24;
	s4 =	sadd.s32 $0x188600, s0  }
0x4: {  	s2 =	sshll.u32 s2, $0x1;
	s5 =	sadd.s32 $0x1A00, s0;
	_ =	strace $0x80000047  }
0x5: {  	s3 =	ssub.s32 $0x2, s1;
	s1 =	sor.u32 s1, s2;
	[dreg:$0x3] =	wrdreg s4  }
0x6: {  	[dreg:$0x4] =	wrdreg s5;
	s2 =	smul.u32 $0x62000, s1  }
0x7: {  	s25 =	sshrl.u32 s3, $0x1;
	s26 =	smul.u32 $0xC40, s1;
	p0 =	seq.s32 s1, $0x1F  }
0x8: {  	s1 =	smul.u32 $0xC400, s1;
	s0 =	ssub.s32 s3, s25;
	s3 =	simm.s32 $0x1D  }
0x9: {  	[dreg:$0x5] =	wrdreg s26;
	s2 =	sshrl.u32 s2, $0x3;
	s3 =	simm.s32 @!p0 $0x20  }
0xa: {  	s1 =	sadd.s32 s4, s1;
	s0 =	smax.u32 s0, $0x1;
	[dreg:$0x6] =	wrdreg s3  }
.Ltmp0:
0xb: {  	s28 =	sadd.s32 s4, s2;
	[dreg:$0x7] =	wrdreg s1;
	(pc) =	sbr.rel .LBB2_1-.Ltmp0, $4  }
0xc: {  	s2 =	sadd.s32 $0xC000, s2;
	[dreg:$0xb] =	wrdreg s0;
	s29 =	sadd.s32 $0x600, s28  }
0xd: {  	s30 =	sadd.s32 s4, s2;
	[dreg:$0x8] =	wrdreg s29  }
0xe: {  	s31 =	sadd.s32 s5, s2;
	[dreg:$0x9] =	wrdreg s30  }
0xf: {  	s1 =	simm.s32 $0x0;
	[dreg:$0xa] =	wrdreg s31  }
.LBB2_13:
0x10: {  	v11 =	vld [tilespmem:s14+$0x20]  }
0x11: {  	v12 =	vld [tilespmem:s31+$0x20]  }
0x12: {  	v13 =	vld [tilespmem:s12+$0x20]  }
0x13: {  	v7 =	vadd.f32 v7, v9;
	v42 =	vld [tilespmem:s13+$0x20]  }
0x14: {  	v43 =	vld [tilespmem:s18+$0x20]  }
0x15: {  	v44 =	vld [tilespmem:s24+$0x30];
	v7 =	vadd.f32 v8, v7  }
0x16: {  	v45 =	vld [tilespmem:s25+$0x30]  }
0x17: {  	v46 =	vld [tilespmem:s26+$0x30];
	v7 =	vadd.f32 v13, v7  }
0x18: {  	v3 =	vadd.f32 v4, v3;
	v5 =	vadd.f32 v5, v10;
	v47 =	vld [tilespmem:s28+$0x30]  }
0x19: {  	v48 =	vld [tilespmem:s29+$0x30];
	[tilespmem:s2+$0xFFFFFF20] =	vst v7  }
0x1a: {  	v3 =	vadd.f32 v6, v3;
	v5 =	vadd.f32 v11, v5;
	v49 =	vld [tilespmem:s0+$0xFFFFFF30]  }
0x1b: {  	v50 =	vld [tilespmem:s15+$0x30]  }
0x1c: {  	v3 =	vadd.f32 v12, v3;
	v5 =	vadd.f32 v42, v5;
	v14 =	vld [tilespmem:s10+$0x30]  }
0x1d: {  	v17 =	vld [tilespmem:s9+$0x30]  }
0x1e: {  	v3 =	vadd.f32 v43, v3;
	v56 =	vld [tilespmem:s12+$0x30];
	[tilespmem:s2+$0xFFFFFFA0] =	vst v5  }
0x1f: {  	v5 =	vld [tilespmem:s0+$0xFFFFFFB0]  }
0x20: {  	[tilespmem:s2+$0x20] =	vst v3;
	v51 =	vld [tilespmem:s30+$0x30]  }
0x21: {  	v52 =	vld [tilespmem:s0+$0x30]  }
0x22: {  	v53 =	vld [tilespmem:s1+$0x30]  }
0x23: {  	v15 =	vld [tilespmem:s11+$0x30]  }
0x24: {  	v0 =	vadd.f32 v44, v0;
	v16 =	vld [tilespmem:s8+$0x30]  }
0x25: {  	v1 =	vadd.f32 v45, v1;
	v54 =	vld [tilespmem:s14+$0x30];
	v4 =	vadd.f32 v50, v49  }
0x26: {  	v2 =	vadd.f32 v46, v2;
	v55 =	vld [tilespmem:s31+$0x30];
	v3 =	vadd.f32 v51, v5  }
0x27: {  	v58 =	vld [tilespmem:s13+$0x30];
	v57 =	vadd.f32 v53, v52;
	v4 =	vadd.f32 v14, v4  }
0x28: {  	v0 =	vadd.f32 v47, v0;
	v59 =	vld [tilespmem:s18+$0x30];
	v3 =	vadd.f32 v15, v3  }
0x29: {  	v9 =	vadd.f32 v16, v57;
	v4 =	vadd.f32 v17, v4  }
0x2a: {  	[tilespmem:s23+$0xFFFFFF30] =	vst v2;
	v1 =	vadd.f32 v48, v1;
	v60 =	vadd.f32 v54, v3  }
0x2b: {  	[tilespmem:s23+$0xFFFFFFB0] =	vst v0;
	v61 =	vadd.f32 v55, v9;
	v62 =	vadd.f32 v56, v4  }
0x2c: {  	[tilespmem:s23+$0x30] =	vst v1;
	v63 =	vadd.f32 v58, v60  }
0x2d: {  	[tilespmem:s2+$0xFFFFFF30] =	vst v62;
	v0 =	vadd.f32 v59, v61  }
0x2e: {  	[tilespmem:s2+$0xFFFFFFB0] =	vst v63  }
0x2f: {  	s28 =	simm.s32 $0x0;
	[tilespmem:s2+$0x30] =	vst v0  }
0x30: {  	s30 =	simm.s32 $0x18D00;
	s31 =	simm.s32 $0x3;
	s29 =	rddreg [dreg:$0xa]  }
0x31: {  	[hbm4b:s29+s28] =	stream.linear.scatter [tilespmem:s30], [sflag:$0x3], $0x2000, $0x38;
	[tilespmem:$0x1ED00] =	vst v63  }
0x32: {  	_ =	swait.ge [sflag:s31], $0x2000  }
0x33: {  	[sflag:s31] =	ssyncset.done $0x0  }
0x34: {  	s1 =	rddreg [dreg:$0xc];
	[sflag:s31] =	ssyncadd.s32 $0xFFFFE000  }
.LBB2_14:
0x35: {  	s1 =	sadd.s32 $0x1, s1;
	s0 =	rddreg [dreg:$0xb]  }
0x36: {  	p1 =	sne.s32 s1, s0  }
.Ltmp1:
0x37: {  	_ = 	snop;
	(pc) =	sbr.rel @!p1 .LBB2_15-.Ltmp1, $1  }
0x38: {  	_ =	sdelay $0x3  }
.LBB2_1:
0x39: {  	[dreg:$0xc] =	wrdreg s1  }
0x3a: {  	s0 =	rddreg [dreg:$0x0];
	s26 =	simm.s32 $0x0;
	s28 =	simm.s32 $0x5  }
0x3b: {  	[tilespmem:s26], [sflag:$0x5] =	stream.linear.gather [hbm4b:s0+s26], $0x12D00, $0x38;
	[tilespmem:$0x1ED00] =	vst v63  }
0x3c: {  	_ =	swait.ge [sflag:s28], $0x12D00  }
.Ltmp2:
0x3d: {  	[sflag:s28] =	ssyncset.done $0x0;
	(pc) =	sbr.rel .LBB2_2-.Ltmp2, $4  }
0x3e: {  	s2 =	simm.s32 $0x12D00;
	s29 =	rddreg [dreg:$0x7];
	[sflag:s28] =	ssyncadd.s32 $0xFFFED300  }
0x3f: {  	[tilespmem:s2], [sflag:$0x1] =	stream.linear.gather [hbm4b:s29+s26], $0x3000, $0x38;
	[tilespmem:$0x1ED00] =	vst v63  }
0x40: {  	s31 =	simm.s32 $0x15D00;
	s23 =	simm.s32 $0x0;
	s30 =	rddreg [dreg:$0x8]  }
0x41: {  	[tilespmem:s31], [sflag:$0x2] =	stream.linear.gather [hbm4b:s30+s26], $0x3000, $0x38;
	[tilespmem:$0x1ED00] =	vst v63  }
.LBB2_9:
0x42: {  	s23 =	sadd.s32 $0x1, s23;
	s0 =	rddreg [dreg:$0x6]  }
0x43: {  	p1 =	sne.s32 s23, s0  }
.Ltmp3:
0x44: {  	_ = 	snop;
	(pc) =	sbr.rel @!p1 .LBB2_10-.Ltmp3, $1  }
0x45: {  	_ =	sdelay $0x3  }
.LBB2_2:
0x46: {  	s0 =	sand.u32 $0x1, s23  }
0x47: {  	p1 =	seq.s32 s0, $0x1  }
.Ltmp4:
0x48: {  	_ = 	snop;
	(pc) =	sbr.rel @p1 .LBB2_6-.Ltmp4, $1  }
0x49: {  	_ =	sdelay $0x3  }
0x4a: {  	[dreg:$0xd] =	wrdreg s0;
	s19 =	simm.s32 $0x1  }
0x4b: {  	_ =	swait.ge [sflag:s19], $0x3000  }
0x4c: {  	p1 =	slt.u32 s23, $0x2;
	[sflag:s19] =	ssyncset.done $0x0  }
0x4d: {  	s0 =	simm.s32 @!p1 $0x3;
	[sflag:s19] =	ssyncadd.s32 $0xFFFFD000  }
0x4e: {  	_ =	swait.ge @!p1 [sflag:s0], $0x3000  }
0x4f: {  	[sflag:s0] =	ssyncset.done @!p1 $0x0  }
0x50: {  	s8 =	simm.s32 $0x12E00;
	[sflag:s0] =	ssyncadd.s32 @!p1 $0xFFFFD000  }
0x51: {  	v0 =	vld [tilespmem:s8+$0xC0]  }
0x52: {  	v1 =	vld [tilespmem:s8+$0xFFFFFFC0];
	_ =	sdelay $0x1  }
0x53: {  	v2 =	vld [tilespmem:s8+$0xFFFFFF40];
	_ =	sdelay $0x1  }
0x54: {  	v3 =	vld [tilespmem:s8+$0x40];
	v0 =	vtrunc.f32 v0  }
0x55: {  	v1 =	vtrunc.f32 v1;
	v0 =	vcvt.f32.s32 v0  }
0x56: {  	v1 =	vcvt.f32.s32 v1  }
0x57: {  	v2 =	vtrunc.f32 v2;
	(v2sf) =	vpush v0, $0x0  }
0x58: {  	v2 =	vcvt.f32.s32 v2;
	(v2sf) =	vpush v1, $0x0  }
0x59: {  	v3 =	vtrunc.f32 v3;
	(v2sf) =	vpush v0, $0x1  }
0x5a: {  	v3 =	vcvt.f32.s32 v3;
	(v2sf) =	vpush v2, $0x0  }
0x5b: {  	(v2sf) =	vpush v0, $0x2  }
0x5c: {  	(v2sf) =	vpush v3, $0x0  }
0x5d: {  	(v2sf) =	vpush v0, $0x3  }
0x5e: {  	(v2sf) =	vpush v2, $0x1  }
0x5f: {  	v4 =	vld [tilespmem:s8+$0xFFFFFF80];
	(v2sf) =	vpush v1, $0x1  }
0x60: {  	s0 =	simm.s32 $0x13000;
	v5 =	vld [tilespmem:s8+$0x80];
	(v2sf) =	vpush v3, $0x1  }
0x61: {  	v15 =	vld [tilespmem:s0+$0xFFFFFFC0];
	(v2sf) =	vpush v2, $0x2  }
0x62: {  	v17 =	vld [tilespmem:s0+$0x80];
	(v2sf) =	vpush v1, $0x2  }
0x63: {  	v21 =	vld [tilespmem:s0+$0xFFFFFF00];
	(v2sf) =	vpush v3, $0x2  }
0x64: {  	v62 =	vld [tilespmem:s0+$0xFFFFFF80];
	(v2sf) =	vpush v2, $0x3  }
0x65: {  	v63 =	vld [tilespmem:s0+$0x0]  }
0x66: {  	v0 =	vld [tilespmem:s8+$0xFFFFFF00];
	s3 =	spop (v2sf)  }
0x67: {  	(v2sf) =	vpush v1, $0x3;
	v1 =	vld [tilespmem:s3+$0x0];
	s9 =	spop (v2sf)  }
0x68: {  	v2 =	vld [tilespmem:s8+$0x0];
	s4 =	spop (v2sf)  }
0x69: {  	(v2sf) =	vpush v3, $0x3;
	v3 =	vld [tilespmem:s4+$0x0];
	s12 =	spop (v2sf)  }
0x6a: {  	v6 =	vld [tilespmem:s9+$0x0];
	s2 =	spop (v2sf)  }
0x6b: {  	v8 =	vld [tilespmem:s2+$0x0];
	s11 =	spop (v2sf)  }
0x6c: {  	v7 =	vld [tilespmem:s12+$0x0];
	v1 =	vadd.f32 v1, v5;
	s1 =	spop (v2sf)  }
0x6d: {  	v5 =	vld [tilespmem:s1+$0x0];
	s22 =	spop (v2sf)  }
0x6e: {  	v9 =	vld [tilespmem:s11+$0x0];
	v1 =	vadd.f32 v3, v1;
	s18 =	spop (v2sf)  }
0x6f: {  	v10 =	vld [tilespmem:s22+$0x0];
	s21 =	spop (v2sf)  }
0x70: {  	v3 =	vld [tilespmem:s18+$0x0];
	v1 =	vadd.f32 v8, v1;
	s17 =	spop (v2sf)  }
0x71: {  	v11 =	vld [tilespmem:s21+$0x0];
	s30 =	spop (v2sf)  }
0x72: {  	v8 =	vld [tilespmem:s17+$0x0];
	v1 =	vadd.f32 v5, v1;
	s28 =	spop (v2sf)  }
0x73: {  	s25 =	simm.s32 $0x18E00;
	v12 =	vld [tilespmem:s30+$0x0];
	s26 =	spop (v2sf)  }
0x74: {  	v0 =	vadd.f32 v7, v0;
	v7 =	vld [tilespmem:s26+$0x0];
	[tilespmem:s25+$0x80] =	vst v1  }
0x75: {  	v1 =	vld [tilespmem:s8+$0x90]  }
0x76: {  	v4 =	vadd.f32 v6, v4;
	v0 =	vadd.f32 v10, v0;
	s29 =	spop (v2sf);
	v6 =	vld [tilespmem:s3+$0x10]  }
0x77: {  	v2 =	vadd.f32 v9, v2;
	v9 =	vld [tilespmem:s29+$0x0]  }
0x78: {  	v5 =	vld [tilespmem:s28+$0x0];
	v3 =	vadd.f32 v3, v4;
	v0 =	vadd.f32 v8, v0  }
0x79: {  	v4 =	vld [tilespmem:s4+$0x10];
	s31 =	spop (v2sf)  }
0x7a: {  	v3 =	vadd.f32 v12, v3;
	v8 =	vld [tilespmem:s31+$0x0];
	v0 =	vadd.f32 v7, v0  }
0x7b: {  	v2 =	vadd.f32 v11, v2;
	v7 =	vld [tilespmem:s2+$0x10]  }
0x7c: {  	v1 =	vadd.f32 v6, v1;
	[tilespmem:s25+$0xFFFFFF00] =	vst v0;
	v0 =	vadd.f32 v9, v3;
	v3 =	vld [tilespmem:s1+$0x10]  }
0x7d: {  	v2 =	vadd.f32 v5, v2;
	v5 =	vld [tilespmem:s8+$0xFFFFFF10]  }
0x7e: {  	v1 =	vadd.f32 v4, v1;
	v4 =	vld [tilespmem:s12+$0x10]  }
0x7f: {  	v13 =	vld [tilespmem:s17+$0x10];
	[tilespmem:s25+$0xFFFFFF80] =	vst v0  }
0x80: {  	v0 =	vadd.f32 v8, v2;
	v2 =	vld [tilespmem:s8+$0xFFFFFF90]  }
0x81: {  	v6 =	vld [tilespmem:s9+$0x10]  }
0x82: {  	v1 =	vadd.f32 v7, v1;
	v7 =	vld [tilespmem:s22+$0x10]  }
0x83: {  	v9 =	vld [tilespmem:s18+$0x10]  }
0x84: {  	v16 =	vld [tilespmem:s30+$0x10];
	[tilespmem:s25+$0x0] =	vst v0;
	v1 =	vadd.f32 v3, v1  }
0x85: {  	v0 =	vld [tilespmem:s8+$0x10]  }
0x86: {  	v3 =	vld [tilespmem:s11+$0x10];
	[tilespmem:s25+$0x90] =	vst v1  }
0x87: {  	v1 =	vld [tilespmem:s8+$0xA0]  }
0x88: {  	v4 =	vadd.f32 v4, v5;
	v8 =	vld [tilespmem:s3+$0x20]  }
0x89: {  	v11 =	vld [tilespmem:s21+$0x10]  }
0x8a: {  	v10 =	vld [tilespmem:s4+$0x20];
	v4 =	vadd.f32 v7, v4  }
0x8b: {  	v55 =	vld [tilespmem:s2+$0x20];
	v2 =	vadd.f32 v6, v2  }
0x8c: {  	v3 =	vadd.f32 v3, v0;
	v0 =	vadd.f32 v13, v4;
	v4 =	vld [tilespmem:s29+$0x10]  }
0x8d: {  	v2 =	vadd.f32 v9, v2;
	v1 =	vadd.f32 v8, v1;
	v8 =	vld [tilespmem:s0+$0xC0]  }
0x8e: {  	v14 =	vld [tilespmem:s1+$0x20];
	v3 =	vadd.f32 v11, v3  }
0x8f: {  	v5 =	vld [tilespmem:s0+$0xFFFFFF40];
	v11 =	vadd.f32 v16, v2;
	v1 =	vadd.f32 v10, v1  }
0x90: {  	v6 =	vld [tilespmem:s0+$0x40]  }
0x91: {  	v10 =	vld [tilespmem:s26+$0x10];
	v4 =	vadd.f32 v4, v11;
	v1 =	vadd.f32 v55, v1  }
0x92: {  	v9 =	vld [tilespmem:s31+$0x10];
	v7 =	vtrunc.f32 v8  }
0x93: {  	v56 =	vtrunc.f32 v15;
	[tilespmem:s25+$0xFFFFFF90] =	vst v4;
	v8 =	vld [tilespmem:s28+$0x10];
	v1 =	vadd.f32 v14, v1;
	v7 =	vcvt.f32.s32 v7  }
0x94: {  	v12 =	vcvt.f32.s32 v56;
	v59 =	vld [tilespmem:s18+$0x20]  }
0x95: {  	v25 =	vld [tilespmem:s29+$0x20];
	[tilespmem:s25+$0xA0] =	vst v1;
	v1 =	vtrunc.f32 v5;
	(v2sf) =	vpush v7, $0x0  }
0x96: {  	v5 =	vadd.f32 v10, v0;
	v0 =	vld [tilespmem:s8+$0xB0];
	v10 =	vcvt.f32.s32 v1;
	(v2sf) =	vpush v12, $0x0  }
0x97: {  	v6 =	vtrunc.f32 v6;
	v1 =	vld [tilespmem:s3+$0x30];
	(v2sf) =	vpush v7, $0x1  }
0x98: {  	v2 =	vld [tilespmem:s4+$0x30];
	[tilespmem:s25+$0xFFFFFF10] =	vst v5;
	v5 =	vcvt.f32.s32 v6;
	(v2sf) =	vpush v10, $0x0  }
0x99: {  	v4 =	vld [tilespmem:s1+$0x30];
	(v2sf) =	vpush v7, $0x2  }
0x9a: {  	v6 =	vadd.f32 v8, v3;
	v3 =	vld [tilespmem:s2+$0x30];
	(v2sf) =	vpush v5, $0x0  }
0x9b: {  	v8 =	vld [tilespmem:s8+$0xFFFFFF20];
	(v2sf) =	vpush v7, $0x3  }
0x9c: {  	v11 =	vld [tilespmem:s12+$0x20]  }
0x9d: {  	v58 =	vld [tilespmem:s22+$0x20]  }
0x9e: {  	v19 =	vld [tilespmem:s17+$0x20]  }
0x9f: {  	v22 =	vld [tilespmem:s26+$0x20];
	v6 =	vadd.f32 v9, v6  }
0xa0: {  	v7 =	vld [tilespmem:s8+$0xFFFFFFA0]  }
0xa1: {  	[tilespmem:s25+$0x10] =	vst v6;
	v6 =	vld [tilespmem:s9+$0x20]  }
0xa2: {  	v9 =	vld [tilespmem:s8+$0x20]  }
0xa3: {  	v57 =	vld [tilespmem:s11+$0x20];
	v8 =	vadd.f32 v11, v8  }
0xa4: {  	v60 =	vld [tilespmem:s21+$0x20];
	s20 =	spop (v2sf)  }
0xa5: {  	v8 =	vadd.f32 v58, v8;
	v18 =	vld [tilespmem:s20+$0x0];
	s1 =	spop (v2sf)  }
0xa6: {  	v26 =	vld [tilespmem:s28+$0x20];
	s16 =	spop (v2sf)  }
0xa7: {  	v6 =	vadd.f32 v6, v7;
	v7 =	vadd.f32 v19, v8;
	v20 =	vld [tilespmem:s16+$0x0];
	s10 =	spop (v2sf)  }
0xa8: {  	(v2sf) =	vpush v10, $0x1;
	v8 =	vld [tilespmem:s30+$0x20];
	s24 =	spop (v2sf)  }
0xa9: {  	(v2sf) =	vpush v12, $0x1;
	v7 =	vadd.f32 v22, v7;
	v11 =	vld [tilespmem:s24+$0x0];
	s15 =	spop (v2sf)  }
0xaa: {  	v27 =	vld [tilespmem:s31+$0x20];
	v9 =	vadd.f32 v57, v9;
	v17 =	vadd.f32 v18, v17;
	s5 =	spop (v2sf)  }
0xab: {  	v6 =	vadd.f32 v59, v6;
	(v2sf) =	vpush v5, $0x1;
	[tilespmem:s25+$0xFFFFFF20] =	vst v7;
	v61 =	vld [tilespmem:s5+$0x0]  }
0xac: {  	(v2sf) =	vpush v10, $0x2;
	v7 =	vld [tilespmem:s8+$0xFFFFFF30];
	v17 =	vadd.f32 v20, v17  }
0xad: {  	v6 =	vadd.f32 v8, v6;
	v28 =	vld [tilespmem:s12+$0x30];
	(v2sf) =	vpush v12, $0x2  }
0xae: {  	v40 =	vld [tilespmem:s22+$0x30];
	(v2sf) =	vpush v5, $0x2;
	v11 =	vadd.f32 v11, v17  }
0xaf: {  	v45 =	vld [tilespmem:s17+$0x30];
	v6 =	vadd.f32 v25, v6;
	(v2sf) =	vpush v10, $0x3  }
0xb0: {  	v32 =	vld [tilespmem:s10+$0x0];
	(v2sf) =	vpush v12, $0x3;
	v11 =	vadd.f32 v61, v11  }
0xb1: {  	s2 =	simm.s32 $0x19000;
	[tilespmem:s25+$0xFFFFFFA0] =	vst v6;
	(v2sf) =	vpush v5, $0x3;
	v5 =	vld [tilespmem:s15+$0x0]  }
0xb2: {  	v8 =	vadd.f32 v60, v9;
	v29 =	vld [tilespmem:s8+$0xFFFFFFB0];
	[tilespmem:s2+$0x80] =	vst v11  }
0xb3: {  	v9 =	vld [tilespmem:s0+$0x90]  }
0xb4: {  	v8 =	vadd.f32 v26, v8;
	v11 =	vld [tilespmem:s20+$0x10]  }
0xb5: {  	v31 =	vld [tilespmem:s9+$0x30]  }
0xb6: {  	v8 =	vadd.f32 v27, v8;
	v6 =	vld [tilespmem:s16+$0x10]  }
0xb7: {  	v42 =	vld [tilespmem:s18+$0x30]  }
0xb8: {  	[tilespmem:s25+$0x20] =	vst v8;
	v30 =	vld [tilespmem:s24+$0x10]  }
0xb9: {  	v10 =	vld [tilespmem:s8+$0x30];
	v9 =	vadd.f32 v11, v9  }
0xba: {  	v8 =	vld [tilespmem:s5+$0x10]  }
0xbb: {  	v6 =	vadd.f32 v6, v9;
	v9 =	vld [tilespmem:s11+$0x30];
	s11 =	spop (v2sf)  }
0xbc: {  	v11 =	vld [tilespmem:s1+$0x0];
	s14 =	spop (v2sf)  }
0xbd: {  	v6 =	vadd.f32 v30, v6;
	v33 =	vld [tilespmem:s14+$0x0];
	s8 =	spop (v2sf)  }
0xbe: {  	v35 =	vld [tilespmem:s8+$0x0]  }
0xbf: {  	s9 =	spop (v2sf);
	v6 =	vadd.f32 v8, v6;
	v8 =	vld [tilespmem:s11+$0x0]  }
0xc0: {  	v23 =	vld [tilespmem:s9+$0x0];
	s12 =	spop (v2sf)  }
0xc1: {  	v25 =	vld [tilespmem:s12+$0x0];
	s13 =	spop (v2sf)  }
0xc2: {  	v12 =	vadd.f32 v32, v21;
	v38 =	vld [tilespmem:s13+$0x0];
	s19 =	spop (v2sf)  }
0xc3: {  	[tilespmem:s2+$0x90] =	vst v6;
	v39 =	vld [tilespmem:s19+$0x0]  }
0xc4: {  	v6 =	vld [tilespmem:s0+$0xA0];
	v8 =	vadd.f32 v8, v12  }
0xc5: {  	v11 =	vadd.f32 v11, v62;
	v34 =	vld [tilespmem:s20+$0x20];
	s22 =	spop (v2sf)  }
0xc6: {  	v41 =	vld [tilespmem:s22+$0x0];
	v8 =	vadd.f32 v23, v8  }
0xc7: {  	v5 =	vadd.f32 v5, v63;
	v36 =	vld [tilespmem:s16+$0x20];
	v11 =	vadd.f32 v33, v11;
	s18 =	spop (v2sf)  }
0xc8: {  	v43 =	vld [tilespmem:s18+$0x0];
	v8 =	vadd.f32 v39, v8  }
0xc9: {  	v24 =	vld [tilespmem:s24+$0x20];
	v5 =	vadd.f32 v35, v5;
	v11 =	vadd.f32 v25, v11  }
0xca: {  	v37 =	vld [tilespmem:s5+$0x20];
	[tilespmem:s2+$0xFFFFFF00] =	vst v8  }
0xcb: {  	v5 =	vadd.f32 v38, v5;
	v8 =	vadd.f32 v41, v11;
	v11 =	vld [tilespmem:s0+$0xFFFFFF10]  }
0xcc: {  	v46 =	vld [tilespmem:s10+$0x10]  }
0xcd: {  	v5 =	vadd.f32 v43, v5;
	v48 =	vld [tilespmem:s11+$0x10]  }
0xce: {  	v50 =	vld [tilespmem:s9+$0x10]  }
0xcf: {  	[tilespmem:s2+$0x0] =	vst v5;
	v52 =	vld [tilespmem:s19+$0x10]  }
0xd0: {  	v5 =	vld [tilespmem:s0+$0x10]  }
0xd1: {  	v6 =	vadd.f32 v34, v6;
	[tilespmem:s2+$0xFFFFFF80] =	vst v8;
	v49 =	vld [tilespmem:s15+$0x10]  }
0xd2: {  	v8 =	vld [tilespmem:s0+$0xFFFFFF90]  }
0xd3: {  	v6 =	vadd.f32 v36, v6;
	v47 =	vld [tilespmem:s1+$0x10]  }
0xd4: {  	v53 =	vld [tilespmem:s8+$0x10]  }
0xd5: {  	v6 =	vadd.f32 v24, v6;
	v51 =	vld [tilespmem:s14+$0x10]  }
0xd6: {  	v55 =	vld [tilespmem:s13+$0x10];
	v11 =	vadd.f32 v46, v11  }
0xd7: {  	v6 =	vadd.f32 v37, v6;
	v54 =	vld [tilespmem:s12+$0x10];
	v5 =	vadd.f32 v49, v5  }
0xd8: {  	v57 =	vld [tilespmem:s18+$0x10];
	v11 =	vadd.f32 v48, v11;
	v8 =	vadd.f32 v47, v8  }
0xd9: {  	v56 =	vld [tilespmem:s22+$0x10];
	v5 =	vadd.f32 v53, v5  }
0xda: {  	v44 =	vld [tilespmem:s21+$0x30];
	[tilespmem:s2+$0xA0] =	vst v6;
	v11 =	vadd.f32 v50, v11;
	v8 =	vadd.f32 v51, v8  }
0xdb: {  	v0 =	vadd.f32 v1, v0;
	v6 =	vld [tilespmem:s20+$0x30];
	v1 =	vadd.f32 v55, v5  }
0xdc: {  	v58 =	vld [tilespmem:s0+$0xB0];
	v11 =	vadd.f32 v52, v11;
	v8 =	vadd.f32 v54, v8  }
0xdd: {  	v59 =	vld [tilespmem:s16+$0x30]  }
0xde: {  	v1 =	vadd.f32 v57, v1;
	[tilespmem:s2+$0xFFFFFF10] =	vst v11;
	v5 =	vadd.f32 v56, v8;
	v8 =	vld [tilespmem:s24+$0x30]  }
0xdf: {  	v11 =	vld [tilespmem:s0+$0xFFFFFF20]  }
0xe0: {  	v0 =	vadd.f32 v2, v0;
	v60 =	vld [tilespmem:s10+$0x20];
	[tilespmem:s2+$0x10] =	vst v1  }
0xe1: {  	v2 =	vadd.f32 v6, v58;
	[tilespmem:s2+$0xFFFFFF90] =	vst v5;
	v5 =	vld [tilespmem:s5+$0x30]  }
0xe2: {  	v0 =	vadd.f32 v3, v0;
	v3 =	vld [tilespmem:s0+$0x20]  }
0xe3: {  	v1 =	vadd.f32 v59, v2;
	v61 =	vld [tilespmem:s0+$0xFFFFFFA0]  }
0xe4: {  	v2 =	vadd.f32 v4, v0;
	v0 =	vadd.f32 v28, v7;
	v62 =	vld [tilespmem:s1+$0x20]  }
0xe5: {  	v7 =	vadd.f32 v31, v29;
	v4 =	vld [tilespmem:s15+$0x20];
	v1 =	vadd.f32 v8, v1  }
0xe6: {  	v6 =	vld [tilespmem:s11+$0x20];
	v8 =	vadd.f32 v9, v10;
	v9 =	vadd.f32 v40, v0  }
0xe7: {  	v0 =	vadd.f32 v42, v7;
	v7 =	vld [tilespmem:s14+$0x20];
	v63 =	vadd.f32 v5, v1  }
0xe8: {  	[tilespmem:s25+$0xB0] =	vst v2;
	v1 =	vadd.f32 v44, v8;
	v2 =	vadd.f32 v45, v9;
	v5 =	vld [tilespmem:s8+$0x20]  }
0xe9: {  	s17 =	simm.s32 $0x13200;
	s21 =	simm.s32 $0x4;
	v9 =	vadd.f32 v60, v11;
	v8 =	vld [tilespmem:s9+$0x20];
	v10 =	vadd.f32 v62, v61;
	[tilespmem:s2+$0xB0] =	vst v63  }
.LBB2_4:
0xea: {  	v11 =	vld [tilespmem:s17+$0xC0];
	v3 =	vadd.f32 v4, v3  }
0xeb: {  	v4 =	vld [tilespmem:s17+$0xFFFFFFC0];
	v6 =	vadd.f32 v6, v9  }
0xec: {  	v9 =	vld [tilespmem:s17+$0x40];
	v7 =	vadd.f32 v7, v10  }
0xed: {  	s21 =	sadd.s32 $0x4, s21;
	v10 =	vld [tilespmem:s17+$0xFFFFFF40];
	v3 =	vadd.f32 v5, v3  }
0xee: {  	p1 =	slt.u32 s21, $0x5C;
	v5 =	vld [tilespmem:s17+$0xFFFFFF00];
	v6 =	vadd.f32 v8, v6  }
0xef: {  	v8 =	vld [tilespmem:s17+$0xFFFFFF80];
	v11 =	vtrunc.f32 v11  }
0xf0: {  	v4 =	vtrunc.f32 v4;
	v12 =	vld [tilespmem:s17+$0x0];
	v11 =	vcvt.f32.s32 v11  }
0xf1: {  	v4 =	vcvt.f32.s32 v4;
	v9 =	vtrunc.f32 v9;
	v13 =	vld [tilespmem:s12+$0x20]  }
0xf2: {  	v10 =	vtrunc.f32 v10;
	v9 =	vcvt.f32.s32 v9;
	(v2sf) =	vpush v11, $0x0;
	v14 =	vld [tilespmem:s13+$0x20]  }
0xf3: {  	v10 =	vcvt.f32.s32 v10;
	(v2sf) =	vpush v4, $0x0;
	v15 =	vld [tilespmem:s19+$0x20]  }
0xf4: {  	(v2sf) =	vpush v11, $0x1;
	v16 =	vld [tilespmem:s22+$0x20]  }
0xf5: {  	(v2sf) =	vpush v10, $0x0;
	v17 =	vld [tilespmem:s18+$0x20]  }
0xf6: {  	(v2sf) =	vpush v11, $0x2;
	v7 =	vadd.f32 v13, v7;
	v13 =	vld [tilespmem:s30+$0x30];
	s30 =	smov.u32 s12  }
0xf7: {  	(v2sf) =	vpush v9, $0x0;
	v3 =	vadd.f32 v14, v3;
	v14 =	vld [tilespmem:s28+$0x30];
	s28 =	smov.u32 s13  }
0xf8: {  	(v2sf) =	vpush v11, $0x3;
	v6 =	vadd.f32 v15, v6;
	v11 =	vld [tilespmem:s26+$0x30];
	s26 =	smov.u32 s19  }
0xf9: {  	(v2sf) =	vpush v10, $0x1;
	v7 =	vadd.f32 v16, v7;
	v15 =	vld [tilespmem:s29+$0x30];
	s29 =	smov.u32 s22  }
0xfa: {  	(v2sf) =	vpush v4, $0x1;
	[tilespmem:s2+$0xFFFFFF20] =	vst v6;
	v3 =	vadd.f32 v17, v3;
	v6 =	vld [tilespmem:s31+$0x30];
	s31 =	smov.u32 s18  }
0xfb: {  	(v2sf) =	vpush v9, $0x1;
	v16 =	vld [tilespmem:s0+$0xFFFFFF30];
	[tilespmem:s2+$0xFFFFFFA0] =	vst v7;
	v0 =	vadd.f32 v13, v0  }
0xfc: {  	(v2sf) =	vpush v10, $0x2;
	v7 =	vld [tilespmem:s10+$0x30];
	[tilespmem:s2+$0x20] =	vst v3;
	v1 =	vadd.f32 v14, v1  }
0xfd: {  	(v2sf) =	vpush v4, $0x2;
	v3 =	vld [tilespmem:s0+$0xFFFFFFB0];
	v2 =	vadd.f32 v11, v2  }
0xfe: {  	(v2sf) =	vpush v9, $0x2;
	v11 =	vld [tilespmem:s1+$0x30];
	v0 =	vadd.f32 v15, v0  }
0xff: {  	(v2sf) =	vpush v10, $0x3;
	v10 =	vld [tilespmem:s0+$0x30];
	[tilespmem:s25+$0xFFFFFF30] =	vst v2;
	v1 =	vadd.f32 v6, v1;
	s0 =	smov.u32 s17  }
0x100: {  	(v2sf) =	vpush v4, $0x3;
	v2 =	vld [tilespmem:s15+$0x30];
	[tilespmem:s25+$0xFFFFFFB0] =	vst v0  }
0x101: {  	v4 =	vld [tilespmem:s17+$0x80];
	(v2sf) =	vpush v9, $0x3;
	s3 =	spop (v2sf);
	v6 =	vadd.f32 v7, v16;
	[tilespmem:s25+$0x30] =	vst v1;
	s25 =	smov.u32 s2  }
0x102: {  	v7 =	vld [tilespmem:s3+$0x0];
	s1 =	spop (v2sf)  }
0x103: {  	v9 =	vld [tilespmem:s1+$0x0];
	s20 =	spop (v2sf);
	v0 =	vadd.f32 v11, v3  }
0x104: {  	v3 =	vld [tilespmem:s20+$0x0];
	s10 =	spop (v2sf)  }
0x105: {  	v11 =	vld [tilespmem:s10+$0x0];
	s16 =	spop (v2sf);
	v1 =	vadd.f32 v2, v10  }
0x106: {  	v2 =	vld [tilespmem:s16+$0x0];
	s15 =	spop (v2sf)  }
0x107: {  	v10 =	vld [tilespmem:s15+$0x0];
	v4 =	vadd.f32 v7, v4;
	s5 =	spop (v2sf)  }
0x108: {  	v7 =	vadd.f32 v9, v8;
	v8 =	vld [tilespmem:s5+$0x0];
	s24 =	spop (v2sf)  }
0x109: {  	v9 =	vld [tilespmem:s24+$0x0];
	v3 =	vadd.f32 v3, v4;
	s6 =	spop (v2sf)  }
0x10a: {  	v4 =	vadd.f32 v11, v5;
	v5 =	vld [tilespmem:s6+$0x0];
	s7 =	spop (v2sf)  }
0x10b: {  	v11 =	vld [tilespmem:s7+$0x0];
	v2 =	vadd.f32 v2, v3;
	s4 =	spop (v2sf)  }
0x10c: {  	v3 =	vld [tilespmem:s4+$0x0];
	v10 =	vadd.f32 v10, v12;
	s12 =	spop (v2sf)  }
0x10d: {  	v12 =	vld [tilespmem:s12+$0x0];
	v2 =	vadd.f32 v8, v2;
	s13 =	spop (v2sf)  }
0x10e: {  	s2 =	sadd.s32 $0x200, s2;
	v4 =	vadd.f32 v9, v4;
	v8 =	vld [tilespmem:s13+$0x0];
	s19 =	spop (v2sf)  }
0x10f: {  	v9 =	vld [tilespmem:s19+$0x0];
	v5 =	vadd.f32 v5, v7;
	[tilespmem:s2+$0x80] =	vst v2;
	s22 =	spop (v2sf)  }
0x110: {  	v2 =	vadd.f32 v11, v10;
	v7 =	vld [tilespmem:s17+$0x90];
	s18 =	spop (v2sf)  }
0x111: {  	v3 =	vadd.f32 v3, v4;
	v4 =	vld [tilespmem:s3+$0x10]  }
0x112: {  	v5 =	vadd.f32 v12, v5;
	v10 =	vld [tilespmem:s22+$0x0]  }
0x113: {  	v2 =	vadd.f32 v8, v2;
	v8 =	vld [tilespmem:s20+$0x10]  }
0x114: {  	v3 =	vadd.f32 v9, v3;
	v9 =	vld [tilespmem:s18+$0x0]  }
0x115: {  	v11 =	vld [tilespmem:s16+$0x10]  }
0x116: {  	[tilespmem:s2+$0xFFFFFF00] =	vst v3;
	v3 =	vadd.f32 v4, v7;
	v4 =	vld [tilespmem:s11+$0x30];
	s11 =	smov.u32 s24  }
0x117: {  	v5 =	vadd.f32 v10, v5;
	v7 =	vld [tilespmem:s5+$0x10]  }
0x118: {  	v10 =	vld [tilespmem:s17+$0xFFFFFF10];
	v3 =	vadd.f32 v8, v3  }
0x119: {  	v8 =	vld [tilespmem:s10+$0x10];
	[tilespmem:s2+$0xFFFFFF80] =	vst v5;
	v2 =	vadd.f32 v9, v2  }
0x11a: {  	v5 =	vld [tilespmem:s17+$0xFFFFFF90];
	v3 =	vadd.f32 v11, v3  }
0x11b: {  	v9 =	vld [tilespmem:s1+$0x10];
	[tilespmem:s2+$0x0] =	vst v2;
	v2 =	vadd.f32 v4, v6  }
0x11c: {  	v4 =	vld [tilespmem:s17+$0x10];
	v3 =	vadd.f32 v7, v3  }
0x11d: {  	v6 =	vld [tilespmem:s15+$0x10]  }
0x11e: {  	v7 =	vadd.f32 v8, v10;
	v8 =	vld [tilespmem:s11+$0x10];
	[tilespmem:s2+$0x90] =	vst v3  }
0x11f: {  	v3 =	vld [tilespmem:s17+$0xA0]  }
0x120: {  	v5 =	vadd.f32 v9, v5;
	v9 =	vld [tilespmem:s3+$0x20]  }
0x121: {  	v10 =	vld [tilespmem:s6+$0x10]  }
0x122: {  	v4 =	vadd.f32 v6, v4;
	v6 =	vld [tilespmem:s20+$0x20]  }
0x123: {  	v7 =	vadd.f32 v8, v7;
	v8 =	vld [tilespmem:s7+$0x10]  }
0x124: {  	v11 =	vld [tilespmem:s16+$0x20]  }
0x125: {  	v12 =	vld [tilespmem:s4+$0x10];
	v3 =	vadd.f32 v9, v3  }
0x126: {  	v5 =	vadd.f32 v10, v5;
	v9 =	vld [tilespmem:s5+$0x20]  }
0x127: {  	v10 =	vld [tilespmem:s12+$0x10];
	v3 =	vadd.f32 v6, v3  }
0x128: {  	v4 =	vadd.f32 v8, v4;
	v6 =	vld [tilespmem:s13+$0x10]  }
0x129: {  	v8 =	vld [tilespmem:s19+$0x10];
	v3 =	vadd.f32 v11, v3  }
0x12a: {  	v7 =	vadd.f32 v12, v7;
	v11 =	vld [tilespmem:s22+$0x10]  }
0x12b: {  	v12 =	vld [tilespmem:s18+$0x10];
	v3 =	vadd.f32 v9, v3  }
0x12c: {  	v5 =	vadd.f32 v10, v5;
	v9 =	vld [tilespmem:s14+$0x30];
	s14 =	smov.u32 s6  }
0x12d: {  	v4 =	vadd.f32 v6, v4;
	[tilespmem:s2+$0xA0] =	vst v3;
	v3 =	vld [tilespmem:s8+$0x30];
	s8 =	smov.u32 s7  }
0x12e: {  	v6 =	vadd.f32 v8, v7;
	v7 =	vld [tilespmem:s17+$0xB0]  }
0x12f: {  	v5 =	vadd.f32 v11, v5;
	v8 =	vld [tilespmem:s3+$0x30]  }
0x130: {  	[tilespmem:s2+$0xFFFFFF10] =	vst v6;
	v4 =	vadd.f32 v12, v4;
	v6 =	vld [tilespmem:s9+$0x30];
	s9 =	smov.u32 s4  }
0x131: {  	[tilespmem:s2+$0xFFFFFF90] =	vst v5;
	v5 =	vld [tilespmem:s20+$0x30];
	v0 =	vadd.f32 v9, v0  }
0x132: {  	v9 =	vld [tilespmem:s17+$0xFFFFFF20];
	[tilespmem:s2+$0x10] =	vst v4;
	v1 =	vadd.f32 v3, v1  }
0x133: {  	v4 =	vld [tilespmem:s16+$0x30]  }
0x134: {  	v10 =	vld [tilespmem:s10+$0x20];
	v3 =	vadd.f32 v8, v7  }
0x135: {  	v7 =	vld [tilespmem:s5+$0x30];
	v2 =	vadd.f32 v6, v2  }
0x136: {  	v8 =	vld [tilespmem:s17+$0xFFFFFFA0];
	v5 =	vadd.f32 v5, v3  }
0x137: {  	v11 =	vld [tilespmem:s1+$0x20]  }
0x138: {  	v3 =	vld [tilespmem:s17+$0x20];
	v5 =	vadd.f32 v4, v5  }
.Ltmp5:
0x139: {  	v9 =	vadd.f32 v10, v9;
	v4 =	vld [tilespmem:s15+$0x20];
	(pc) =	sbr.rel @p1 .LBB2_4-.Ltmp5, $4  }
0x13a: {  	v6 =	vld [tilespmem:s11+$0x20];
	v12 =	vadd.f32 v7, v5  }
0x13b: {  	v7 =	vld [tilespmem:s14+$0x20]  }
0x13c: {  	v10 =	vadd.f32 v11, v8;
	v5 =	vld [tilespmem:s8+$0x20];
	[tilespmem:s2+$0xB0] =	vst v12  }
0x13d: {  	s17 =	sadd.s32 $0x200, s17;
	v8 =	vld [tilespmem:s9+$0x20]  }
0x13e: {  	v11 =	vld [tilespmem:s30+$0x30]  }
0x13f: {  	v12 =	vld [tilespmem:s12+$0x20]  }
0x140: {  	v13 =	vld [tilespmem:s19+$0x20]  }
0x141: {  	v43 =	vld [tilespmem:s22+$0x20];
	v6 =	vadd.f32 v6, v9  }
0x142: {  	v44 =	vld [tilespmem:s13+$0x20]  }
0x143: {  	v14 =	vld [tilespmem:s28+$0x30];
	v45 =	vadd.f32 v8, v6  }
0x144: {  	v46 =	vld [tilespmem:s18+$0x20]  }
0x145: {  	v3 =	vadd.f32 v4, v3;
	v47 =	vld [tilespmem:s26+$0x30];
	v4 =	vadd.f32 v13, v45  }
0x146: {  	v48 =	vld [tilespmem:s29+$0x30];
	v7 =	vadd.f32 v7, v10  }
0x147: {  	v49 =	vld [tilespmem:s31+$0x30];
	[tilespmem:s2+$0xFFFFFF20] =	vst v4  }
0x148: {  	v3 =	vadd.f32 v5, v3;
	v7 =	vadd.f32 v12, v7;
	v4 =	vld [tilespmem:s10+$0x30]  }
0x149: {  	v50 =	vld [tilespmem:s0+$0xFFFFFF30]  }
0x14a: {  	v3 =	vadd.f32 v44, v3;
	v7 =	vadd.f32 v43, v7;
	v54 =	vld [tilespmem:s11+$0x30]  }
0x14b: {  	v17 =	vld [tilespmem:s9+$0x30]  }
0x14c: {  	v3 =	vadd.f32 v46, v3;
	[tilespmem:s2+$0xFFFFFFA0] =	vst v7;
	v56 =	vld [tilespmem:s19+$0x30]  }
0x14d: {  	v7 =	vld [tilespmem:s1+$0x30]  }
0x14e: {  	[tilespmem:s2+$0x20] =	vst v3;
	v51 =	vld [tilespmem:s0+$0xFFFFFFB0]  }
0x14f: {  	v52 =	vld [tilespmem:s0+$0x30]  }
0x150: {  	v53 =	vld [tilespmem:s15+$0x30]  }
0x151: {  	v15 =	vld [tilespmem:s14+$0x30]  }
0x152: {  	v0 =	vadd.f32 v11, v0;
	v16 =	vld [tilespmem:s8+$0x30]  }
0x153: {  	v1 =	vadd.f32 v14, v1;
	v18 =	vld [tilespmem:s12+$0x30];
	v4 =	vadd.f32 v4, v50  }
0x154: {  	v2 =	vadd.f32 v47, v2;
	v55 =	vld [tilespmem:s13+$0x30];
	v3 =	vadd.f32 v7, v51  }
0x155: {  	v57 =	vld [tilespmem:s22+$0x30];
	v58 =	vadd.f32 v53, v52;
	v4 =	vadd.f32 v54, v4  }
0x156: {  	v0 =	vadd.f32 v48, v0;
	v59 =	vld [tilespmem:s18+$0x30];
	v3 =	vadd.f32 v15, v3  }
0x157: {  	v8 =	vadd.f32 v16, v58;
	v4 =	vadd.f32 v17, v4  }
0x158: {  	[tilespmem:s25+$0xFFFFFF30] =	vst v2;
	v1 =	vadd.f32 v49, v1;
	v60 =	vadd.f32 v18, v3  }
0x159: {  	[tilespmem:s25+$0xFFFFFFB0] =	vst v0;
	v61 =	vadd.f32 v55, v8;
	v62 =	vadd.f32 v56, v4  }
0x15a: {  	[tilespmem:s25+$0x30] =	vst v1;
	v63 =	vadd.f32 v57, v60  }
0x15b: {  	s28 =	smul.u32 $0x60, s23;
	v0 =	vadd.f32 v59, v61;
	[tilespmem:s2+$0xFFFFFF30] =	vst v62  }
0x15c: {  	s29 =	simm.s32 $0x0;
	s3 =	rddreg [dreg:$0x5];
	[tilespmem:s2+$0xFFFFFFB0] =	vst v63  }
0x15d: {  	s1 =	sadd.s32 $0x2, s23;
	s0 =	sadd.s32 s3, s28;
	s4 =	rddreg [dreg:$0x6];
	[tilespmem:s2+$0x30] =	vst v0  }
0x15e: {  	s0 =	sshll.u32 s0, $0x4;
	p1 =	sge.u32 s1, s4;
	s2 =	rddreg [dreg:$0x4]  }
0x15f: {  	s30 =	simm.s32 $0x18D00;
	s0 =	sadd.s32 s2, s0;
	s1 =	smul.u32 @!p1 $0x60, s1  }
0x160: {  	[hbm4b:s0+s29] =	stream.linear.scatter [tilespmem:s30], [sflag:$0x3], $0x3000, $0x38;
	[tilespmem:$0x1ED00] =	vst v63  }
0x161: {  	s31 =	rddreg [dreg:$0xd];
	s0 =	sadd.s32 @!p1 s3, s1  }
0x162: {  	s1 =	rddreg [dreg:$0x3];
	s0 =	sshll.u32 @!p1 s0, $0x4  }
0x163: {  	s2 =	simm.s32 @!p1 $0x12D00;
	s0 =	sadd.s32 @!p1 s1, s0;
	s1 =	simm.s32 @!p1 $0x0  }
0x164: {  	[tilespmem:s2], [sflag:$0x1] =	stream.linear.gather @!p1 [hbm4b:s0+s1], $0x3000, $0x38;
	[tilespmem:$0x1ED00] =	vst v63  }
0x165: {  	p1 =	seq.s32 s31, $0x0  }
.Ltmp6:
0x166: {  	_ = 	snop;
	(pc) =	sbr.rel @p1 .LBB2_9-.Ltmp6, $1  }
0x167: {  	_ =	sdelay $0x3  }
.LBB2_6:
0x168: {  	s0 =	simm.s32 $0x2  }
0x169: {  	_ =	swait.ge [sflag:s0], $0x3000  }
0x16a: {  	p1 =	slt.u32 s23, $0x2;
	[sflag:s0] =	ssyncset.done $0x0  }
0x16b: {  	[sflag:s0] =	ssyncadd.s32 $0xFFFFD000;
	s0 =	simm.s32 @!p1 $0x4  }
0x16c: {  	_ =	swait.ge @!p1 [sflag:s0], $0x3000  }
0x16d: {  	[sflag:s0] =	ssyncset.done @!p1 $0x0  }
0x16e: {  	s8 =	simm.s32 $0x15E00;
	[sflag:s0] =	ssyncadd.s32 @!p1 $0xFFFFD000  }
0x16f: {  	v0 =	vld [tilespmem:s8+$0xC0]  }
0x170: {  	v1 =	vld [tilespmem:s8+$0xFFFFFFC0];
	_ =	sdelay $0x1  }
0x171: {  	v2 =	vld [tilespmem:s8+$0xFFFFFF40];
	_ =	sdelay $0x1  }
0x172: {  	v3 =	vld [tilespmem:s8+$0x40];
	v0 =	vtrunc.f32 v0  }
0x173: {  	v1 =	vtrunc.f32 v1;
	v0 =	vcvt.f32.s32 v0  }
0x174: {  	v1 =	vcvt.f32.s32 v1  }
0x175: {  	v2 =	vtrunc.f32 v2;
	(v2sf) =	vpush v0, $0x0  }
0x176: {  	v2 =	vcvt.f32.s32 v2;
	(v2sf) =	vpush v1, $0x0  }
0x177: {  	v3 =	vtrunc.f32 v3;
	(v2sf) =	vpush v0, $0x1  }
0x178: {  	v3 =	vcvt.f32.s32 v3;
	(v2sf) =	vpush v2, $0x0  }
0x179: {  	(v2sf) =	vpush v0, $0x2  }
0x17a: {  	(v2sf) =	vpush v3, $0x0  }
0x17b: {  	(v2sf) =	vpush v0, $0x3  }
0x17c: {  	(v2sf) =	vpush v2, $0x1  }
0x17d: {  	v4 =	vld [tilespmem:s8+$0xFFFFFF80];
	(v2sf) =	vpush v1, $0x1  }
0x17e: {  	s0 =	simm.s32 $0x16000;
	v5 =	vld [tilespmem:s8+$0x80];
	(v2sf) =	vpush v3, $0x1  }
0x17f: {  	v15 =	vld [tilespmem:s0+$0xFFFFFFC0];
	(v2sf) =	vpush v2, $0x2  }
0x180: {  	v17 =	vld [tilespmem:s0+$0x80];
	(v2sf) =	vpush v1, $0x2  }
0x181: {  	v21 =	vld [tilespmem:s0+$0xFFFFFF00];
	(v2sf) =	vpush v3, $0x2  }
0x182: {  	v62 =	vld [tilespmem:s0+$0xFFFFFF80];
	(v2sf) =	vpush v2, $0x3  }
0x183: {  	v63 =	vld [tilespmem:s0+$0x0]  }
0x184: {  	v0 =	vld [tilespmem:s8+$0xFFFFFF00];
	s3 =	spop (v2sf)  }
0x185: {  	(v2sf) =	vpush v1, $0x3;
	v1 =	vld [tilespmem:s3+$0x0];
	s9 =	spop (v2sf)  }
0x186: {  	v2 =	vld [tilespmem:s8+$0x0];
	s4 =	spop (v2sf)  }
0x187: {  	(v2sf) =	vpush v3, $0x3;
	v3 =	vld [tilespmem:s4+$0x0];
	s12 =	spop (v2sf)  }
0x188: {  	v6 =	vld [tilespmem:s9+$0x0];
	s2 =	spop (v2sf)  }
0x189: {  	v8 =	vld [tilespmem:s2+$0x0];
	s11 =	spop (v2sf)  }
0x18a: {  	v7 =	vld [tilespmem:s12+$0x0];
	v1 =	vadd.f32 v1, v5;
	s1 =	spop (v2sf)  }
0x18b: {  	v5 =	vld [tilespmem:s1+$0x0];
	s22 =	spop (v2sf)  }
0x18c: {  	v9 =	vld [tilespmem:s11+$0x0];
	v1 =	vadd.f32 v3, v1;
	s18 =	spop (v2sf)  }
0x18d: {  	v10 =	vld [tilespmem:s22+$0x0];
	s21 =	spop (v2sf)  }
0x18e: {  	v3 =	vld [tilespmem:s18+$0x0];
	v1 =	vadd.f32 v8, v1;
	s17 =	spop (v2sf)  }
0x18f: {  	v11 =	vld [tilespmem:s21+$0x0];
	s29 =	spop (v2sf)  }
0x190: {  	v8 =	vld [tilespmem:s17+$0x0];
	v1 =	vadd.f32 v5, v1;
	s26 =	spop (v2sf)  }
0x191: {  	s24 =	simm.s32 $0x1BE00;
	v12 =	vld [tilespmem:s29+$0x0];
	s25 =	spop (v2sf)  }
0x192: {  	v0 =	vadd.f32 v7, v0;
	v7 =	vld [tilespmem:s25+$0x0];
	[tilespmem:s24+$0x80] =	vst v1  }
0x193: {  	v1 =	vld [tilespmem:s8+$0x90]  }
0x194: {  	v4 =	vadd.f32 v6, v4;
	v0 =	vadd.f32 v10, v0;
	s28 =	spop (v2sf);
	v6 =	vld [tilespmem:s3+$0x10]  }
0x195: {  	v2 =	vadd.f32 v9, v2;
	v9 =	vld [tilespmem:s28+$0x0]  }
0x196: {  	v5 =	vld [tilespmem:s26+$0x0];
	v3 =	vadd.f32 v3, v4;
	v0 =	vadd.f32 v8, v0  }
0x197: {  	v4 =	vld [tilespmem:s4+$0x10];
	s30 =	spop (v2sf)  }
0x198: {  	v3 =	vadd.f32 v12, v3;
	v8 =	vld [tilespmem:s30+$0x0];
	v0 =	vadd.f32 v7, v0  }
0x199: {  	v2 =	vadd.f32 v11, v2;
	v7 =	vld [tilespmem:s2+$0x10]  }
0x19a: {  	v1 =	vadd.f32 v6, v1;
	[tilespmem:s24+$0xFFFFFF00] =	vst v0;
	v0 =	vadd.f32 v9, v3;
	v3 =	vld [tilespmem:s1+$0x10]  }
0x19b: {  	v2 =	vadd.f32 v5, v2;
	v5 =	vld [tilespmem:s8+$0xFFFFFF10]  }
0x19c: {  	v1 =	vadd.f32 v4, v1;
	v4 =	vld [tilespmem:s12+$0x10]  }
0x19d: {  	v13 =	vld [tilespmem:s17+$0x10];
	[tilespmem:s24+$0xFFFFFF80] =	vst v0  }
0x19e: {  	v0 =	vadd.f32 v8, v2;
	v2 =	vld [tilespmem:s8+$0xFFFFFF90]  }
0x19f: {  	v6 =	vld [tilespmem:s9+$0x10]  }
0x1a0: {  	v1 =	vadd.f32 v7, v1;
	v7 =	vld [tilespmem:s22+$0x10]  }
0x1a1: {  	v9 =	vld [tilespmem:s18+$0x10]  }
0x1a2: {  	v16 =	vld [tilespmem:s29+$0x10];
	[tilespmem:s24+$0x0] =	vst v0;
	v1 =	vadd.f32 v3, v1  }
0x1a3: {  	v0 =	vld [tilespmem:s8+$0x10]  }
0x1a4: {  	v3 =	vld [tilespmem:s11+$0x10];
	[tilespmem:s24+$0x90] =	vst v1  }
0x1a5: {  	v1 =	vld [tilespmem:s8+$0xA0]  }
0x1a6: {  	v4 =	vadd.f32 v4, v5;
	v8 =	vld [tilespmem:s3+$0x20]  }
0x1a7: {  	v11 =	vld [tilespmem:s21+$0x10]  }
0x1a8: {  	v10 =	vld [tilespmem:s4+$0x20];
	v4 =	vadd.f32 v7, v4  }
0x1a9: {  	v55 =	vld [tilespmem:s2+$0x20];
	v2 =	vadd.f32 v6, v2  }
0x1aa: {  	v3 =	vadd.f32 v3, v0;
	v0 =	vadd.f32 v13, v4;
	v4 =	vld [tilespmem:s28+$0x10]  }
0x1ab: {  	v2 =	vadd.f32 v9, v2;
	v1 =	vadd.f32 v8, v1;
	v8 =	vld [tilespmem:s0+$0xC0]  }
0x1ac: {  	v14 =	vld [tilespmem:s1+$0x20];
	v3 =	vadd.f32 v11, v3  }
0x1ad: {  	v5 =	vld [tilespmem:s0+$0xFFFFFF40];
	v11 =	vadd.f32 v16, v2;
	v1 =	vadd.f32 v10, v1  }
0x1ae: {  	v6 =	vld [tilespmem:s0+$0x40]  }
0x1af: {  	v10 =	vld [tilespmem:s25+$0x10];
	v4 =	vadd.f32 v4, v11;
	v1 =	vadd.f32 v55, v1  }
0x1b0: {  	v9 =	vld [tilespmem:s30+$0x10];
	v7 =	vtrunc.f32 v8  }
0x1b1: {  	v56 =	vtrunc.f32 v15;
	[tilespmem:s24+$0xFFFFFF90] =	vst v4;
	v8 =	vld [tilespmem:s26+$0x10];
	v1 =	vadd.f32 v14, v1;
	v7 =	vcvt.f32.s32 v7  }
0x1b2: {  	v12 =	vcvt.f32.s32 v56;
	v59 =	vld [tilespmem:s18+$0x20]  }
0x1b3: {  	v25 =	vld [tilespmem:s28+$0x20];
	[tilespmem:s24+$0xA0] =	vst v1;
	v1 =	vtrunc.f32 v5;
	(v2sf) =	vpush v7, $0x0  }
0x1b4: {  	v5 =	vadd.f32 v10, v0;
	v0 =	vld [tilespmem:s8+$0xB0];
	v10 =	vcvt.f32.s32 v1;
	(v2sf) =	vpush v12, $0x0  }
0x1b5: {  	v6 =	vtrunc.f32 v6;
	v1 =	vld [tilespmem:s3+$0x30];
	(v2sf) =	vpush v7, $0x1  }
0x1b6: {  	v2 =	vld [tilespmem:s4+$0x30];
	[tilespmem:s24+$0xFFFFFF10] =	vst v5;
	v5 =	vcvt.f32.s32 v6;
	(v2sf) =	vpush v10, $0x0  }
0x1b7: {  	v4 =	vld [tilespmem:s1+$0x30];
	(v2sf) =	vpush v7, $0x2  }
0x1b8: {  	v6 =	vadd.f32 v8, v3;
	v3 =	vld [tilespmem:s2+$0x30];
	(v2sf) =	vpush v5, $0x0  }
0x1b9: {  	v8 =	vld [tilespmem:s8+$0xFFFFFF20];
	(v2sf) =	vpush v7, $0x3  }
0x1ba: {  	v11 =	vld [tilespmem:s12+$0x20]  }
0x1bb: {  	v58 =	vld [tilespmem:s22+$0x20]  }
0x1bc: {  	v19 =	vld [tilespmem:s17+$0x20]  }
0x1bd: {  	v22 =	vld [tilespmem:s25+$0x20];
	v6 =	vadd.f32 v9, v6  }
0x1be: {  	v7 =	vld [tilespmem:s8+$0xFFFFFFA0]  }
0x1bf: {  	[tilespmem:s24+$0x10] =	vst v6;
	v6 =	vld [tilespmem:s9+$0x20]  }
0x1c0: {  	v9 =	vld [tilespmem:s8+$0x20]  }
0x1c1: {  	v57 =	vld [tilespmem:s11+$0x20];
	v8 =	vadd.f32 v11, v8  }
0x1c2: {  	v60 =	vld [tilespmem:s21+$0x20];
	s20 =	spop (v2sf)  }
0x1c3: {  	v8 =	vadd.f32 v58, v8;
	v18 =	vld [tilespmem:s20+$0x0];
	s1 =	spop (v2sf)  }
0x1c4: {  	v26 =	vld [tilespmem:s26+$0x20];
	s16 =	spop (v2sf)  }
0x1c5: {  	v6 =	vadd.f32 v6, v7;
	v7 =	vadd.f32 v19, v8;
	v20 =	vld [tilespmem:s16+$0x0];
	s10 =	spop (v2sf)  }
0x1c6: {  	(v2sf) =	vpush v10, $0x1;
	v8 =	vld [tilespmem:s29+$0x20];
	s31 =	spop (v2sf)  }
0x1c7: {  	(v2sf) =	vpush v12, $0x1;
	v7 =	vadd.f32 v22, v7;
	v11 =	vld [tilespmem:s31+$0x0];
	s15 =	spop (v2sf)  }
0x1c8: {  	v27 =	vld [tilespmem:s30+$0x20];
	v9 =	vadd.f32 v57, v9;
	v17 =	vadd.f32 v18, v17;
	s5 =	spop (v2sf)  }
0x1c9: {  	v6 =	vadd.f32 v59, v6;
	(v2sf) =	vpush v5, $0x1;
	[tilespmem:s24+$0xFFFFFF20] =	vst v7;
	v61 =	vld [tilespmem:s5+$0x0]  }
0x1ca: {  	(v2sf) =	vpush v10, $0x2;
	v7 =	vld [tilespmem:s8+$0xFFFFFF30];
	v17 =	vadd.f32 v20, v17  }
0x1cb: {  	v6 =	vadd.f32 v8, v6;
	v28 =	vld [tilespmem:s12+$0x30];
	(v2sf) =	vpush v12, $0x2  }
0x1cc: {  	v40 =	vld [tilespmem:s22+$0x30];
	(v2sf) =	vpush v5, $0x2;
	v11 =	vadd.f32 v11, v17  }
0x1cd: {  	v45 =	vld [tilespmem:s17+$0x30];
	v6 =	vadd.f32 v25, v6;
	(v2sf) =	vpush v10, $0x3  }
0x1ce: {  	v32 =	vld [tilespmem:s10+$0x0];
	(v2sf) =	vpush v12, $0x3;
	v11 =	vadd.f32 v61, v11  }
0x1cf: {  	s2 =	simm.s32 $0x1C000;
	[tilespmem:s24+$0xFFFFFFA0] =	vst v6;
	(v2sf) =	vpush v5, $0x3;
	v5 =	vld [tilespmem:s15+$0x0]  }
0x1d0: {  	v8 =	vadd.f32 v60, v9;
	v29 =	vld [tilespmem:s8+$0xFFFFFFB0];
	[tilespmem:s2+$0x80] =	vst v11  }
0x1d1: {  	v9 =	vld [tilespmem:s0+$0x90]  }
0x1d2: {  	v8 =	vadd.f32 v26, v8;
	v11 =	vld [tilespmem:s20+$0x10]  }
0x1d3: {  	v31 =	vld [tilespmem:s9+$0x30]  }
0x1d4: {  	v8 =	vadd.f32 v27, v8;
	v6 =	vld [tilespmem:s16+$0x10]  }
0x1d5: {  	v42 =	vld [tilespmem:s18+$0x30]  }
0x1d6: {  	[tilespmem:s24+$0x20] =	vst v8;
	v30 =	vld [tilespmem:s31+$0x10]  }
0x1d7: {  	v10 =	vld [tilespmem:s8+$0x30];
	v9 =	vadd.f32 v11, v9  }
0x1d8: {  	v8 =	vld [tilespmem:s5+$0x10]  }
0x1d9: {  	v6 =	vadd.f32 v6, v9;
	v9 =	vld [tilespmem:s11+$0x30];
	s11 =	spop (v2sf)  }
0x1da: {  	v11 =	vld [tilespmem:s1+$0x0];
	s14 =	spop (v2sf)  }
0x1db: {  	v6 =	vadd.f32 v30, v6;
	v33 =	vld [tilespmem:s14+$0x0];
	s8 =	spop (v2sf)  }
0x1dc: {  	v35 =	vld [tilespmem:s8+$0x0]  }
0x1dd: {  	s9 =	spop (v2sf);
	v6 =	vadd.f32 v8, v6;
	v8 =	vld [tilespmem:s11+$0x0]  }
0x1de: {  	v23 =	vld [tilespmem:s9+$0x0];
	s12 =	spop (v2sf)  }
0x1df: {  	v25 =	vld [tilespmem:s12+$0x0];
	s13 =	spop (v2sf)  }
0x1e0: {  	v12 =	vadd.f32 v32, v21;
	v38 =	vld [tilespmem:s13+$0x0];
	s19 =	spop (v2sf)  }
0x1e1: {  	[tilespmem:s2+$0x90] =	vst v6;
	v39 =	vld [tilespmem:s19+$0x0]  }
0x1e2: {  	v6 =	vld [tilespmem:s0+$0xA0];
	v8 =	vadd.f32 v8, v12  }
0x1e3: {  	v11 =	vadd.f32 v11, v62;
	v34 =	vld [tilespmem:s20+$0x20];
	s22 =	spop (v2sf)  }
0x1e4: {  	v41 =	vld [tilespmem:s22+$0x0];
	v8 =	vadd.f32 v23, v8  }
0x1e5: {  	v5 =	vadd.f32 v5, v63;
	v36 =	vld [tilespmem:s16+$0x20];
	v11 =	vadd.f32 v33, v11;
	s18 =	spop (v2sf)  }
0x1e6: {  	v43 =	vld [tilespmem:s18+$0x0];
	v8 =	vadd.f32 v39, v8  }
0x1e7: {  	v24 =	vld [tilespmem:s31+$0x20];
	v5 =	vadd.f32 v35, v5;
	v11 =	vadd.f32 v25, v11  }
0x1e8: {  	v37 =	vld [tilespmem:s5+$0x20];
	[tilespmem:s2+$0xFFFFFF00] =	vst v8  }
0x1e9: {  	v5 =	vadd.f32 v38, v5;
	v8 =	vadd.f32 v41, v11;
	v11 =	vld [tilespmem:s0+$0xFFFFFF10]  }
0x1ea: {  	v46 =	vld [tilespmem:s10+$0x10]  }
0x1eb: {  	v5 =	vadd.f32 v43, v5;
	v48 =	vld [tilespmem:s11+$0x10]  }
0x1ec: {  	v50 =	vld [tilespmem:s9+$0x10]  }
0x1ed: {  	[tilespmem:s2+$0x0] =	vst v5;
	v52 =	vld [tilespmem:s19+$0x10]  }
0x1ee: {  	v5 =	vld [tilespmem:s0+$0x10]  }
0x1ef: {  	v6 =	vadd.f32 v34, v6;
	[tilespmem:s2+$0xFFFFFF80] =	vst v8;
	v49 =	vld [tilespmem:s15+$0x10]  }
0x1f0: {  	v8 =	vld [tilespmem:s0+$0xFFFFFF90]  }
0x1f1: {  	v6 =	vadd.f32 v36, v6;
	v47 =	vld [tilespmem:s1+$0x10]  }
0x1f2: {  	v53 =	vld [tilespmem:s8+$0x10]  }
0x1f3: {  	v6 =	vadd.f32 v24, v6;
	v51 =	vld [tilespmem:s14+$0x10]  }
0x1f4: {  	v55 =	vld [tilespmem:s13+$0x10];
	v11 =	vadd.f32 v46, v11  }
0x1f5: {  	v6 =	vadd.f32 v37, v6;
	v54 =	vld [tilespmem:s12+$0x10];
	v5 =	vadd.f32 v49, v5  }
0x1f6: {  	v57 =	vld [tilespmem:s18+$0x10];
	v11 =	vadd.f32 v48, v11;
	v8 =	vadd.f32 v47, v8  }
0x1f7: {  	v56 =	vld [tilespmem:s22+$0x10];
	v5 =	vadd.f32 v53, v5  }
0x1f8: {  	v44 =	vld [tilespmem:s21+$0x30];
	[tilespmem:s2+$0xA0] =	vst v6;
	v11 =	vadd.f32 v50, v11;
	v8 =	vadd.f32 v51, v8  }
0x1f9: {  	v0 =	vadd.f32 v1, v0;
	v6 =	vld [tilespmem:s20+$0x30];
	v1 =	vadd.f32 v55, v5  }
0x1fa: {  	v58 =	vld [tilespmem:s0+$0xB0];
	v11 =	vadd.f32 v52, v11;
	v8 =	vadd.f32 v54, v8  }
0x1fb: {  	v59 =	vld [tilespmem:s16+$0x30]  }
0x1fc: {  	v1 =	vadd.f32 v57, v1;
	[tilespmem:s2+$0xFFFFFF10] =	vst v11;
	v5 =	vadd.f32 v56, v8;
	v8 =	vld [tilespmem:s31+$0x30]  }
0x1fd: {  	v11 =	vld [tilespmem:s0+$0xFFFFFF20]  }
0x1fe: {  	v0 =	vadd.f32 v2, v0;
	v60 =	vld [tilespmem:s10+$0x20];
	[tilespmem:s2+$0x10] =	vst v1  }
0x1ff: {  	v2 =	vadd.f32 v6, v58;
	[tilespmem:s2+$0xFFFFFF90] =	vst v5;
	v5 =	vld [tilespmem:s5+$0x30]  }
0x200: {  	v0 =	vadd.f32 v3, v0;
	v3 =	vld [tilespmem:s0+$0x20]  }
0x201: {  	v1 =	vadd.f32 v59, v2;
	v61 =	vld [tilespmem:s0+$0xFFFFFFA0]  }
0x202: {  	v2 =	vadd.f32 v4, v0;
	v0 =	vadd.f32 v28, v7;
	v62 =	vld [tilespmem:s1+$0x20]  }
0x203: {  	v7 =	vadd.f32 v31, v29;
	v4 =	vld [tilespmem:s15+$0x20];
	v1 =	vadd.f32 v8, v1  }
0x204: {  	v6 =	vld [tilespmem:s11+$0x20];
	v8 =	vadd.f32 v9, v10;
	v9 =	vadd.f32 v40, v0  }
0x205: {  	v0 =	vadd.f32 v42, v7;
	v7 =	vld [tilespmem:s14+$0x20];
	v63 =	vadd.f32 v5, v1  }
0x206: {  	[tilespmem:s24+$0xB0] =	vst v2;
	v1 =	vadd.f32 v44, v8;
	v2 =	vadd.f32 v45, v9;
	v5 =	vld [tilespmem:s8+$0x20]  }
0x207: {  	s17 =	simm.s32 $0x16200;
	s21 =	simm.s32 $0x4;
	v9 =	vadd.f32 v60, v11;
	v8 =	vld [tilespmem:s9+$0x20];
	v10 =	vadd.f32 v62, v61;
	[tilespmem:s2+$0xB0] =	vst v63  }
.LBB2_7:
0x208: {  	v11 =	vld [tilespmem:s17+$0xC0];
	v3 =	vadd.f32 v4, v3  }
0x209: {  	v4 =	vld [tilespmem:s17+$0xFFFFFFC0];
	v6 =	vadd.f32 v6, v9  }
0x20a: {  	v9 =	vld [tilespmem:s17+$0x40];
	v7 =	vadd.f32 v7, v10  }
0x20b: {  	s21 =	sadd.s32 $0x4, s21;
	v10 =	vld [tilespmem:s17+$0xFFFFFF40];
	v3 =	vadd.f32 v5, v3  }
0x20c: {  	p1 =	slt.u32 s21, $0x5C;
	v5 =	vld [tilespmem:s17+$0xFFFFFF00];
	v6 =	vadd.f32 v8, v6  }
0x20d: {  	v8 =	vld [tilespmem:s17+$0xFFFFFF80];
	v11 =	vtrunc.f32 v11  }
0x20e: {  	v4 =	vtrunc.f32 v4;
	v12 =	vld [tilespmem:s17+$0x0];
	v11 =	vcvt.f32.s32 v11  }
0x20f: {  	v4 =	vcvt.f32.s32 v4;
	v9 =	vtrunc.f32 v9;
	v13 =	vld [tilespmem:s12+$0x20]  }
0x210: {  	v10 =	vtrunc.f32 v10;
	v9 =	vcvt.f32.s32 v9;
	(v2sf) =	vpush v11, $0x0;
	v14 =	vld [tilespmem:s13+$0x20]  }
0x211: {  	v10 =	vcvt.f32.s32 v10;
	(v2sf) =	vpush v4, $0x0;
	v15 =	vld [tilespmem:s19+$0x20]  }
0x212: {  	(v2sf) =	vpush v11, $0x1;
	v16 =	vld [tilespmem:s22+$0x20]  }
0x213: {  	(v2sf) =	vpush v10, $0x0;
	v17 =	vld [tilespmem:s18+$0x20]  }
0x214: {  	(v2sf) =	vpush v11, $0x2;
	v7 =	vadd.f32 v13, v7;
	v13 =	vld [tilespmem:s29+$0x30];
	s29 =	smov.u32 s12  }
0x215: {  	(v2sf) =	vpush v9, $0x0;
	v3 =	vadd.f32 v14, v3;
	v14 =	vld [tilespmem:s26+$0x30];
	s26 =	smov.u32 s13  }
0x216: {  	(v2sf) =	vpush v11, $0x3;
	v6 =	vadd.f32 v15, v6;
	v11 =	vld [tilespmem:s25+$0x30];
	s25 =	smov.u32 s19  }
0x217: {  	(v2sf) =	vpush v10, $0x1;
	v7 =	vadd.f32 v16, v7;
	v15 =	vld [tilespmem:s28+$0x30];
	s28 =	smov.u32 s22  }
0x218: {  	(v2sf) =	vpush v4, $0x1;
	[tilespmem:s2+$0xFFFFFF20] =	vst v6;
	v3 =	vadd.f32 v17, v3;
	v6 =	vld [tilespmem:s30+$0x30];
	s30 =	smov.u32 s18  }
0x219: {  	(v2sf) =	vpush v9, $0x1;
	v16 =	vld [tilespmem:s0+$0xFFFFFF30];
	[tilespmem:s2+$0xFFFFFFA0] =	vst v7;
	v0 =	vadd.f32 v13, v0  }
0x21a: {  	(v2sf) =	vpush v10, $0x2;
	v7 =	vld [tilespmem:s10+$0x30];
	[tilespmem:s2+$0x20] =	vst v3;
	v1 =	vadd.f32 v14, v1  }
0x21b: {  	(v2sf) =	vpush v4, $0x2;
	v3 =	vld [tilespmem:s0+$0xFFFFFFB0];
	v2 =	vadd.f32 v11, v2  }
0x21c: {  	(v2sf) =	vpush v9, $0x2;
	v11 =	vld [tilespmem:s1+$0x30];
	v0 =	vadd.f32 v15, v0  }
0x21d: {  	(v2sf) =	vpush v10, $0x3;
	v10 =	vld [tilespmem:s0+$0x30];
	[tilespmem:s24+$0xFFFFFF30] =	vst v2;
	v1 =	vadd.f32 v6, v1;
	s0 =	smov.u32 s17  }
0x21e: {  	(v2sf) =	vpush v4, $0x3;
	v2 =	vld [tilespmem:s15+$0x30];
	[tilespmem:s24+$0xFFFFFFB0] =	vst v0  }
0x21f: {  	v4 =	vld [tilespmem:s17+$0x80];
	(v2sf) =	vpush v9, $0x3;
	s3 =	spop (v2sf);
	v6 =	vadd.f32 v7, v16;
	[tilespmem:s24+$0x30] =	vst v1;
	s24 =	smov.u32 s2  }
0x220: {  	v7 =	vld [tilespmem:s3+$0x0];
	s1 =	spop (v2sf)  }
0x221: {  	v9 =	vld [tilespmem:s1+$0x0];
	s16 =	spop (v2sf);
	v0 =	vadd.f32 v11, v3  }
0x222: {  	v3 =	vld [tilespmem:s16+$0x0];
	s10 =	spop (v2sf)  }
0x223: {  	v11 =	vld [tilespmem:s10+$0x0];
	s20 =	spop (v2sf);
	v1 =	vadd.f32 v2, v10  }
0x224: {  	v2 =	vld [tilespmem:s20+$0x0];
	s15 =	spop (v2sf)  }
0x225: {  	v10 =	vld [tilespmem:s15+$0x0];
	v4 =	vadd.f32 v7, v4;
	s5 =	spop (v2sf)  }
0x226: {  	v7 =	vadd.f32 v9, v8;
	v8 =	vld [tilespmem:s5+$0x0];
	s31 =	spop (v2sf)  }
0x227: {  	v9 =	vld [tilespmem:s31+$0x0];
	v3 =	vadd.f32 v3, v4;
	s6 =	spop (v2sf)  }
0x228: {  	v4 =	vadd.f32 v11, v5;
	v5 =	vld [tilespmem:s6+$0x0];
	s7 =	spop (v2sf)  }
0x229: {  	v11 =	vld [tilespmem:s7+$0x0];
	v2 =	vadd.f32 v2, v3;
	s4 =	spop (v2sf)  }
0x22a: {  	v3 =	vld [tilespmem:s4+$0x0];
	v10 =	vadd.f32 v10, v12;
	s12 =	spop (v2sf)  }
0x22b: {  	v12 =	vld [tilespmem:s12+$0x0];
	v2 =	vadd.f32 v8, v2;
	s13 =	spop (v2sf)  }
0x22c: {  	s2 =	sadd.s32 $0x200, s2;
	v4 =	vadd.f32 v9, v4;
	v8 =	vld [tilespmem:s13+$0x0];
	s19 =	spop (v2sf)  }
0x22d: {  	v9 =	vld [tilespmem:s19+$0x0];
	v5 =	vadd.f32 v5, v7;
	[tilespmem:s2+$0x80] =	vst v2;
	s22 =	spop (v2sf)  }
0x22e: {  	v2 =	vadd.f32 v11, v10;
	v7 =	vld [tilespmem:s17+$0x90];
	s18 =	spop (v2sf)  }
0x22f: {  	v3 =	vadd.f32 v3, v4;
	v4 =	vld [tilespmem:s3+$0x10]  }
0x230: {  	v5 =	vadd.f32 v12, v5;
	v10 =	vld [tilespmem:s22+$0x0]  }
0x231: {  	v2 =	vadd.f32 v8, v2;
	v8 =	vld [tilespmem:s16+$0x10]  }
0x232: {  	v3 =	vadd.f32 v9, v3;
	v9 =	vld [tilespmem:s18+$0x0]  }
0x233: {  	v11 =	vld [tilespmem:s20+$0x10]  }
0x234: {  	[tilespmem:s2+$0xFFFFFF00] =	vst v3;
	v3 =	vadd.f32 v4, v7;
	v4 =	vld [tilespmem:s11+$0x30];
	s11 =	smov.u32 s31  }
0x235: {  	v5 =	vadd.f32 v10, v5;
	v7 =	vld [tilespmem:s5+$0x10]  }
0x236: {  	v10 =	vld [tilespmem:s17+$0xFFFFFF10];
	v3 =	vadd.f32 v8, v3  }
0x237: {  	v8 =	vld [tilespmem:s10+$0x10];
	[tilespmem:s2+$0xFFFFFF80] =	vst v5;
	v2 =	vadd.f32 v9, v2  }
0x238: {  	v5 =	vld [tilespmem:s17+$0xFFFFFF90];
	v3 =	vadd.f32 v11, v3  }
0x239: {  	v9 =	vld [tilespmem:s1+$0x10];
	[tilespmem:s2+$0x0] =	vst v2;
	v2 =	vadd.f32 v4, v6  }
0x23a: {  	v4 =	vld [tilespmem:s17+$0x10];
	v3 =	vadd.f32 v7, v3  }
0x23b: {  	v6 =	vld [tilespmem:s15+$0x10]  }
0x23c: {  	v7 =	vadd.f32 v8, v10;
	v8 =	vld [tilespmem:s11+$0x10];
	[tilespmem:s2+$0x90] =	vst v3  }
0x23d: {  	v3 =	vld [tilespmem:s17+$0xA0]  }
0x23e: {  	v5 =	vadd.f32 v9, v5;
	v9 =	vld [tilespmem:s3+$0x20]  }
0x23f: {  	v10 =	vld [tilespmem:s6+$0x10]  }
0x240: {  	v4 =	vadd.f32 v6, v4;
	v6 =	vld [tilespmem:s16+$0x20]  }
0x241: {  	v7 =	vadd.f32 v8, v7;
	v8 =	vld [tilespmem:s7+$0x10]  }
0x242: {  	v11 =	vld [tilespmem:s20+$0x20]  }
0x243: {  	v12 =	vld [tilespmem:s4+$0x10];
	v3 =	vadd.f32 v9, v3  }
0x244: {  	v5 =	vadd.f32 v10, v5;
	v9 =	vld [tilespmem:s5+$0x20]  }
0x245: {  	v10 =	vld [tilespmem:s12+$0x10];
	v3 =	vadd.f32 v6, v3  }
0x246: {  	v4 =	vadd.f32 v8, v4;
	v6 =	vld [tilespmem:s13+$0x10]  }
0x247: {  	v8 =	vld [tilespmem:s19+$0x10];
	v3 =	vadd.f32 v11, v3  }
0x248: {  	v7 =	vadd.f32 v12, v7;
	v11 =	vld [tilespmem:s22+$0x10]  }
0x249: {  	v12 =	vld [tilespmem:s18+$0x10];
	v3 =	vadd.f32 v9, v3  }
0x24a: {  	v5 =	vadd.f32 v10, v5;
	v9 =	vld [tilespmem:s14+$0x30];
	s14 =	smov.u32 s6  }
0x24b: {  	v4 =	vadd.f32 v6, v4;
	[tilespmem:s2+$0xA0] =	vst v3;
	v3 =	vld [tilespmem:s8+$0x30];
	s8 =	smov.u32 s7  }
0x24c: {  	v6 =	vadd.f32 v8, v7;
	v7 =	vld [tilespmem:s17+$0xB0]  }
0x24d: {  	v5 =	vadd.f32 v11, v5;
	v8 =	vld [tilespmem:s3+$0x30]  }
0x24e: {  	[tilespmem:s2+$0xFFFFFF10] =	vst v6;
	v4 =	vadd.f32 v12, v4;
	v6 =	vld [tilespmem:s9+$0x30];
	s9 =	smov.u32 s4  }
0x24f: {  	[tilespmem:s2+$0xFFFFFF90] =	vst v5;
	v5 =	vld [tilespmem:s16+$0x30];
	v0 =	vadd.f32 v9, v0  }
0x250: {  	v9 =	vld [tilespmem:s17+$0xFFFFFF20];
	[tilespmem:s2+$0x10] =	vst v4;
	v1 =	vadd.f32 v3, v1  }
0x251: {  	v4 =	vld [tilespmem:s20+$0x30]  }
0x252: {  	v10 =	vld [tilespmem:s10+$0x20];
	v3 =	vadd.f32 v8, v7  }
0x253: {  	v7 =	vld [tilespmem:s5+$0x30];
	v2 =	vadd.f32 v6, v2  }
0x254: {  	v8 =	vld [tilespmem:s17+$0xFFFFFFA0];
	v5 =	vadd.f32 v5, v3  }
0x255: {  	v11 =	vld [tilespmem:s1+$0x20]  }
0x256: {  	v3 =	vld [tilespmem:s17+$0x20];
	v5 =	vadd.f32 v4, v5  }
.Ltmp7:
0x257: {  	v9 =	vadd.f32 v10, v9;
	v4 =	vld [tilespmem:s15+$0x20];
	(pc) =	sbr.rel @p1 .LBB2_7-.Ltmp7, $4  }
0x258: {  	v6 =	vld [tilespmem:s11+$0x20];
	v12 =	vadd.f32 v7, v5  }
0x259: {  	v7 =	vld [tilespmem:s14+$0x20]  }
0x25a: {  	v10 =	vadd.f32 v11, v8;
	v5 =	vld [tilespmem:s8+$0x20];
	[tilespmem:s2+$0xB0] =	vst v12  }
0x25b: {  	s17 =	sadd.s32 $0x200, s17;
	v8 =	vld [tilespmem:s9+$0x20]  }
0x25c: {  	v11 =	vld [tilespmem:s29+$0x30]  }
0x25d: {  	v12 =	vld [tilespmem:s12+$0x20]  }
0x25e: {  	v13 =	vld [tilespmem:s19+$0x20]  }
0x25f: {  	v43 =	vld [tilespmem:s22+$0x20];
	v6 =	vadd.f32 v6, v9  }
0x260: {  	v44 =	vld [tilespmem:s13+$0x20]  }
0x261: {  	v14 =	vld [tilespmem:s26+$0x30];
	v45 =	vadd.f32 v8, v6  }
0x262: {  	v46 =	vld [tilespmem:s18+$0x20]  }
0x263: {  	v3 =	vadd.f32 v4, v3;
	v47 =	vld [tilespmem:s25+$0x30];
	v4 =	vadd.f32 v13, v45  }
0x264: {  	v48 =	vld [tilespmem:s28+$0x30];
	v7 =	vadd.f32 v7, v10  }
0x265: {  	v49 =	vld [tilespmem:s30+$0x30];
	[tilespmem:s2+$0xFFFFFF20] =	vst v4  }
0x266: {  	v3 =	vadd.f32 v5, v3;
	v7 =	vadd.f32 v12, v7;
	v4 =	vld [tilespmem:s10+$0x30]  }
0x267: {  	v50 =	vld [tilespmem:s0+$0xFFFFFF30]  }
0x268: {  	v3 =	vadd.f32 v44, v3;
	v7 =	vadd.f32 v43, v7;
	v54 =	vld [tilespmem:s11+$0x30]  }
0x269: {  	v17 =	vld [tilespmem:s9+$0x30]  }
0x26a: {  	v3 =	vadd.f32 v46, v3;
	[tilespmem:s2+$0xFFFFFFA0] =	vst v7;
	v56 =	vld [tilespmem:s19+$0x30]  }
0x26b: {  	v7 =	vld [tilespmem:s1+$0x30]  }
0x26c: {  	[tilespmem:s2+$0x20] =	vst v3;
	v51 =	vld [tilespmem:s0+$0xFFFFFFB0]  }
0x26d: {  	v52 =	vld [tilespmem:s0+$0x30]  }
0x26e: {  	v53 =	vld [tilespmem:s15+$0x30]  }
0x26f: {  	v15 =	vld [tilespmem:s14+$0x30]  }
0x270: {  	v0 =	vadd.f32 v11, v0;
	v16 =	vld [tilespmem:s8+$0x30]  }
0x271: {  	v1 =	vadd.f32 v14, v1;
	v18 =	vld [tilespmem:s12+$0x30];
	v4 =	vadd.f32 v4, v50  }
0x272: {  	v2 =	vadd.f32 v47, v2;
	v55 =	vld [tilespmem:s13+$0x30];
	v3 =	vadd.f32 v7, v51  }
0x273: {  	v57 =	vld [tilespmem:s22+$0x30];
	v58 =	vadd.f32 v53, v52;
	v4 =	vadd.f32 v54, v4  }
0x274: {  	v0 =	vadd.f32 v48, v0;
	v59 =	vld [tilespmem:s18+$0x30];
	v3 =	vadd.f32 v15, v3  }
0x275: {  	v8 =	vadd.f32 v16, v58;
	v4 =	vadd.f32 v17, v4  }
0x276: {  	[tilespmem:s24+$0xFFFFFF30] =	vst v2;
	v1 =	vadd.f32 v49, v1;
	v60 =	vadd.f32 v18, v3  }
0x277: {  	[tilespmem:s24+$0xFFFFFFB0] =	vst v0;
	v61 =	vadd.f32 v55, v8;
	v62 =	vadd.f32 v56, v4  }
0x278: {  	[tilespmem:s24+$0x30] =	vst v1;
	v63 =	vadd.f32 v57, v60  }
0x279: {  	s29 =	smul.u32 $0x60, s23;
	v0 =	vadd.f32 v59, v61;
	[tilespmem:s2+$0xFFFFFF30] =	vst v62  }
0x27a: {  	s30 =	simm.s32 $0x0;
	s3 =	rddreg [dreg:$0x5];
	[tilespmem:s2+$0xFFFFFFB0] =	vst v63  }
0x27b: {  	s1 =	sadd.s32 $0x2, s23;
	s0 =	sadd.s32 s3, s29;
	s4 =	rddreg [dreg:$0x6];
	[tilespmem:s2+$0x30] =	vst v0  }
0x27c: {  	s0 =	sshll.u32 s0, $0x4;
	p1 =	sge.u32 s1, s4;
	s2 =	rddreg [dreg:$0x4]  }
0x27d: {  	s31 =	simm.s32 $0x1BD00;
	s0 =	sadd.s32 s2, s0;
	s1 =	smul.u32 @!p1 $0x60, s1  }
0x27e: {  	[hbm4b:s0+s30] =	stream.linear.scatter [tilespmem:s31], [sflag:$0x4], $0x3000, $0x38;
	[tilespmem:$0x1ED00] =	vst v63  }
.Ltmp8:
0x27f: {  	_ = 	snop;
	(pc) =	sbr.rel .LBB2_9-.Ltmp8, $4  }
0x280: {  	s0 =	sadd.s32 @!p1 s3, s1  }
0x281: {  	s1 =	rddreg [dreg:$0x3];
	s0 =	sshll.u32 @!p1 s0, $0x4  }
0x282: {  	s2 =	simm.s32 @!p1 $0x15D00;
	s0 =	sadd.s32 @!p1 s1, s0;
	s1 =	simm.s32 @!p1 $0x0  }
0x283: {  	[tilespmem:s2], [sflag:$0x2] =	stream.linear.gather @!p1 [hbm4b:s0+s1], $0x3000, $0x38;
	[tilespmem:$0x1ED00] =	vst v63  }
.LBB2_10:
0x284: {  	s0 =	simm.s32 $0x3  }
0x285: {  	_ =	swait.ge [sflag:s0], $0x3000  }
.Ltmp9:
0x286: {  	[sflag:s0] =	ssyncset.done $0x0;
	(pc) =	sbr.rel @p0 .LBB2_14-.Ltmp9, $4  }
0x287: {  	s31 =	simm.s32 $0x4;
	[sflag:s0] =	ssyncadd.s32 $0xFFFFD000  }
0x288: {  	_ =	swait.ge [sflag:s31], $0x3000  }
0x289: {  	[sflag:s31] =	ssyncset.done $0x0  }
0x28a: {  	s1 =	rddreg [dreg:$0xc];
	[sflag:s31] =	ssyncadd.s32 $0xFFFFD000  }
0x28b: {  	s0 =	simm.s32 $0x0  }
0x28c: {  	s1 =	rddreg [dreg:$0x9];
	s2 =	simm.s32 $0x12D00;
	s15 =	simm.s32 $0x1  }
0x28d: {  	[tilespmem:s2], [sflag:$0x1] =	stream.linear.gather [hbm4b:s1+s0], $0x2000, $0x38;
	[tilespmem:$0x1ED00] =	vst v63  }
0x28e: {  	_ =	swait.ge [sflag:s15], $0x2000  }
0x28f: {  	[sflag:s15] =	ssyncset.done $0x0  }
0x290: {  	s8 =	simm.s32 $0x12E00;
	[sflag:s15] =	ssyncadd.s32 $0xFFFFE000  }
0x291: {  	v0 =	vld [tilespmem:s8+$0xC0]  }
0x292: {  	v1 =	vld [tilespmem:s8+$0xFFFFFFC0];
	_ =	sdelay $0x1  }
0x293: {  	v2 =	vld [tilespmem:s8+$0xFFFFFF40];
	_ =	sdelay $0x1  }
0x294: {  	v3 =	vld [tilespmem:s8+$0x40];
	v0 =	vtrunc.f32 v0  }
0x295: {  	v1 =	vtrunc.f32 v1;
	v0 =	vcvt.f32.s32 v0  }
0x296: {  	v1 =	vcvt.f32.s32 v1  }
0x297: {  	v2 =	vtrunc.f32 v2;
	(v2sf) =	vpush v0, $0x0  }
0x298: {  	v2 =	vcvt.f32.s32 v2;
	(v2sf) =	vpush v1, $0x0  }
0x299: {  	v3 =	vtrunc.f32 v3;
	(v2sf) =	vpush v0, $0x1  }
0x29a: {  	v3 =	vcvt.f32.s32 v3;
	(v2sf) =	vpush v2, $0x0  }
0x29b: {  	(v2sf) =	vpush v0, $0x2  }
0x29c: {  	(v2sf) =	vpush v3, $0x0  }
0x29d: {  	(v2sf) =	vpush v0, $0x3  }
0x29e: {  	(v2sf) =	vpush v2, $0x1  }
0x29f: {  	v4 =	vld [tilespmem:s8+$0xFFFFFF80];
	(v2sf) =	vpush v1, $0x1  }
0x2a0: {  	s0 =	simm.s32 $0x13000;
	v5 =	vld [tilespmem:s8+$0x80];
	(v2sf) =	vpush v3, $0x1  }
0x2a1: {  	v15 =	vld [tilespmem:s0+$0xFFFFFFC0];
	(v2sf) =	vpush v2, $0x2  }
0x2a2: {  	v17 =	vld [tilespmem:s0+$0x80];
	(v2sf) =	vpush v1, $0x2  }
0x2a3: {  	v21 =	vld [tilespmem:s0+$0xFFFFFF00];
	(v2sf) =	vpush v3, $0x2  }
0x2a4: {  	v62 =	vld [tilespmem:s0+$0xFFFFFF80];
	(v2sf) =	vpush v2, $0x3  }
0x2a5: {  	v63 =	vld [tilespmem:s0+$0x0]  }
0x2a6: {  	v0 =	vld [tilespmem:s8+$0xFFFFFF00];
	s3 =	spop (v2sf)  }
0x2a7: {  	(v2sf) =	vpush v1, $0x3;
	v1 =	vld [tilespmem:s3+$0x0];
	s9 =	spop (v2sf)  }
0x2a8: {  	v2 =	vld [tilespmem:s8+$0x0];
	s4 =	spop (v2sf)  }
0x2a9: {  	(v2sf) =	vpush v3, $0x3;
	v3 =	vld [tilespmem:s4+$0x0];
	s11 =	spop (v2sf)  }
0x2aa: {  	v6 =	vld [tilespmem:s9+$0x0];
	s16 =	spop (v2sf)  }
0x2ab: {  	v8 =	vld [tilespmem:s16+$0x0];
	s10 =	spop (v2sf)  }
0x2ac: {  	v7 =	vld [tilespmem:s11+$0x0];
	v1 =	vadd.f32 v1, v5;
	s20 =	spop (v2sf)  }
0x2ad: {  	v5 =	vld [tilespmem:s20+$0x0];
	s13 =	spop (v2sf)  }
0x2ae: {  	v9 =	vld [tilespmem:s10+$0x0];
	v1 =	vadd.f32 v3, v1;
	s18 =	spop (v2sf)  }
0x2af: {  	v10 =	vld [tilespmem:s13+$0x0];
	s19 =	spop (v2sf)  }
0x2b0: {  	v3 =	vld [tilespmem:s18+$0x0];
	v1 =	vadd.f32 v8, v1;
	s17 =	spop (v2sf)  }
0x2b1: {  	v11 =	vld [tilespmem:s19+$0x0];
	s24 =	spop (v2sf)  }
0x2b2: {  	v8 =	vld [tilespmem:s17+$0x0];
	v1 =	vadd.f32 v5, v1;
	s25 =	spop (v2sf)  }
0x2b3: {  	s23 =	simm.s32 $0x18E00;
	v12 =	vld [tilespmem:s24+$0x0];
	s26 =	spop (v2sf)  }
0x2b4: {  	v0 =	vadd.f32 v7, v0;
	v7 =	vld [tilespmem:s26+$0x0];
	[tilespmem:s23+$0x80] =	vst v1  }
0x2b5: {  	v1 =	vld [tilespmem:s8+$0x90]  }
0x2b6: {  	v4 =	vadd.f32 v6, v4;
	v0 =	vadd.f32 v10, v0;
	s28 =	spop (v2sf);
	v6 =	vld [tilespmem:s3+$0x10]  }
0x2b7: {  	v2 =	vadd.f32 v9, v2;
	v9 =	vld [tilespmem:s28+$0x0]  }
0x2b8: {  	v5 =	vld [tilespmem:s25+$0x0];
	v3 =	vadd.f32 v3, v4;
	v0 =	vadd.f32 v8, v0  }
0x2b9: {  	v4 =	vld [tilespmem:s4+$0x10];
	s29 =	spop (v2sf)  }
0x2ba: {  	v3 =	vadd.f32 v12, v3;
	v8 =	vld [tilespmem:s29+$0x0];
	v0 =	vadd.f32 v7, v0  }
0x2bb: {  	v2 =	vadd.f32 v11, v2;
	v7 =	vld [tilespmem:s16+$0x10]  }
0x2bc: {  	v1 =	vadd.f32 v6, v1;
	[tilespmem:s23+$0xFFFFFF00] =	vst v0;
	v0 =	vadd.f32 v9, v3;
	v3 =	vld [tilespmem:s20+$0x10]  }
0x2bd: {  	v2 =	vadd.f32 v5, v2;
	v5 =	vld [tilespmem:s8+$0xFFFFFF10]  }
0x2be: {  	v1 =	vadd.f32 v4, v1;
	v4 =	vld [tilespmem:s11+$0x10]  }
0x2bf: {  	v13 =	vld [tilespmem:s17+$0x10];
	[tilespmem:s23+$0xFFFFFF80] =	vst v0  }
0x2c0: {  	v0 =	vadd.f32 v8, v2;
	v2 =	vld [tilespmem:s8+$0xFFFFFF90]  }
0x2c1: {  	v6 =	vld [tilespmem:s9+$0x10]  }
0x2c2: {  	v1 =	vadd.f32 v7, v1;
	v7 =	vld [tilespmem:s13+$0x10]  }
0x2c3: {  	v9 =	vld [tilespmem:s18+$0x10]  }
0x2c4: {  	v16 =	vld [tilespmem:s24+$0x10];
	[tilespmem:s23+$0x0] =	vst v0;
	v1 =	vadd.f32 v3, v1  }
0x2c5: {  	v0 =	vld [tilespmem:s8+$0x10]  }
0x2c6: {  	v3 =	vld [tilespmem:s10+$0x10];
	[tilespmem:s23+$0x90] =	vst v1  }
0x2c7: {  	v1 =	vld [tilespmem:s8+$0xA0]  }
0x2c8: {  	v4 =	vadd.f32 v4, v5;
	v8 =	vld [tilespmem:s3+$0x20]  }
0x2c9: {  	v11 =	vld [tilespmem:s19+$0x10]  }
0x2ca: {  	v10 =	vld [tilespmem:s4+$0x20];
	v4 =	vadd.f32 v7, v4  }
0x2cb: {  	v55 =	vld [tilespmem:s16+$0x20];
	v2 =	vadd.f32 v6, v2  }
0x2cc: {  	v3 =	vadd.f32 v3, v0;
	v0 =	vadd.f32 v13, v4;
	v4 =	vld [tilespmem:s28+$0x10]  }
0x2cd: {  	v2 =	vadd.f32 v9, v2;
	v1 =	vadd.f32 v8, v1;
	v8 =	vld [tilespmem:s0+$0xC0]  }
0x2ce: {  	v14 =	vld [tilespmem:s20+$0x20];
	v3 =	vadd.f32 v11, v3  }
0x2cf: {  	v5 =	vld [tilespmem:s0+$0xFFFFFF40];
	v11 =	vadd.f32 v16, v2;
	v1 =	vadd.f32 v10, v1  }
0x2d0: {  	v6 =	vld [tilespmem:s0+$0x40]  }
0x2d1: {  	v10 =	vld [tilespmem:s26+$0x10];
	v4 =	vadd.f32 v4, v11;
	v1 =	vadd.f32 v55, v1  }
0x2d2: {  	v9 =	vld [tilespmem:s29+$0x10];
	v7 =	vtrunc.f32 v8  }
0x2d3: {  	v56 =	vtrunc.f32 v15;
	[tilespmem:s23+$0xFFFFFF90] =	vst v4;
	v8 =	vld [tilespmem:s25+$0x10];
	v1 =	vadd.f32 v14, v1;
	v7 =	vcvt.f32.s32 v7  }
0x2d4: {  	v12 =	vcvt.f32.s32 v56;
	v59 =	vld [tilespmem:s18+$0x20]  }
0x2d5: {  	v25 =	vld [tilespmem:s28+$0x20];
	[tilespmem:s23+$0xA0] =	vst v1;
	v1 =	vtrunc.f32 v5;
	(v2sf) =	vpush v7, $0x0  }
0x2d6: {  	v5 =	vadd.f32 v10, v0;
	v0 =	vld [tilespmem:s8+$0xB0];
	v10 =	vcvt.f32.s32 v1;
	(v2sf) =	vpush v12, $0x0  }
0x2d7: {  	v6 =	vtrunc.f32 v6;
	v1 =	vld [tilespmem:s3+$0x30];
	(v2sf) =	vpush v7, $0x1  }
0x2d8: {  	v2 =	vld [tilespmem:s4+$0x30];
	[tilespmem:s23+$0xFFFFFF10] =	vst v5;
	v5 =	vcvt.f32.s32 v6;
	(v2sf) =	vpush v10, $0x0  }
0x2d9: {  	v4 =	vld [tilespmem:s20+$0x30];
	(v2sf) =	vpush v7, $0x2  }
0x2da: {  	v6 =	vadd.f32 v8, v3;
	v3 =	vld [tilespmem:s16+$0x30];
	(v2sf) =	vpush v5, $0x0  }
0x2db: {  	v8 =	vld [tilespmem:s8+$0xFFFFFF20];
	(v2sf) =	vpush v7, $0x3  }
0x2dc: {  	v11 =	vld [tilespmem:s11+$0x20]  }
0x2dd: {  	v58 =	vld [tilespmem:s13+$0x20]  }
0x2de: {  	v19 =	vld [tilespmem:s17+$0x20]  }
0x2df: {  	v22 =	vld [tilespmem:s26+$0x20];
	v6 =	vadd.f32 v9, v6  }
0x2e0: {  	v7 =	vld [tilespmem:s8+$0xFFFFFFA0]  }
0x2e1: {  	[tilespmem:s23+$0x10] =	vst v6;
	v6 =	vld [tilespmem:s9+$0x20]  }
0x2e2: {  	v9 =	vld [tilespmem:s8+$0x20]  }
0x2e3: {  	v57 =	vld [tilespmem:s10+$0x20];
	v8 =	vadd.f32 v11, v8  }
0x2e4: {  	v60 =	vld [tilespmem:s19+$0x20];
	s21 =	spop (v2sf)  }
0x2e5: {  	v8 =	vadd.f32 v58, v8;
	v18 =	vld [tilespmem:s21+$0x0];
	s30 =	spop (v2sf)  }
0x2e6: {  	v26 =	vld [tilespmem:s25+$0x20];
	s16 =	spop (v2sf)  }
0x2e7: {  	v6 =	vadd.f32 v6, v7;
	v7 =	vadd.f32 v19, v8;
	v20 =	vld [tilespmem:s16+$0x0];
	s15 =	spop (v2sf)  }
0x2e8: {  	(v2sf) =	vpush v10, $0x1;
	v8 =	vld [tilespmem:s24+$0x20];
	s22 =	spop (v2sf)  }
0x2e9: {  	(v2sf) =	vpush v12, $0x1;
	v7 =	vadd.f32 v22, v7;
	v11 =	vld [tilespmem:s22+$0x0];
	s1 =	spop (v2sf)  }
0x2ea: {  	v27 =	vld [tilespmem:s29+$0x20];
	v9 =	vadd.f32 v57, v9;
	v17 =	vadd.f32 v18, v17;
	s5 =	spop (v2sf)  }
0x2eb: {  	v6 =	vadd.f32 v59, v6;
	(v2sf) =	vpush v5, $0x1;
	[tilespmem:s23+$0xFFFFFF20] =	vst v7;
	v61 =	vld [tilespmem:s5+$0x0]  }
0x2ec: {  	(v2sf) =	vpush v10, $0x2;
	v7 =	vld [tilespmem:s8+$0xFFFFFF30];
	v17 =	vadd.f32 v20, v17  }
0x2ed: {  	v6 =	vadd.f32 v8, v6;
	v28 =	vld [tilespmem:s11+$0x30];
	(v2sf) =	vpush v12, $0x2  }
0x2ee: {  	v40 =	vld [tilespmem:s13+$0x30];
	(v2sf) =	vpush v5, $0x2;
	v11 =	vadd.f32 v11, v17  }
0x2ef: {  	v45 =	vld [tilespmem:s17+$0x30];
	v6 =	vadd.f32 v25, v6;
	(v2sf) =	vpush v10, $0x3  }
0x2f0: {  	v32 =	vld [tilespmem:s15+$0x0];
	(v2sf) =	vpush v12, $0x3;
	v11 =	vadd.f32 v61, v11  }
0x2f1: {  	s2 =	simm.s32 $0x19000;
	[tilespmem:s23+$0xFFFFFFA0] =	vst v6;
	(v2sf) =	vpush v5, $0x3;
	v5 =	vld [tilespmem:s1+$0x0]  }
0x2f2: {  	v8 =	vadd.f32 v60, v9;
	v29 =	vld [tilespmem:s8+$0xFFFFFFB0];
	[tilespmem:s2+$0x80] =	vst v11  }
0x2f3: {  	v9 =	vld [tilespmem:s0+$0x90]  }
0x2f4: {  	v8 =	vadd.f32 v26, v8;
	v11 =	vld [tilespmem:s21+$0x10]  }
0x2f5: {  	v31 =	vld [tilespmem:s9+$0x30]  }
0x2f6: {  	v8 =	vadd.f32 v27, v8;
	v6 =	vld [tilespmem:s16+$0x10]  }
0x2f7: {  	v42 =	vld [tilespmem:s18+$0x30]  }
0x2f8: {  	[tilespmem:s23+$0x20] =	vst v8;
	v30 =	vld [tilespmem:s22+$0x10]  }
0x2f9: {  	v10 =	vld [tilespmem:s8+$0x30];
	v9 =	vadd.f32 v11, v9  }
0x2fa: {  	v8 =	vld [tilespmem:s5+$0x10]  }
0x2fb: {  	v6 =	vadd.f32 v6, v9;
	v9 =	vld [tilespmem:s10+$0x30];
	s10 =	spop (v2sf)  }
0x2fc: {  	v11 =	vld [tilespmem:s30+$0x0];
	s11 =	spop (v2sf)  }
0x2fd: {  	v6 =	vadd.f32 v30, v6;
	v33 =	vld [tilespmem:s11+$0x0];
	s8 =	spop (v2sf)  }
0x2fe: {  	v35 =	vld [tilespmem:s8+$0x0]  }
0x2ff: {  	s9 =	spop (v2sf);
	v6 =	vadd.f32 v8, v6;
	v8 =	vld [tilespmem:s10+$0x0]  }
0x300: {  	v23 =	vld [tilespmem:s9+$0x0];
	s14 =	spop (v2sf)  }
0x301: {  	v25 =	vld [tilespmem:s14+$0x0];
	s31 =	spop (v2sf)  }
0x302: {  	v12 =	vadd.f32 v32, v21;
	v38 =	vld [tilespmem:s31+$0x0];
	s12 =	spop (v2sf)  }
0x303: {  	[tilespmem:s2+$0x90] =	vst v6;
	v39 =	vld [tilespmem:s12+$0x0]  }
0x304: {  	v6 =	vld [tilespmem:s0+$0xA0];
	v8 =	vadd.f32 v8, v12  }
0x305: {  	v11 =	vadd.f32 v11, v62;
	v34 =	vld [tilespmem:s21+$0x20];
	s13 =	spop (v2sf)  }
0x306: {  	v41 =	vld [tilespmem:s13+$0x0];
	v8 =	vadd.f32 v23, v8  }
0x307: {  	v5 =	vadd.f32 v5, v63;
	v36 =	vld [tilespmem:s16+$0x20];
	v11 =	vadd.f32 v33, v11;
	s18 =	spop (v2sf)  }
0x308: {  	v43 =	vld [tilespmem:s18+$0x0];
	v8 =	vadd.f32 v39, v8  }
0x309: {  	v24 =	vld [tilespmem:s22+$0x20];
	v5 =	vadd.f32 v35, v5;
	v11 =	vadd.f32 v25, v11  }
0x30a: {  	v37 =	vld [tilespmem:s5+$0x20];
	[tilespmem:s2+$0xFFFFFF00] =	vst v8  }
0x30b: {  	v5 =	vadd.f32 v38, v5;
	v8 =	vadd.f32 v41, v11;
	v11 =	vld [tilespmem:s0+$0xFFFFFF10]  }
0x30c: {  	v46 =	vld [tilespmem:s15+$0x10]  }
0x30d: {  	v5 =	vadd.f32 v43, v5;
	v48 =	vld [tilespmem:s10+$0x10]  }
0x30e: {  	v50 =	vld [tilespmem:s9+$0x10]  }
0x30f: {  	[tilespmem:s2+$0x0] =	vst v5;
	v52 =	vld [tilespmem:s12+$0x10]  }
0x310: {  	v5 =	vld [tilespmem:s0+$0x10]  }
0x311: {  	v6 =	vadd.f32 v34, v6;
	[tilespmem:s2+$0xFFFFFF80] =	vst v8;
	v49 =	vld [tilespmem:s1+$0x10]  }
0x312: {  	v8 =	vld [tilespmem:s0+$0xFFFFFF90]  }
0x313: {  	v6 =	vadd.f32 v36, v6;
	v47 =	vld [tilespmem:s30+$0x10]  }
0x314: {  	v53 =	vld [tilespmem:s8+$0x10]  }
0x315: {  	v6 =	vadd.f32 v24, v6;
	v51 =	vld [tilespmem:s11+$0x10]  }
0x316: {  	v55 =	vld [tilespmem:s31+$0x10];
	v11 =	vadd.f32 v46, v11  }
0x317: {  	v6 =	vadd.f32 v37, v6;
	v54 =	vld [tilespmem:s14+$0x10];
	v5 =	vadd.f32 v49, v5  }
0x318: {  	v57 =	vld [tilespmem:s18+$0x10];
	v11 =	vadd.f32 v48, v11;
	v8 =	vadd.f32 v47, v8  }
0x319: {  	v56 =	vld [tilespmem:s13+$0x10];
	v5 =	vadd.f32 v53, v5  }
0x31a: {  	v44 =	vld [tilespmem:s19+$0x30];
	[tilespmem:s2+$0xA0] =	vst v6;
	v11 =	vadd.f32 v50, v11;
	v8 =	vadd.f32 v51, v8  }
0x31b: {  	v0 =	vadd.f32 v1, v0;
	v6 =	vld [tilespmem:s21+$0x30];
	v1 =	vadd.f32 v55, v5  }
0x31c: {  	v58 =	vld [tilespmem:s0+$0xB0];
	v11 =	vadd.f32 v52, v11;
	v8 =	vadd.f32 v54, v8  }
0x31d: {  	v59 =	vld [tilespmem:s16+$0x30]  }
0x31e: {  	v1 =	vadd.f32 v57, v1;
	[tilespmem:s2+$0xFFFFFF10] =	vst v11;
	v5 =	vadd.f32 v56, v8;
	v8 =	vld [tilespmem:s22+$0x30]  }
0x31f: {  	v11 =	vld [tilespmem:s0+$0xFFFFFF20]  }
0x320: {  	v0 =	vadd.f32 v2, v0;
	v60 =	vld [tilespmem:s15+$0x20];
	[tilespmem:s2+$0x10] =	vst v1  }
0x321: {  	v2 =	vadd.f32 v6, v58;
	[tilespmem:s2+$0xFFFFFF90] =	vst v5;
	v5 =	vld [tilespmem:s5+$0x30]  }
0x322: {  	v0 =	vadd.f32 v3, v0;
	v3 =	vld [tilespmem:s0+$0x20]  }
0x323: {  	v1 =	vadd.f32 v59, v2;
	v61 =	vld [tilespmem:s0+$0xFFFFFFA0]  }
0x324: {  	v2 =	vadd.f32 v4, v0;
	v0 =	vadd.f32 v28, v7;
	v62 =	vld [tilespmem:s30+$0x20]  }
0x325: {  	v6 =	vadd.f32 v31, v29;
	v4 =	vld [tilespmem:s1+$0x20];
	v1 =	vadd.f32 v8, v1  }
0x326: {  	v7 =	vld [tilespmem:s10+$0x20];
	v8 =	vadd.f32 v9, v10;
	v9 =	vadd.f32 v40, v0  }
0x327: {  	v0 =	vadd.f32 v42, v6;
	v63 =	vadd.f32 v5, v1;
	v5 =	vld [tilespmem:s11+$0x20]  }
0x328: {  	[tilespmem:s23+$0xB0] =	vst v2;
	v6 =	vld [tilespmem:s8+$0x20];
	v1 =	vadd.f32 v44, v8;
	v2 =	vadd.f32 v45, v9  }
0x329: {  	s17 =	simm.s32 $0x13200;
	s19 =	simm.s32 $0x4;
	v9 =	vadd.f32 v60, v11;
	v8 =	vld [tilespmem:s9+$0x20];
	v10 =	vadd.f32 v62, v61;
	[tilespmem:s2+$0xB0] =	vst v63  }
.LBB2_12:
0x32a: {  	v11 =	vld [tilespmem:s17+$0xC0];
	v3 =	vadd.f32 v4, v3  }
0x32b: {  	v7 =	vadd.f32 v7, v9;
	v4 =	vld [tilespmem:s17+$0xFFFFFFC0]  }
0x32c: {  	v5 =	vadd.f32 v5, v10;
	v9 =	vld [tilespmem:s17+$0x40]  }
0x32d: {  	s19 =	sadd.s32 $0x4, s19;
	v3 =	vadd.f32 v6, v3;
	v10 =	vld [tilespmem:s17+$0xFFFFFF40]  }
0x32e: {  	p1 =	slt.u32 s19, $0x3C;
	v7 =	vadd.f32 v8, v7;
	v6 =	vld [tilespmem:s17+$0xFFFFFF00]  }
0x32f: {  	v8 =	vld [tilespmem:s17+$0xFFFFFF80];
	v11 =	vtrunc.f32 v11  }
0x330: {  	v4 =	vtrunc.f32 v4;
	v12 =	vld [tilespmem:s17+$0x0];
	v11 =	vcvt.f32.s32 v11  }
0x331: {  	v4 =	vcvt.f32.s32 v4;
	v9 =	vtrunc.f32 v9;
	v13 =	vld [tilespmem:s14+$0x20]  }
0x332: {  	v10 =	vtrunc.f32 v10;
	v9 =	vcvt.f32.s32 v9;
	(v2sf) =	vpush v11, $0x0;
	v14 =	vld [tilespmem:s31+$0x20]  }
0x333: {  	v10 =	vcvt.f32.s32 v10;
	(v2sf) =	vpush v4, $0x0;
	v15 =	vld [tilespmem:s12+$0x20]  }
0x334: {  	(v2sf) =	vpush v11, $0x1;
	v16 =	vld [tilespmem:s13+$0x20]  }
0x335: {  	(v2sf) =	vpush v10, $0x0;
	v17 =	vld [tilespmem:s18+$0x20]  }
0x336: {  	(v2sf) =	vpush v11, $0x2;
	v5 =	vadd.f32 v13, v5;
	v13 =	vld [tilespmem:s24+$0x30];
	s24 =	smov.u32 s14  }
0x337: {  	(v2sf) =	vpush v9, $0x0;
	v3 =	vadd.f32 v14, v3;
	v14 =	vld [tilespmem:s25+$0x30];
	s25 =	smov.u32 s31  }
0x338: {  	(v2sf) =	vpush v11, $0x3;
	v7 =	vadd.f32 v15, v7;
	v11 =	vld [tilespmem:s26+$0x30];
	s26 =	smov.u32 s12  }
0x339: {  	(v2sf) =	vpush v10, $0x1;
	v5 =	vadd.f32 v16, v5;
	v15 =	vld [tilespmem:s28+$0x30];
	s28 =	smov.u32 s13  }
0x33a: {  	(v2sf) =	vpush v4, $0x1;
	[tilespmem:s2+$0xFFFFFF20] =	vst v7;
	v3 =	vadd.f32 v17, v3;
	v7 =	vld [tilespmem:s29+$0x30];
	s29 =	smov.u32 s18  }
0x33b: {  	(v2sf) =	vpush v9, $0x1;
	v16 =	vld [tilespmem:s0+$0xFFFFFF30];
	[tilespmem:s2+$0xFFFFFFA0] =	vst v5;
	v0 =	vadd.f32 v13, v0  }
0x33c: {  	(v2sf) =	vpush v10, $0x2;
	v5 =	vld [tilespmem:s15+$0x30];
	[tilespmem:s2+$0x20] =	vst v3;
	v1 =	vadd.f32 v14, v1  }
0x33d: {  	(v2sf) =	vpush v4, $0x2;
	v3 =	vld [tilespmem:s0+$0xFFFFFFB0];
	v2 =	vadd.f32 v11, v2  }
0x33e: {  	(v2sf) =	vpush v9, $0x2;
	v11 =	vld [tilespmem:s30+$0x30];
	v0 =	vadd.f32 v15, v0  }
0x33f: {  	(v2sf) =	vpush v10, $0x3;
	v10 =	vld [tilespmem:s0+$0x30];
	[tilespmem:s23+$0xFFFFFF30] =	vst v2;
	v1 =	vadd.f32 v7, v1;
	s0 =	smov.u32 s17  }
0x340: {  	(v2sf) =	vpush v4, $0x3;
	v2 =	vld [tilespmem:s1+$0x30];
	[tilespmem:s23+$0xFFFFFFB0] =	vst v0  }
0x341: {  	v4 =	vld [tilespmem:s17+$0x80];
	(v2sf) =	vpush v9, $0x3;
	s3 =	spop (v2sf);
	v5 =	vadd.f32 v5, v16;
	[tilespmem:s23+$0x30] =	vst v1;
	s23 =	smov.u32 s2  }
0x342: {  	v7 =	vld [tilespmem:s3+$0x0];
	s30 =	spop (v2sf)  }
0x343: {  	v9 =	vld [tilespmem:s30+$0x0];
	s16 =	spop (v2sf);
	v0 =	vadd.f32 v11, v3  }
0x344: {  	v3 =	vld [tilespmem:s16+$0x0];
	s15 =	spop (v2sf)  }
0x345: {  	v11 =	vld [tilespmem:s15+$0x0];
	s20 =	spop (v2sf);
	v1 =	vadd.f32 v2, v10  }
0x346: {  	v2 =	vld [tilespmem:s20+$0x0];
	s1 =	spop (v2sf)  }
0x347: {  	v10 =	vld [tilespmem:s1+$0x0];
	v4 =	vadd.f32 v7, v4;
	s5 =	spop (v2sf)  }
0x348: {  	v7 =	vadd.f32 v9, v8;
	v8 =	vld [tilespmem:s5+$0x0];
	s21 =	spop (v2sf)  }
0x349: {  	v9 =	vld [tilespmem:s21+$0x0];
	v3 =	vadd.f32 v3, v4;
	s6 =	spop (v2sf)  }
0x34a: {  	v4 =	vadd.f32 v11, v6;
	v6 =	vld [tilespmem:s6+$0x0];
	s7 =	spop (v2sf)  }
0x34b: {  	v11 =	vld [tilespmem:s7+$0x0];
	v2 =	vadd.f32 v2, v3;
	s4 =	spop (v2sf)  }
0x34c: {  	v3 =	vld [tilespmem:s4+$0x0];
	v10 =	vadd.f32 v10, v12;
	s14 =	spop (v2sf)  }
0x34d: {  	v12 =	vld [tilespmem:s14+$0x0];
	v2 =	vadd.f32 v8, v2;
	s31 =	spop (v2sf)  }
0x34e: {  	s2 =	sadd.s32 $0x200, s2;
	v4 =	vadd.f32 v9, v4;
	v8 =	vld [tilespmem:s31+$0x0];
	s12 =	spop (v2sf)  }
0x34f: {  	v9 =	vld [tilespmem:s12+$0x0];
	v6 =	vadd.f32 v6, v7;
	[tilespmem:s2+$0x80] =	vst v2;
	s13 =	spop (v2sf)  }
0x350: {  	v2 =	vadd.f32 v11, v10;
	v7 =	vld [tilespmem:s17+$0x90];
	s18 =	spop (v2sf)  }
0x351: {  	v3 =	vadd.f32 v3, v4;
	v4 =	vld [tilespmem:s3+$0x10]  }
0x352: {  	v6 =	vadd.f32 v12, v6;
	v10 =	vld [tilespmem:s13+$0x0]  }
0x353: {  	v2 =	vadd.f32 v8, v2;
	v8 =	vld [tilespmem:s16+$0x10]  }
0x354: {  	v3 =	vadd.f32 v9, v3;
	v9 =	vld [tilespmem:s18+$0x0]  }
0x355: {  	v11 =	vld [tilespmem:s20+$0x10]  }
0x356: {  	[tilespmem:s2+$0xFFFFFF00] =	vst v3;
	v3 =	vadd.f32 v4, v7;
	v4 =	vld [tilespmem:s10+$0x30];
	s10 =	smov.u32 s21  }
0x357: {  	v6 =	vadd.f32 v10, v6;
	v7 =	vld [tilespmem:s5+$0x10]  }
0x358: {  	v10 =	vld [tilespmem:s17+$0xFFFFFF10];
	v3 =	vadd.f32 v8, v3  }
0x359: {  	v8 =	vld [tilespmem:s15+$0x10];
	[tilespmem:s2+$0xFFFFFF80] =	vst v6;
	v2 =	vadd.f32 v9, v2  }
0x35a: {  	v6 =	vld [tilespmem:s17+$0xFFFFFF90];
	v3 =	vadd.f32 v11, v3  }
0x35b: {  	v9 =	vld [tilespmem:s30+$0x10];
	[tilespmem:s2+$0x0] =	vst v2;
	v2 =	vadd.f32 v4, v5  }
0x35c: {  	v4 =	vld [tilespmem:s17+$0x10];
	v3 =	vadd.f32 v7, v3  }
0x35d: {  	v5 =	vld [tilespmem:s1+$0x10]  }
0x35e: {  	v7 =	vadd.f32 v8, v10;
	v8 =	vld [tilespmem:s10+$0x10];
	[tilespmem:s2+$0x90] =	vst v3  }
0x35f: {  	v3 =	vld [tilespmem:s17+$0xA0]  }
0x360: {  	v6 =	vadd.f32 v9, v6;
	v9 =	vld [tilespmem:s3+$0x20]  }
0x361: {  	v10 =	vld [tilespmem:s6+$0x10]  }
0x362: {  	v4 =	vadd.f32 v5, v4;
	v5 =	vld [tilespmem:s16+$0x20]  }
0x363: {  	v7 =	vadd.f32 v8, v7;
	v8 =	vld [tilespmem:s7+$0x10]  }
0x364: {  	v11 =	vld [tilespmem:s20+$0x20]  }
0x365: {  	v12 =	vld [tilespmem:s4+$0x10];
	v3 =	vadd.f32 v9, v3  }
0x366: {  	v6 =	vadd.f32 v10, v6;
	v9 =	vld [tilespmem:s5+$0x20]  }
0x367: {  	v10 =	vld [tilespmem:s14+$0x10];
	v3 =	vadd.f32 v5, v3  }
0x368: {  	v4 =	vadd.f32 v8, v4;
	v5 =	vld [tilespmem:s31+$0x10]  }
0x369: {  	v8 =	vld [tilespmem:s12+$0x10];
	v3 =	vadd.f32 v11, v3  }
0x36a: {  	v7 =	vadd.f32 v12, v7;
	v11 =	vld [tilespmem:s13+$0x10]  }
0x36b: {  	v12 =	vld [tilespmem:s18+$0x10];
	v3 =	vadd.f32 v9, v3  }
0x36c: {  	v6 =	vadd.f32 v10, v6;
	v9 =	vld [tilespmem:s11+$0x30];
	s11 =	smov.u32 s6  }
0x36d: {  	v4 =	vadd.f32 v5, v4;
	[tilespmem:s2+$0xA0] =	vst v3;
	v3 =	vld [tilespmem:s8+$0x30];
	s8 =	smov.u32 s7  }
0x36e: {  	v5 =	vadd.f32 v8, v7;
	v7 =	vld [tilespmem:s17+$0xB0]  }
0x36f: {  	v6 =	vadd.f32 v11, v6;
	v8 =	vld [tilespmem:s3+$0x30]  }
0x370: {  	[tilespmem:s2+$0xFFFFFF10] =	vst v5;
	v4 =	vadd.f32 v12, v4;
	v5 =	vld [tilespmem:s9+$0x30];
	s9 =	smov.u32 s4  }
0x371: {  	[tilespmem:s2+$0xFFFFFF90] =	vst v6;
	v6 =	vld [tilespmem:s16+$0x30];
	v0 =	vadd.f32 v9, v0  }
0x372: {  	v9 =	vld [tilespmem:s17+$0xFFFFFF20];
	[tilespmem:s2+$0x10] =	vst v4;
	v1 =	vadd.f32 v3, v1  }
0x373: {  	v4 =	vld [tilespmem:s20+$0x30]  }
0x374: {  	v10 =	vld [tilespmem:s15+$0x20];
	v3 =	vadd.f32 v8, v7  }
0x375: {  	v8 =	vld [tilespmem:s5+$0x30];
	v2 =	vadd.f32 v5, v2  }
0x376: {  	v11 =	vld [tilespmem:s17+$0xFFFFFFA0];
	v5 =	vadd.f32 v6, v3  }
0x377: {  	v6 =	vld [tilespmem:s30+$0x20]  }
0x378: {  	v3 =	vld [tilespmem:s17+$0x20];
	v5 =	vadd.f32 v4, v5  }
.Ltmp10:
0x379: {  	v9 =	vadd.f32 v10, v9;
	v4 =	vld [tilespmem:s1+$0x20];
	(pc) =	sbr.rel @p1 .LBB2_12-.Ltmp10, $4  }
0x37a: {  	v7 =	vld [tilespmem:s10+$0x20];
	v8 =	vadd.f32 v8, v5  }
0x37b: {  	v5 =	vld [tilespmem:s11+$0x20]  }
0x37c: {  	v10 =	vadd.f32 v6, v11;
	v6 =	vld [tilespmem:s8+$0x20];
	[tilespmem:s2+$0xB0] =	vst v8  }
0x37d: {  	s17 =	sadd.s32 $0x200, s17;
	v8 =	vld [tilespmem:s9+$0x20]  }
.Ltmp11:
0x37e: {  	_ = 	snop;
	(pc) =	sbr.rel .LBB2_13-.Ltmp11, $1  }
0x37f: {  	_ =	sdelay $0x3  }
.LBB2_15:
0x380: {  	_ =	sfence.sel $0x180000  }
0x381: {  	[bflag:$0x0] =	sbarrier.arrive $0xFFFF  }
0x382: {  	_ =	strace $0x90000047  }
0x383: {  	s0 =	stileid.u32;
	[bflag:$0x2] =	sbarrier.arrive $0xFFFF  }
0x384: {  	p0 =	sne.s32 s0, $0x0;
	s0 =	rddreg [dreg:$0x2]  }
0x385: {  	s0 =	sadd.s32 @!p0 $0x100000, s0  }
0x386: {  	[sflag:s0] =	ssyncadd.tile.s32 @!p0 $0x1;
	_ =	shalt  }
.Lfunc_end2:
_tile_overlayer_lowered:
.L_overlay_start_2:
0x387: {  	(tag) =	ssettag $0x2  }
0x388: {  	s0 =	rddreg [dreg:$0x0];
	s2 =	stileid.u32  }
0x389: {  	s1 =	rddreg [dreg:$0x1];
	p0 =	sne.s32 s2, $0x0  }
0x38a: {  	s3 =	rddreg [dreg:$0x2];
	[bflag:$0x3] =	sbarrier.arrive $0xFFFF;
	s2 =	simm.s32 @!p0 $0x1C05  }
0x38b: {  	[timem:s3], [sflag:s2] =	dma.local @!p0 [hbm:s0], s1  }
0x38c: {  	s0 =	simm.s32 @!p0 $0x5  }
0x38d: {  	_ =	swait.ge @!p0 [sflag:s0], s1  }
0x38e: {  	s1 =	ssub.s32 @!p0 $0x0, s1;
	[sflag:s0] =	ssyncset.done @!p0 $0x0  }
0x38f: {  	[sflag:s0] =	ssyncadd.s32 @!p0 s1  }
0x390: {  	[bflag:$0x3] =	sbarrier.arrive $0xFFFF  }
0x391: {  	_ =	shalt  }

</sc_bundles>
